<compile_context>
chip_gen: v7x
topology: tpu7x:2x2x1
jax: 0.10.2.dev20260603
libtpu: 0.0.44.dev20260713+nightly
codegen_flags: <defaults>
</compile_context>

<pallas_src>
import functools

import jax
import jax.numpy as jnp
from jax import lax
from jax.experimental import pallas as pl
from jax.experimental.pallas import tpu as pltpu
from jax.experimental.pallas import tpu_sc as plsc

N = 10000
NP = 10240
E = 320000
D_IN = 128
DH = 16
D_OUT = 7
NEG = 0.2

NC = 2
NS = 16
NW = NC * NS
EW = E // NW
C = 80
CHUNKS = EW // C
ROWS_PER_TILE = NP // NS



def _prep1_body(x_ref, w1_ref, as1_ref, ad1_ref, ew_ref,
                h_ref, a1s_ref, a1d_ref, lew_ref):
    h = jnp.dot(x_ref[:], w1_ref[:], preferred_element_type=jnp.float32)
    h_ref[:] = h
    a1s_ref[:] = jnp.dot(h, as1_ref[:], preferred_element_type=jnp.float32)
    a1d_ref[:] = jnp.dot(h, ad1_ref[:], preferred_element_type=jnp.float32)
    lew_ref[:] = jnp.log2(ew_ref[:])


def _comb1_body(op_ref, sp_ref, a1s_ref, a1d_ref, h1_ref, b1_ref,
                w2_ref, as2_ref, ad2_ref,
                h2_ref, a2s_ref, a2d_ref):
    a = a1s_ref[:] + a1d_ref[:]
    selfw = jnp.exp(jnp.where(a >= 0, a, a * NEG))
    s = (sp_ref[0, :] + sp_ref[1, :]).reshape(NP, 1) + selfw
    op = op_ref[:]
    num = op[:NP] + op[NP:] + selfw * h1_ref[:]
    z = jnp.maximum(num / s + b1_ref[:], 0.0)
    h2 = jnp.dot(z, w2_ref[:], preferred_element_type=jnp.float32)
    h2_ref[:] = h2
    a2s_ref[:] = jnp.dot(h2, as2_ref[:], preferred_element_type=jnp.float32)
    a2d_ref[:] = jnp.dot(h2, ad2_ref[:], preferred_element_type=jnp.float32)


def _comb2_body(op_ref, sp_ref, a2s_ref, a2d_ref, h2_ref, b2_ref, out_ref):
    a = a2s_ref[:] + a2d_ref[:]
    selfw = jnp.exp(jnp.where(a >= 0, a, a * NEG))
    s = (sp_ref[0, :] + sp_ref[1, :]).reshape(NP, 1) + selfw
    op = op_ref[:]
    num = op[:NP] + op[NP:] + selfw * h2_ref[:]
    out_ref[:] = num / s + b2_ref[:]



def _edge_body(src_h, dst_h, lew_h, asrc_h, adst_h, h_h, zrows_h, zs_h,
               outp_h, sp_h,
               asrc_v, adst_v, src_v, dst_v, lew_v, w_v, rows_v,
               out_sh, s_sh, sem):
    c = lax.axis_index("c")
    s = lax.axis_index("s")
    wid = s * NC + c

    pltpu.sync_copy(asrc_h, asrc_v)
    pltpu.sync_copy(adst_h, adst_v)

    r0 = s * ROWS_PER_TILE
    pltpu.sync_copy(zrows_h.at[pl.ds(r0, ROWS_PER_TILE)],
                    out_sh.at[pl.ds(r0, ROWS_PER_TILE)])
    pltpu.sync_copy(zs_h.at[pl.ds(r0, ROWS_PER_TILE)],
                    s_sh.at[pl.ds(r0, ROWS_PER_TILE)])
    plsc.subcore_barrier()

    ebase = wid * EW

    def chunk(i, carry):
        base = ebase + i * C
        pltpu.sync_copy(src_h.at[pl.ds(base, C)], src_v)
        pltpu.sync_copy(dst_h.at[pl.ds(base, C)], dst_v)
        pltpu.sync_copy(lew_h.at[pl.ds(base, C)], lew_v)
        gat = pltpu.async_copy(h_h.at[src_v], rows_v, sem)
        for g in range(C // 16):
            sl = pl.ds(g * 16, 16)
            si = src_v[sl]
            di = dst_v[sl]
            a = plsc.load_gather(asrc_v, [si]) + plsc.load_gather(adst_v, [di])
            a = jnp.where(a >= 0, a, a * NEG) + lew_v[sl]
            w_v[sl] = jnp.exp(a)
        gat.wait()
        for g in range(C // 16):
            wv = w_v[pl.ds(g * 16, 16)]
            for j in range(16):
                e = g * 16 + j
                rows_v[e, :] = rows_v[e, :] * wv[j]
        pltpu.sync_copy(w_v, s_sh.at[dst_v], add=True)
        pltpu.sync_copy(rows_v, out_sh.at[dst_v], add=True)
        return carry

    lax.fori_loop(0, CHUNKS, chunk, 0)
    plsc.subcore_barrier()

    @pl.when(s == 0)
    def _():
        pltpu.sync_copy(out_sh, outp_h.at[pl.ds(c * NP, NP)])
        pltpu.sync_copy(s_sh, sp_h.at[pl.ds(c * NP, NP)])


_edge_pass = functools.partial(
    pl.kernel,
    out_type=(jax.ShapeDtypeStruct((2 * NP, DH), jnp.float32),
              jax.ShapeDtypeStruct((2 * NP,), jnp.float32)),
    mesh=plsc.VectorSubcoreMesh(core_axis_name="c", subcore_axis_name="s",
                                num_cores=NC, num_subcores=NS),
    scratch_types=[
        pltpu.VMEM((NP,), jnp.float32),
        pltpu.VMEM((NP,), jnp.float32),
        pltpu.VMEM((C,), jnp.int32),
        pltpu.VMEM((C,), jnp.int32),
        pltpu.VMEM((C,), jnp.float32),
        pltpu.VMEM((C,), jnp.float32),
        pltpu.VMEM((C, DH), jnp.float32),
        pltpu.VMEM_SHARED((NP, DH), jnp.float32),
        pltpu.VMEM_SHARED((NP,), jnp.float32),
        pltpu.SemaphoreType.DMA,
    ],
    compiler_params=pltpu.CompilerParams(needs_layout_passes=False,
                                         use_tc_tiling_on_sc=False),
)(_edge_body)



def kernel(x, edge_index, edge_weight, W1, att_src1, att_dst1, b1,
           W2, att_src2, att_dst2, b2):
    f32 = jnp.float32
    src = edge_index[0]
    dst = edge_index[1]
    xp = jnp.pad(x, ((0, NP - N), (0, 0)))
    ew2d = edge_weight.reshape(E // 128, 128)

    h1, a1s, a1d, lew2d = pl.pallas_call(
        _prep1_body,
        out_shape=(jax.ShapeDtypeStruct((NP, DH), f32),
                   jax.ShapeDtypeStruct((NP, 1), f32),
                   jax.ShapeDtypeStruct((NP, 1), f32),
                   jax.ShapeDtypeStruct((E // 128, 128), f32)),
    )(xp, W1, att_src1.reshape(DH, 1), att_dst1.reshape(DH, 1), ew2d)

    lew = lew2d.reshape(E)
    zrows = jnp.zeros((NP, DH), f32)
    zs = jnp.zeros((NP,), f32)

    outp1, sp1 = _edge_pass(src, dst, lew, a1s.reshape(NP), a1d.reshape(NP),
                            h1, zrows, zs)

    W2p = jnp.pad(W2, ((0, 0), (0, DH - D_OUT)))
    as2p = jnp.pad(att_src2, (0, DH - D_OUT)).reshape(DH, 1)
    ad2p = jnp.pad(att_dst2, (0, DH - D_OUT)).reshape(DH, 1)

    h2, a2s, a2d = pl.pallas_call(
        _comb1_body,
        out_shape=(jax.ShapeDtypeStruct((NP, DH), f32),
                   jax.ShapeDtypeStruct((NP, 1), f32),
                   jax.ShapeDtypeStruct((NP, 1), f32)),
        compiler_params=pltpu.CompilerParams(vmem_limit_bytes=110 * 2**20),
    )(outp1, sp1.reshape(2, NP), a1s, a1d, h1, b1.reshape(1, DH),
      W2p, as2p, ad2p)

    outp2, sp2 = _edge_pass(src, dst, lew, a2s.reshape(NP), a2d.reshape(NP),
                            h2, zrows, zs)

    b2p = jnp.pad(b2, (0, DH - D_OUT))
    out_full = pl.pallas_call(
        _comb2_body,
        out_shape=jax.ShapeDtypeStruct((NP, DH), f32),
        compiler_params=pltpu.CompilerParams(vmem_limit_bytes=110 * 2**20),
    )(outp2, sp2.reshape(2, NP), a2s, a2d, h2, b2p.reshape(1, DH))

    return out_full[:N, :D_OUT]

# --- scband reference (transcript-rebuilt; emitter-appended) ---
"""Pipeline reference for scband-gat-30219389894764 (READ-ONLY COPY).

The authoritative reference and input builder live on the scoring server;
editing this copy changes nothing except your own understanding.
"""

import jax, jax.numpy as jnp
import numpy as np

N = 10000
E = 320000
D_IN = 128
D_HID = 16
D_OUT = 7
NEG_SLOPE = 0.2


def setup_inputs(seed: int = 0) -> dict:
    key = jax.random.key(seed)
    ks = jax.random.split(key, 12)
    x = jax.random.normal(ks[0], (N, D_IN), dtype=jnp.float32)
    edge_index = jax.random.randint(ks[1], (2, E), 0, N, dtype=jnp.int32)
    # positive edge weights (log2 is applied to them); keep away from 0
    edge_weight = jax.random.uniform(ks[2], (E,), minval=0.1, maxval=1.0, dtype=jnp.float32)
    W1 = jax.random.normal(ks[3], (D_IN, D_HID), dtype=jnp.float32) * 0.1
    att_src1 = jax.random.normal(ks[4], (D_HID,), dtype=jnp.float32) * 0.1
    att_dst1 = jax.random.normal(ks[5], (D_HID,), dtype=jnp.float32) * 0.1
    b1 = jnp.zeros((D_HID,), dtype=jnp.float32)
    W2 = jax.random.normal(ks[6], (D_HID, D_OUT), dtype=jnp.float32) * 0.1
    att_src2 = jax.random.normal(ks[7], (D_OUT,), dtype=jnp.float32) * 0.1
    att_dst2 = jax.random.normal(ks[8], (D_OUT,), dtype=jnp.float32) * 0.1
    b2 = jnp.zeros((D_OUT,), dtype=jnp.float32)
    return {"x": x, "edge_index": edge_index, "edge_weight": edge_weight,
            "W1": W1, "att_src1": att_src1, "att_dst1": att_dst1, "b1": b1,
            "W2": W2, "att_src2": att_src2, "att_dst2": att_dst2, "b2": b2}


def _gat_layer(x, W, att_src, att_dst, bias, src, dst, ew):
    h = x @ W                              # [N, D]
    a_src = (h * att_src).sum(-1)          # [N]
    a_dst = (h * att_dst).sum(-1)          # [N]
    alpha = a_src[src] + a_dst[dst]        # [E']
    alpha = jax.nn.leaky_relu(alpha, NEG_SLOPE)
    alpha = alpha + jnp.log2(ew)           # weighted edges (scalar weights)
    m = jax.ops.segment_max(alpha, dst, num_segments=N)
    alpha = jnp.exp(alpha - m[dst])
    s = jax.ops.segment_sum(alpha, dst, num_segments=N)
    alpha = alpha / s[dst]
    out = jax.ops.segment_sum(h[src] * alpha[:, None], dst, num_segments=N)
    return out + bias


def reference(x, edge_index, edge_weight, W1, att_src1, att_dst1, b1, W2, att_src2, att_dst2, b2):
    src = edge_index[0]
    dst = edge_index[1]
    # add self loops with fill_value=1.0 edge weight
    loop = jnp.arange(N, dtype=edge_index.dtype)
    src = jnp.concatenate([src, loop])
    dst = jnp.concatenate([dst, loop])
    ew = jnp.concatenate([edge_weight, jnp.ones((N,), dtype=edge_weight.dtype)])
    h = _gat_layer(x, W1, att_src1, att_dst1, b1, src, dst, ew)
    h = jax.nn.relu(h)
    # dropout is identity in eval mode
    out = _gat_layer(h, W2, att_src2, att_dst2, b2, src, dst, ew)
    return out

if __name__ == "__main__":
    import jax
    _d = setup_inputs()
    print(jax.jit(kernel)(*tuple(_d.values())))

</pallas_src>

<mosaic_0001>
#map = affine_map<(d0, d1) -> (0)>
#map1 = affine_map<(d0, d1) -> (0, 0)>
module attributes {stable_mosaic.version = 14 : i64} {
  func.func @_edge_body(%arg0: i32, %arg1: i32, %arg2: memref<320000xi32, #tpu.memory_space<hbm>>, %arg3: memref<320000xi32, #tpu.memory_space<hbm>>, %arg4: memref<320000xf32, #tpu.memory_space<hbm>>, %arg5: memref<10240xf32, #tpu.memory_space<hbm>>, %arg6: memref<10240xf32, #tpu.memory_space<hbm>>, %arg7: memref<10240x16xf32, #tpu.memory_space<hbm>>, %arg8: memref<10240x16xf32, #tpu.memory_space<hbm>>, %arg9: memref<10240xf32, #tpu.memory_space<hbm>>, %arg10: memref<20480x16xf32, #tpu.memory_space<hbm>>, %arg11: memref<20480xf32, #tpu.memory_space<hbm>>, %arg12: memref<10240xf32, #tpu.memory_space<vmem>>, %arg13: memref<10240xf32, #tpu.memory_space<vmem>>, %arg14: memref<80xi32, #tpu.memory_space<vmem>>, %arg15: memref<80xi32, #tpu.memory_space<vmem>>, %arg16: memref<80xf32, #tpu.memory_space<vmem>>, %arg17: memref<80xf32, #tpu.memory_space<vmem>>, %arg18: memref<80x16xf32, #tpu.memory_space<vmem>>, %arg19: memref<10240x16xf32, #tpu.memory_space<vmem_shared>>, %arg20: memref<10240xf32, #tpu.memory_space<vmem_shared>>, %arg21: memref<!tpu.dma_semaphore, #tpu.memory_space<semaphore_mem>>) attributes {dimension_semantics = [#tpu.dimension_semantics<core_parallel>, #tpu.dimension_semantics<subcore_parallel>], iteration_bounds = array<i64: 2, 16>, scalar_prefetch = 0 : i64, scratch_operands = 10 : i64, tpu.core_type = #tpu.core_type<sc_vector_subcore>, window_params = [{transform_indices = #map}, {transform_indices = #map}, {transform_indices = #map}, {transform_indices = #map}, {transform_indices = #map}, {transform_indices = #map1}, {transform_indices = #map1}, {transform_indices = #map}, {transform_indices = #map1}, {transform_indices = #map}]} {
    %mul3A = arith.constant 2 : i32
    %mul3A_0 = arith.muli %arg1, %mul3A : i32
    %add3A = arith.addi %mul3A_0, %arg0 : i32
    "tpu.region"() ({
      %run_scoped3A = tpu.sem_alloc : memref<!tpu.dma_semaphore, #tpu.memory_space<semaphore_mem>>
      tpu.enqueue_dma source(%arg5 : memref<10240xf32, #tpu.memory_space<hbm>>) target(%arg12 : memref<10240xf32, #tpu.memory_space<vmem>>) target_semaphore(%run_scoped3A : memref<!tpu.dma_semaphore, #tpu.memory_space<semaphore_mem>>)
      tpu.wait_dma2 semaphore(%run_scoped3A : memref<!tpu.dma_semaphore, #tpu.memory_space<semaphore_mem>>) src(%arg5 : memref<10240xf32, #tpu.memory_space<hbm>>) dst(%arg12 : memref<10240xf32, #tpu.memory_space<vmem>>)
      tpu.yield
    }) : () -> ()
    "tpu.region"() ({
      %run_scoped3A = tpu.sem_alloc : memref<!tpu.dma_semaphore, #tpu.memory_space<semaphore_mem>>
      tpu.enqueue_dma source(%arg6 : memref<10240xf32, #tpu.memory_space<hbm>>) target(%arg13 : memref<10240xf32, #tpu.memory_space<vmem>>) target_semaphore(%run_scoped3A : memref<!tpu.dma_semaphore, #tpu.memory_space<semaphore_mem>>)
      tpu.wait_dma2 semaphore(%run_scoped3A : memref<!tpu.dma_semaphore, #tpu.memory_space<semaphore_mem>>) src(%arg6 : memref<10240xf32, #tpu.memory_space<hbm>>) dst(%arg13 : memref<10240xf32, #tpu.memory_space<vmem>>)
      tpu.yield
    }) : () -> ()
    %mul3A_1 = arith.constant 640 : i32
    %mul3A_2 = arith.muli %arg1, %mul3A_1 : i32
    "tpu.region"() ({
      %run_scoped3A = tpu.sem_alloc : memref<!tpu.dma_semaphore, #tpu.memory_space<semaphore_mem>>
      %dma_start3A = arith.constant 0 : i32
      %dma_start3A_13 = tpu.memref_slice %arg19[%mul3A_2, %dma_start3A] : memref<10240x16xf32, #tpu.memory_space<vmem_shared>> -> memref<640x16xf32, #tpu.memory_space<vmem_shared>>
      %dma_start3A_14 = arith.constant 0 : i32
      %dma_start3A_15 = tpu.memref_slice %arg8[%mul3A_2, %dma_start3A_14] : memref<10240x16xf32, #tpu.memory_space<hbm>> -> memref<640x16xf32, #tpu.memory_space<hbm>>
      tpu.enqueue_dma source(%dma_start3A_15 : memref<640x16xf32, #tpu.memory_space<hbm>>) target(%dma_start3A_13 : memref<640x16xf32, #tpu.memory_space<vmem_shared>>) target_semaphore(%run_scoped3A : memref<!tpu.dma_semaphore, #tpu.memory_space<semaphore_mem>>)
      %dma_wait3A = arith.constant 0 : i32
      %dma_wait3A_16 = tpu.memref_slice %arg19[%mul3A_2, %dma_wait3A] : memref<10240x16xf32, #tpu.memory_space<vmem_shared>> -> memref<640x16xf32, #tpu.memory_space<vmem_shared>>
      %dma_wait3A_17 = arith.constant 0 : i32
      %dma_wait3A_18 = tpu.memref_slice %arg8[%mul3A_2, %dma_wait3A_17] : memref<10240x16xf32, #tpu.memory_space<hbm>> -> memref<640x16xf32, #tpu.memory_space<hbm>>
      tpu.wait_dma2 semaphore(%run_scoped3A : memref<!tpu.dma_semaphore, #tpu.memory_space<semaphore_mem>>) src(%dma_wait3A_18 : memref<640x16xf32, #tpu.memory_space<hbm>>) dst(%dma_wait3A_16 : memref<640x16xf32, #tpu.memory_space<vmem_shared>>)
      tpu.yield
    }) : () -> ()
    "tpu.region"() ({
      %run_scoped3A = tpu.sem_alloc : memref<!tpu.dma_semaphore, #tpu.memory_space<semaphore_mem>>
      %dma_start3A = tpu.memref_slice %arg20[%mul3A_2] : memref<10240xf32, #tpu.memory_space<vmem_shared>> -> memref<640xf32, #tpu.memory_space<vmem_shared>>
      %dma_start3A_13 = tpu.memref_slice %arg9[%mul3A_2] : memref<10240xf32, #tpu.memory_space<hbm>> -> memref<640xf32, #tpu.memory_space<hbm>>
      tpu.enqueue_dma source(%dma_start3A_13 : memref<640xf32, #tpu.memory_space<hbm>>) target(%dma_start3A : memref<640xf32, #tpu.memory_space<vmem_shared>>) target_semaphore(%run_scoped3A : memref<!tpu.dma_semaphore, #tpu.memory_space<semaphore_mem>>)
      %dma_wait3A = tpu.memref_slice %arg20[%mul3A_2] : memref<10240xf32, #tpu.memory_space<vmem_shared>> -> memref<640xf32, #tpu.memory_space<vmem_shared>>
      %dma_wait3A_14 = tpu.memref_slice %arg9[%mul3A_2] : memref<10240xf32, #tpu.memory_space<hbm>> -> memref<640xf32, #tpu.memory_space<hbm>>
      tpu.wait_dma2 semaphore(%run_scoped3A : memref<!tpu.dma_semaphore, #tpu.memory_space<semaphore_mem>>) src(%dma_wait3A_14 : memref<640xf32, #tpu.memory_space<hbm>>) dst(%dma_wait3A : memref<640xf32, #tpu.memory_space<vmem_shared>>)
      tpu.yield
    }) : () -> ()
    %barrier3A = arith.constant 0 : index
    tpu.barrier barrier_id(%barrier3A)
    %mul3A_3 = arith.constant 10000 : i32
    %mul3A_4 = arith.muli %add3A, %mul3A_3 : i32
    %scan3A = arith.constant 0 : i32
    %scan3A_5 = arith.constant 0 : i32
    %scan3A_6 = arith.constant 125 : i32
    %scan3A_7 = arith.addi %scan3A_5, %scan3A_6 : i32
    %scan3A_8 = arith.constant 1 : i32
    scf.for %scan3A_13 = %scan3A_5 to %scan3A_7 step %scan3A_8  : i32 {
      %mul3A_14 = arith.constant 80 : i32
      %mul3A_15 = arith.muli %scan3A_13, %mul3A_14 : i32
      %add3A_16 = arith.addi %mul3A_4, %mul3A_15 : i32
      "tpu.region"() ({
        %run_scoped3A = tpu.sem_alloc : memref<!tpu.dma_semaphore, #tpu.memory_space<semaphore_mem>>
        %dma_start3A_1083 = tpu.memref_slice %arg2[%add3A_16] : memref<320000xi32, #tpu.memory_space<hbm>> -> memref<80xi32, #tpu.memory_space<hbm>>
        %dma_start3A_1084 = tpu.memref_slice %arg2[%add3A_16] : memref<320000xi32, #tpu.memory_space<hbm>> -> memref<80xi32, #tpu.memory_space<hbm>>
        tpu.enqueue_dma source(%dma_start3A_1084 : memref<80xi32, #tpu.memory_space<hbm>>) target(%arg14 : memref<80xi32, #tpu.memory_space<vmem>>) target_semaphore(%run_scoped3A : memref<!tpu.dma_semaphore, #tpu.memory_space<semaphore_mem>>)
        %dma_wait3A_1085 = tpu.memref_slice %arg2[%add3A_16] : memref<320000xi32, #tpu.memory_space<hbm>> -> memref<80xi32, #tpu.memory_space<hbm>>
        %dma_wait3A_1086 = tpu.memref_slice %arg2[%add3A_16] : memref<320000xi32, #tpu.memory_space<hbm>> -> memref<80xi32, #tpu.memory_space<hbm>>
        tpu.wait_dma2 semaphore(%run_scoped3A : memref<!tpu.dma_semaphore, #tpu.memory_space<semaphore_mem>>) src(%dma_wait3A_1086 : memref<80xi32, #tpu.memory_space<hbm>>) dst(%arg14 : memref<80xi32, #tpu.memory_space<vmem>>)
        tpu.yield
      }) : () -> ()
      "tpu.region"() ({
        %run_scoped3A = tpu.sem_alloc : memref<!tpu.dma_semaphore, #tpu.memory_space<semaphore_mem>>
        %dma_start3A_1083 = tpu.memref_slice %arg3[%add3A_16] : memref<320000xi32, #tpu.memory_space<hbm>> -> memref<80xi32, #tpu.memory_space<hbm>>
        %dma_start3A_1084 = tpu.memref_slice %arg3[%add3A_16] : memref<320000xi32, #tpu.memory_space<hbm>> -> memref<80xi32, #tpu.memory_space<hbm>>
        tpu.enqueue_dma source(%dma_start3A_1084 : memref<80xi32, #tpu.memory_space<hbm>>) target(%arg15 : memref<80xi32, #tpu.memory_space<vmem>>) target_semaphore(%run_scoped3A : memref<!tpu.dma_semaphore, #tpu.memory_space<semaphore_mem>>)
        %dma_wait3A_1085 = tpu.memref_slice %arg3[%add3A_16] : memref<320000xi32, #tpu.memory_space<hbm>> -> memref<80xi32, #tpu.memory_space<hbm>>
        %dma_wait3A_1086 = tpu.memref_slice %arg3[%add3A_16] : memref<320000xi32, #tpu.memory_space<hbm>> -> memref<80xi32, #tpu.memory_space<hbm>>
        tpu.wait_dma2 semaphore(%run_scoped3A : memref<!tpu.dma_semaphore, #tpu.memory_space<semaphore_mem>>) src(%dma_wait3A_1086 : memref<80xi32, #tpu.memory_space<hbm>>) dst(%arg15 : memref<80xi32, #tpu.memory_space<vmem>>)
        tpu.yield
      }) : () -> ()
      "tpu.region"() ({
        %run_scoped3A = tpu.sem_alloc : memref<!tpu.dma_semaphore, #tpu.memory_space<semaphore_mem>>
        %dma_start3A_1083 = tpu.memref_slice %arg4[%add3A_16] : memref<320000xf32, #tpu.memory_space<hbm>> -> memref<80xf32, #tpu.memory_space<hbm>>
        %dma_start3A_1084 = tpu.memref_slice %arg4[%add3A_16] : memref<320000xf32, #tpu.memory_space<hbm>> -> memref<80xf32, #tpu.memory_space<hbm>>
        tpu.enqueue_dma source(%dma_start3A_1084 : memref<80xf32, #tpu.memory_space<hbm>>) target(%arg16 : memref<80xf32, #tpu.memory_space<vmem>>) target_semaphore(%run_scoped3A : memref<!tpu.dma_semaphore, #tpu.memory_space<semaphore_mem>>)
        %dma_wait3A_1085 = tpu.memref_slice %arg4[%add3A_16] : memref<320000xf32, #tpu.memory_space<hbm>> -> memref<80xf32, #tpu.memory_space<hbm>>
        %dma_wait3A_1086 = tpu.memref_slice %arg4[%add3A_16] : memref<320000xf32, #tpu.memory_space<hbm>> -> memref<80xf32, #tpu.memory_space<hbm>>
        tpu.wait_dma2 semaphore(%run_scoped3A : memref<!tpu.dma_semaphore, #tpu.memory_space<semaphore_mem>>) src(%dma_wait3A_1086 : memref<80xf32, #tpu.memory_space<hbm>>) dst(%arg16 : memref<80xf32, #tpu.memory_space<vmem>>)
        tpu.yield
      }) : () -> ()
      %dma_start3A = arith.constant 0 : i32
      %dma_start3A_17 = arith.constant 0 : i32
      %dma_start3A_18 = tpu.memref_slice %arg7[%dma_start3A, %dma_start3A_17] : memref<10240x16xf32, #tpu.memory_space<hbm>> -> memref<10240x16xf32, #tpu.memory_space<hbm>>
      tpu.enqueue_indirect_dma source(%dma_start3A_18 : memref<10240x16xf32, #tpu.memory_space<hbm>>) target(%arg18 : memref<80x16xf32, #tpu.memory_space<vmem>>) offsets(%arg14 : memref<80xi32, #tpu.memory_space<vmem>>) semaphore(%arg21 : memref<!tpu.dma_semaphore, #tpu.memory_space<semaphore_mem>>)
      %get3A = arith.constant 0 : index
      %get3A_19 = tpu.vector_load %arg14[%get3A] {strides = array<i32>} : memref<80xi32, #tpu.memory_space<vmem>>, vector<16xi32>,
      %get3A_20 = arith.constant 0 : index
      %get3A_21 = tpu.vector_load %arg15[%get3A_20] {strides = array<i32>} : memref<80xi32, #tpu.memory_space<vmem>>, vector<16xi32>,
      %gather3A = tpu.vector_load_idx %arg12[%get3A_19] : memref<10240xf32, #tpu.memory_space<vmem>>[vector<16xi32>], vector<16xf32>,
      %gather3A_22 = tpu.vector_load_idx %arg13[%get3A_21] : memref<10240xf32, #tpu.memory_space<vmem>>[vector<16xi32>], vector<16xf32>,
      %add3A_23 = arith.addf %gather3A, %gather3A_22 : vector<16xf32>
      %ge3A = arith.constant 0.000000e+00 : f32
      %ge3A_24 = vector.broadcast %ge3A : f32 to vector<16xf32>
      %ge3A_25 = arith.cmpf oge, %add3A_23, %ge3A_24 : vector<16xf32>
      %mul3A_26 = arith.constant 2.000000e-01 : f32
      %mul3A_27 = vector.broadcast %mul3A_26 : f32 to vector<16xf32>
      %mul3A_28 = arith.mulf %add3A_23, %mul3A_27 : vector<16xf32>
      %select_n3A = arith.select %ge3A_25, %add3A_23, %mul3A_28 : vector<16xi1>, vector<16xf32>
      %get3A_29 = arith.constant 0 : index
      %get3A_30 = tpu.vector_load %arg16[%get3A_29] {strides = array<i32>} : memref<80xf32, #tpu.memory_space<vmem>>, vector<16xf32>,
      %add3A_31 = arith.addf %select_n3A, %get3A_30 : vector<16xf32>
      %exp3A = math.exp %add3A_31 : vector<16xf32>
      %swap3A = arith.constant 0 : index
      %swap3A_32 = tpu.vector_load %arg17[%swap3A] {strides = array<i32>} : memref<80xf32, #tpu.memory_space<vmem>>, vector<16xf32>,
      tpu.vector_store %arg17[%swap3A], %exp3A {strides = array<i32>} : memref<80xf32, #tpu.memory_space<vmem>>, vector<16xf32>,
      %get3A_33 = arith.constant 16 : index
      %get3A_34 = tpu.vector_load %arg14[%get3A_33] {strides = array<i32>} : memref<80xi32, #tpu.memory_space<vmem>>, vector<16xi32>,
      %get3A_35 = arith.constant 16 : index
      %get3A_36 = tpu.vector_load %arg15[%get3A_35] {strides = array<i32>} : memref<80xi32, #tpu.memory_space<vmem>>, vector<16xi32>,
      %gather3A_37 = tpu.vector_load_idx %arg12[%get3A_34] : memref<10240xf32, #tpu.memory_space<vmem>>[vector<16xi32>], vector<16xf32>,
      %gather3A_38 = tpu.vector_load_idx %arg13[%get3A_36] : memref<10240xf32, #tpu.memory_space<vmem>>[vector<16xi32>], vector<16xf32>,
      %add3A_39 = arith.addf %gather3A_37, %gather3A_38 : vector<16xf32>
      %ge3A_40 = arith.constant 0.000000e+00 : f32
      %ge3A_41 = vector.broadcast %ge3A_40 : f32 to vector<16xf32>
      %ge3A_42 = arith.cmpf oge, %add3A_39, %ge3A_41 : vector<16xf32>
      %mul3A_43 = arith.constant 2.000000e-01 : f32
      %mul3A_44 = vector.broadcast %mul3A_43 : f32 to vector<16xf32>
      %mul3A_45 = arith.mulf %add3A_39, %mul3A_44 : vector<16xf32>
      %select_n3A_46 = arith.select %ge3A_42, %add3A_39, %mul3A_45 : vector<16xi1>, vector<16xf32>
      %get3A_47 = arith.constant 16 : index
      %get3A_48 = tpu.vector_load %arg16[%get3A_47] {strides = array<i32>} : memref<80xf32, #tpu.memory_space<vmem>>, vector<16xf32>,
      %add3A_49 = arith.addf %select_n3A_46, %get3A_48 : vector<16xf32>
      %exp3A_50 = math.exp %add3A_49 : vector<16xf32>
      %swap3A_51 = arith.constant 16 : index
      %swap3A_52 = tpu.vector_load %arg17[%swap3A_51] {strides = array<i32>} : memref<80xf32, #tpu.memory_space<vmem>>, vector<16xf32>,
      tpu.vector_store %arg17[%swap3A_51], %exp3A_50 {strides = array<i32>} : memref<80xf32, #tpu.memory_space<vmem>>, vector<16xf32>,
      %get3A_53 = arith.constant 32 : index
      %get3A_54 = tpu.vector_load %arg14[%get3A_53] {strides = array<i32>} : memref<80xi32, #tpu.memory_space<vmem>>, vector<16xi32>,
      %get3A_55 = arith.constant 32 : index
      %get3A_56 = tpu.vector_load %arg15[%get3A_55] {strides = array<i32>} : memref<80xi32, #tpu.memory_space<vmem>>, vector<16xi32>,
      %gather3A_57 = tpu.vector_load_idx %arg12[%get3A_54] : memref<10240xf32, #tpu.memory_space<vmem>>[vector<16xi32>], vector<16xf32>,
      %gather3A_58 = tpu.vector_load_idx %arg13[%get3A_56] : memref<10240xf32, #tpu.memory_space<vmem>>[vector<16xi32>], vector<16xf32>,
      %add3A_59 = arith.addf %gather3A_57, %gather3A_58 : vector<16xf32>
      %ge3A_60 = arith.constant 0.000000e+00 : f32
      %ge3A_61 = vector.broadcast %ge3A_60 : f32 to vector<16xf32>
      %ge3A_62 = arith.cmpf oge, %add3A_59, %ge3A_61 : vector<16xf32>
      %mul3A_63 = arith.constant 2.000000e-01 : f32
      %mul3A_64 = vector.broadcast %mul3A_63 : f32 to vector<16xf32>
      %mul3A_65 = arith.mulf %add3A_59, %mul3A_64 : vector<16xf32>
      %select_n3A_66 = arith.select %ge3A_62, %add3A_59, %mul3A_65 : vector<16xi1>, vector<16xf32>
      %get3A_67 = arith.constant 32 : index
      %get3A_68 = tpu.vector_load %arg16[%get3A_67] {strides = array<i32>} : memref<80xf32, #tpu.memory_space<vmem>>, vector<16xf32>,
      %add3A_69 = arith.addf %select_n3A_66, %get3A_68 : vector<16xf32>
      %exp3A_70 = math.exp %add3A_69 : vector<16xf32>
      %swap3A_71 = arith.constant 32 : index
      %swap3A_72 = tpu.vector_load %arg17[%swap3A_71] {strides = array<i32>} : memref<80xf32, #tpu.memory_space<vmem>>, vector<16xf32>,
      tpu.vector_store %arg17[%swap3A_71], %exp3A_70 {strides = array<i32>} : memref<80xf32, #tpu.memory_space<vmem>>, vector<16xf32>,
      %get3A_73 = arith.constant 48 : index
      %get3A_74 = tpu.vector_load %arg14[%get3A_73] {strides = array<i32>} : memref<80xi32, #tpu.memory_space<vmem>>, vector<16xi32>,
      %get3A_75 = arith.constant 48 : index
      %get3A_76 = tpu.vector_load %arg15[%get3A_75] {strides = array<i32>} : memref<80xi32, #tpu.memory_space<vmem>>, vector<16xi32>,
      %gather3A_77 = tpu.vector_load_idx %arg12[%get3A_74] : memref<10240xf32, #tpu.memory_space<vmem>>[vector<16xi32>], vector<16xf32>,
      %gather3A_78 = tpu.vector_load_idx %arg13[%get3A_76] : memref<10240xf32, #tpu.memory_space<vmem>>[vector<16xi32>], vector<16xf32>,
      %add3A_79 = arith.addf %gather3A_77, %gather3A_78 : vector<16xf32>
      %ge3A_80 = arith.constant 0.000000e+00 : f32
      %ge3A_81 = vector.broadcast %ge3A_80 : f32 to vector<16xf32>
      %ge3A_82 = arith.cmpf oge, %add3A_79, %ge3A_81 : vector<16xf32>
      %mul3A_83 = arith.constant 2.000000e-01 : f32
      %mul3A_84 = vector.broadcast %mul3A_83 : f32 to vector<16xf32>
      %mul3A_85 = arith.mulf %add3A_79, %mul3A_84 : vector<16xf32>
      %select_n3A_86 = arith.select %ge3A_82, %add3A_79, %mul3A_85 : vector<16xi1>, vector<16xf32>
      %get3A_87 = arith.constant 48 : index
      %get3A_88 = tpu.vector_load %arg16[%get3A_87] {strides = array<i32>} : memref<80xf32, #tpu.memory_space<vmem>>, vector<16xf32>,
      %add3A_89 = arith.addf %select_n3A_86, %get3A_88 : vector<16xf32>
      %exp3A_90 = math.exp %add3A_89 : vector<16xf32>
      %swap3A_91 = arith.constant 48 : index
      %swap3A_92 = tpu.vector_load %arg17[%swap3A_91] {strides = array<i32>} : memref<80xf32, #tpu.memory_space<vmem>>, vector<16xf32>,
      tpu.vector_store %arg17[%swap3A_91], %exp3A_90 {strides = array<i32>} : memref<80xf32, #tpu.memory_space<vmem>>, vector<16xf32>,
      %get3A_93 = arith.constant 64 : index
      %get3A_94 = tpu.vector_load %arg14[%get3A_93] {strides = array<i32>} : memref<80xi32, #tpu.memory_space<vmem>>, vector<16xi32>,
      %get3A_95 = arith.constant 64 : index
      %get3A_96 = tpu.vector_load %arg15[%get3A_95] {strides = array<i32>} : memref<80xi32, #tpu.memory_space<vmem>>, vector<16xi32>,
      %gather3A_97 = tpu.vector_load_idx %arg12[%get3A_94] : memref<10240xf32, #tpu.memory_space<vmem>>[vector<16xi32>], vector<16xf32>,
      %gather3A_98 = tpu.vector_load_idx %arg13[%get3A_96] : memref<10240xf32, #tpu.memory_space<vmem>>[vector<16xi32>], vector<16xf32>,
      %add3A_99 = arith.addf %gather3A_97, %gather3A_98 : vector<16xf32>
      %ge3A_100 = arith.constant 0.000000e+00 : f32
      %ge3A_101 = vector.broadcast %ge3A_100 : f32 to vector<16xf32>
      %ge3A_102 = arith.cmpf oge, %add3A_99, %ge3A_101 : vector<16xf32>
      %mul3A_103 = arith.constant 2.000000e-01 : f32
      %mul3A_104 = vector.broadcast %mul3A_103 : f32 to vector<16xf32>
      %mul3A_105 = arith.mulf %add3A_99, %mul3A_104 : vector<16xf32>
      %select_n3A_106 = arith.select %ge3A_102, %add3A_99, %mul3A_105 : vector<16xi1>, vector<16xf32>
      %get3A_107 = arith.constant 64 : index
      %get3A_108 = tpu.vector_load %arg16[%get3A_107] {strides = array<i32>} : memref<80xf32, #tpu.memory_space<vmem>>, vector<16xf32>,
      %add3A_109 = arith.addf %select_n3A_106, %get3A_108 : vector<16xf32>
      %exp3A_110 = math.exp %add3A_109 : vector<16xf32>
      %swap3A_111 = arith.constant 64 : index
      %swap3A_112 = tpu.vector_load %arg17[%swap3A_111] {strides = array<i32>} : memref<80xf32, #tpu.memory_space<vmem>>, vector<16xf32>,
      tpu.vector_store %arg17[%swap3A_111], %exp3A_110 {strides = array<i32>} : memref<80xf32, #tpu.memory_space<vmem>>, vector<16xf32>,
      %dma_wait3A = arith.constant 0 : i32
      %dma_wait3A_113 = arith.constant 0 : i32
      %dma_wait3A_114 = tpu.memref_slice %arg7[%dma_wait3A, %dma_wait3A_113] : memref<10240x16xf32, #tpu.memory_space<hbm>> -> memref<10240x16xf32, #tpu.memory_space<hbm>>
      tpu.wait_indirect_dma semaphore(%arg21 : memref<!tpu.dma_semaphore, #tpu.memory_space<semaphore_mem>>) src(%dma_wait3A_114 : memref<10240x16xf32, #tpu.memory_space<hbm>>) dst(%arg18 : memref<80x16xf32, #tpu.memory_space<vmem>>)
      %get3A_115 = arith.constant 0 : index
      %get3A_116 = tpu.vector_load %arg17[%get3A_115] {strides = array<i32>} : memref<80xf32, #tpu.memory_space<vmem>>, vector<16xf32>,
      %get3A_117 = arith.constant 0 : i32
      %get3A_118 = arith.index_cast %get3A_117 : i32 to index
      %get3A_119 = arith.constant 0 : index
      %get3A_120 = tpu.vector_load %arg18[%get3A_118, %get3A_119] {strides = array<i32>} : memref<80x16xf32, #tpu.memory_space<vmem>>, vector<16xf32>,
      %slice3A = vector.extract_strided_slice %get3A_116 {offsets = [0], sizes = [1], strides = [1]} : vector<16xf32> to vector<1xf32>
      %squeeze3A = vector.extract %slice3A[0] : f32 from vector<1xf32>
      %mul3A_121 = vector.broadcast %squeeze3A : f32 to vector<16xf32>
      %mul3A_122 = arith.mulf %get3A_120, %mul3A_121 : vector<16xf32>
      %swap3A_123 = arith.constant 0 : i32
      %swap3A_124 = arith.index_cast %swap3A_123 : i32 to index
      %swap3A_125 = arith.constant 0 : index
      %swap3A_126 = tpu.vector_load %arg18[%swap3A_124, %swap3A_125] {strides = array<i32>} : memref<80x16xf32, #tpu.memory_space<vmem>>, vector<16xf32>,
      tpu.vector_store %arg18[%swap3A_124, %swap3A_125], %mul3A_122 {strides = array<i32>} : memref<80x16xf32, #tpu.memory_space<vmem>>, vector<16xf32>,
      %get3A_127 = arith.constant 1 : i32
      %get3A_128 = arith.index_cast %get3A_127 : i32 to index
      %get3A_129 = arith.constant 0 : index
      %get3A_130 = tpu.vector_load %arg18[%get3A_128, %get3A_129] {strides = array<i32>} : memref<80x16xf32, #tpu.memory_space<vmem>>, vector<16xf32>,
      %slice3A_131 = vector.extract_strided_slice %get3A_116 {offsets = [1], sizes = [1], strides = [1]} : vector<16xf32> to vector<1xf32>
      %squeeze3A_132 = vector.extract %slice3A_131[0] : f32 from vector<1xf32>
      %mul3A_133 = vector.broadcast %squeeze3A_132 : f32 to vector<16xf32>
      %mul3A_134 = arith.mulf %get3A_130, %mul3A_133 : vector<16xf32>
      %swap3A_135 = arith.constant 1 : i32
      %swap3A_136 = arith.index_cast %swap3A_135 : i32 to index
      %swap3A_137 = arith.constant 0 : index
      %swap3A_138 = tpu.vector_load %arg18[%swap3A_136, %swap3A_137] {strides = array<i32>} : memref<80x16xf32, #tpu.memory_space<vmem>>, vector<16xf32>,
      tpu.vector_store %arg18[%swap3A_136, %swap3A_137], %mul3A_134 {strides = array<i32>} : memref<80x16xf32, #tpu.memory_space<vmem>>, vector<16xf32>,
      %get3A_139 = arith.constant 2 : i32
      %get3A_140 = arith.index_cast %get3A_139 : i32 to index
      %get3A_141 = arith.constant 0 : index
      %get3A_142 = tpu.vector_load %arg18[%get3A_140, %get3A_141] {strides = array<i32>} : memref<80x16xf32, #tpu.memory_space<vmem>>, vector<16xf32>,
      %slice3A_143 = vector.extract_strided_slice %get3A_116 {offsets = [2], sizes = [1], strides = [1]} : vector<16xf32> to vector<1xf32>
      %squeeze3A_144 = vector.extract %slice3A_143[0] : f32 from vector<1xf32>
      %mul3A_145 = vector.broadcast %squeeze3A_144 : f32 to vector<16xf32>
      %mul3A_146 = arith.mulf %get3A_142, %mul3A_145 : vector<16xf32>
      %swap3A_147 = arith.constant 2 : i32
      %swap3A_148 = arith.index_cast %swap3A_147 : i32 to index
      %swap3A_149 = arith.constant 0 : index
      %swap3A_150 = tpu.vector_load %arg18[%swap3A_148, %swap3A_149] {strides = array<i32>} : memref<80x16xf32, #tpu.memory_space<vmem>>, vector<16xf32>,
      tpu.vector_store %arg18[%swap3A_148, %swap3A_149], %mul3A_146 {strides = array<i32>} : memref<80x16xf32, #tpu.memory_space<vmem>>, vector<16xf32>,
      %get3A_151 = arith.constant 3 : i32
      %get3A_152 = arith.index_cast %get3A_151 : i32 to index
      %get3A_153 = arith.constant 0 : index
      %get3A_154 = tpu.vector_load %arg18[%get3A_152, %get3A_153] {strides = array<i32>} : memref<80x16xf32, #tpu.memory_space<vmem>>, vector<16xf32>,
      %slice3A_155 = vector.extract_strided_slice %get3A_116 {offsets = [3], sizes = [1], strides = [1]} : vector<16xf32> to vector<1xf32>
      %squeeze3A_156 = vector.extract %slice3A_155[0] : f32 from vector<1xf32>
      %mul3A_157 = vector.broadcast %squeeze3A_156 : f32 to vector<16xf32>
      %mul3A_158 = arith.mulf %get3A_154, %mul3A_157 : vector<16xf32>
      %swap3A_159 = arith.constant 3 : i32
      %swap3A_160 = arith.index_cast %swap3A_159 : i32 to index
      %swap3A_161 = arith.constant 0 : index
      %swap3A_162 = tpu.vector_load %arg18[%swap3A_160, %swap3A_161] {strides = array<i32>} : memref<80x16xf32, #tpu.memory_space<vmem>>, vector<16xf32>,
      tpu.vector_store %arg18[%swap3A_160, %swap3A_161], %mul3A_158 {strides = array<i32>} : memref<80x16xf32, #tpu.memory_space<vmem>>, vector<16xf32>,
      %get3A_163 = arith.constant 4 : i32
      %get3A_164 = arith.index_cast %get3A_163 : i32 to index
      %get3A_165 = arith.constant 0 : index
      %get3A_166 = tpu.vector_load %arg18[%get3A_164, %get3A_165] {strides = array<i32>} : memref<80x16xf32, #tpu.memory_space<vmem>>, vector<16xf32>,
      %slice3A_167 = vector.extract_strided_slice %get3A_116 {offsets = [4], sizes = [1], strides = [1]} : vector<16xf32> to vector<1xf32>
      %squeeze3A_168 = vector.extract %slice3A_167[0] : f32 from vector<1xf32>
      %mul3A_169 = vector.broadcast %squeeze3A_168 : f32 to vector<16xf32>
      %mul3A_170 = arith.mulf %get3A_166, %mul3A_169 : vector<16xf32>
      %swap3A_171 = arith.constant 4 : i32
      %swap3A_172 = arith.index_cast %swap3A_171 : i32 to index
      %swap3A_173 = arith.constant 0 : index
      %swap3A_174 = tpu.vector_load %arg18[%swap3A_172, %swap3A_173] {strides = array<i32>} : memref<80x16xf32, #tpu.memory_space<vmem>>, vector<16xf32>,
      tpu.vector_store %arg18[%swap3A_172, %swap3A_173], %mul3A_170 {strides = array<i32>} : memref<80x16xf32, #tpu.memory_space<vmem>>, vector<16xf32>,
      %get3A_175 = arith.constant 5 : i32
      %get3A_176 = arith.index_cast %get3A_175 : i32 to index
      %get3A_177 = arith.constant 0 : index
      %get3A_178 = tpu.vector_load %arg18[%get3A_176, %get3A_177] {strides = array<i32>} : memref<80x16xf32, #tpu.memory_space<vmem>>, vector<16xf32>,
      %slice3A_179 = vector.extract_strided_slice %get3A_116 {offsets = [5], sizes = [1], strides = [1]} : vector<16xf32> to vector<1xf32>
      %squeeze3A_180 = vector.extract %slice3A_179[0] : f32 from vector<1xf32>
      %mul3A_181 = vector.broadcast %squeeze3A_180 : f32 to vector<16xf32>
      %mul3A_182 = arith.mulf %get3A_178, %mul3A_181 : vector<16xf32>
      %swap3A_183 = arith.constant 5 : i32
      %swap3A_184 = arith.index_cast %swap3A_183 : i32 to index
      %swap3A_185 = arith.constant 0 : index
      %swap3A_186 = tpu.vector_load %arg18[%swap3A_184, %swap3A_185] {strides = array<i32>} : memref<80x16xf32, #tpu.memory_space<vmem>>, vector<16xf32>,
      tpu.vector_store %arg18[%swap3A_184, %swap3A_185], %mul3A_182 {strides = array<i32>} : memref<80x16xf32, #tpu.memory_space<vmem>>, vector<16xf32>,
      %get3A_187 = arith.constant 6 : i32
      %get3A_188 = arith.index_cast %get3A_187 : i32 to index
      %get3A_189 = arith.constant 0 : index
      %get3A_190 = tpu.vector_load %arg18[%get3A_188, %get3A_189] {strides = array<i32>} : memref<80x16xf32, #tpu.memory_space<vmem>>, vector<16xf32>,
      %slice3A_191 = vector.extract_strided_slice %get3A_116 {offsets = [6], sizes = [1], strides = [1]} : vector<16xf32> to vector<1xf32>
      %squeeze3A_192 = vector.extract %slice3A_191[0] : f32 from vector<1xf32>
      %mul3A_193 = vector.broadcast %squeeze3A_192 : f32 to vector<16xf32>
      %mul3A_194 = arith.mulf %get3A_190, %mul3A_193 : vector<16xf32>
      %swap3A_195 = arith.constant 6 : i32
      %swap3A_196 = arith.index_cast %swap3A_195 : i32 to index
      %swap3A_197 = arith.constant 0 : index
      %swap3A_198 = tpu.vector_load %arg18[%swap3A_196, %swap3A_197] {strides = array<i32>} : memref<80x16xf32, #tpu.memory_space<vmem>>, vector<16xf32>,
      tpu.vector_store %arg18[%swap3A_196, %swap3A_197], %mul3A_194 {strides = array<i32>} : memref<80x16xf32, #tpu.memory_space<vmem>>, vector<16xf32>,
      %get3A_199 = arith.constant 7 : i32
      %get3A_200 = arith.index_cast %get3A_199 : i32 to index
      %get3A_201 = arith.constant 0 : index
      %get3A_202 = tpu.vector_load %arg18[%get3A_200, %get3A_201] {strides = array<i32>} : memref<80x16xf32, #tpu.memory_space<vmem>>, vector<16xf32>,
      %slice3A_203 = vector.extract_strided_slice %get3A_116 {offsets = [7], sizes = [1], strides = [1]} : vector<16xf32> to vector<1xf32>
      %squeeze3A_204 = vector.extract %slice3A_203[0] : f32 from vector<1xf32>
      %mul3A_205 = vector.broadcast %squeeze3A_204 : f32 to vector<16xf32>
      %mul3A_206 = arith.mulf %get3A_202, %mul3A_205 : vector<16xf32>
      %swap3A_207 = arith.constant 7 : i32
      %swap3A_208 = arith.index_cast %swap3A_207 : i32 to index
      %swap3A_209 = arith.constant 0 : index
      %swap3A_210 = tpu.vector_load %arg18[%swap3A_208, %swap3A_209] {strides = array<i32>} : memref<80x16xf32, #tpu.memory_space<vmem>>, vector<16xf32>,
      tpu.vector_store %arg18[%swap3A_208, %swap3A_209], %mul3A_206 {strides = array<i32>} : memref<80x16xf32, #tpu.memory_space<vmem>>, vector<16xf32>,
      %get3A_211 = arith.constant 8 : i32
      %get3A_212 = arith.index_cast %get3A_211 : i32 to index
      %get3A_213 = arith.constant 0 : index
      %get3A_214 = tpu.vector_load %arg18[%get3A_212, %get3A_213] {strides = array<i32>} : memref<80x16xf32, #tpu.memory_space<vmem>>, vector<16xf32>,
      %slice3A_215 = vector.extract_strided_slice %get3A_116 {offsets = [8], sizes = [1], strides = [1]} : vector<16xf32> to vector<1xf32>
      %squeeze3A_216 = vector.extract %slice3A_215[0] : f32 from vector<1xf32>
      %mul3A_217 = vector.broadcast %squeeze3A_216 : f32 to vector<16xf32>
      %mul3A_218 = arith.mulf %get3A_214, %mul3A_217 : vector<16xf32>
      %swap3A_219 = arith.constant 8 : i32
      %swap3A_220 = arith.index_cast %swap3A_219 : i32 to index
      %swap3A_221 = arith.constant 0 : index
      %swap3A_222 = tpu.vector_load %arg18[%swap3A_220, %swap3A_221] {strides = array<i32>} : memref<80x16xf32, #tpu.memory_space<vmem>>, vector<16xf32>,
      tpu.vector_store %arg18[%swap3A_220, %swap3A_221], %mul3A_218 {strides = array<i32>} : memref<80x16xf32, #tpu.memory_space<vmem>>, vector<16xf32>,
      %get3A_223 = arith.constant 9 : i32
      %get3A_224 = arith.index_cast %get3A_223 : i32 to index
      %get3A_225 = arith.constant 0 : index
      %get3A_226 = tpu.vector_load %arg18[%get3A_224, %get3A_225] {strides = array<i32>} : memref<80x16xf32, #tpu.memory_space<vmem>>, vector<16xf32>,
      %slice3A_227 = vector.extract_strided_slice %get3A_116 {offsets = [9], sizes = [1], strides = [1]} : vector<16xf32> to vector<1xf32>
      %squeeze3A_228 = vector.extract %slice3A_227[0] : f32 from vector<1xf32>
      %mul3A_229 = vector.broadcast %squeeze3A_228 : f32 to vector<16xf32>
      %mul3A_230 = arith.mulf %get3A_226, %mul3A_229 : vector<16xf32>
      %swap3A_231 = arith.constant 9 : i32
      %swap3A_232 = arith.index_cast %swap3A_231 : i32 to index
      %swap3A_233 = arith.constant 0 : index
      %swap3A_234 = tpu.vector_load %arg18[%swap3A_232, %swap3A_233] {strides = array<i32>} : memref<80x16xf32, #tpu.memory_space<vmem>>, vector<16xf32>,
      tpu.vector_store %arg18[%swap3A_232, %swap3A_233], %mul3A_230 {strides = array<i32>} : memref<80x16xf32, #tpu.memory_space<vmem>>, vector<16xf32>,
      %get3A_235 = arith.constant 10 : i32
      %get3A_236 = arith.index_cast %get3A_235 : i32 to index
      %get3A_237 = arith.constant 0 : index
      %get3A_238 = tpu.vector_load %arg18[%get3A_236, %get3A_237] {strides = array<i32>} : memref<80x16xf32, #tpu.memory_space<vmem>>, vector<16xf32>,
      %slice3A_239 = vector.extract_strided_slice %get3A_116 {offsets = [10], sizes = [1], strides = [1]} : vector<16xf32> to vector<1xf32>
      %squeeze3A_240 = vector.extract %slice3A_239[0] : f32 from vector<1xf32>
      %mul3A_241 = vector.broadcast %squeeze3A_240 : f32 to vector<16xf32>
      %mul3A_242 = arith.mulf %get3A_238, %mul3A_241 : vector<16xf32>
      %swap3A_243 = arith.constant 10 : i32
      %swap3A_244 = arith.index_cast %swap3A_243 : i32 to index
      %swap3A_245 = arith.constant 0 : index
      %swap3A_246 = tpu.vector_load %arg18[%swap3A_244, %swap3A_245] {strides = array<i32>} : memref<80x16xf32, #tpu.memory_space<vmem>>, vector<16xf32>,
      tpu.vector_store %arg18[%swap3A_244, %swap3A_245], %mul3A_242 {strides = array<i32>} : memref<80x16xf32, #tpu.memory_space<vmem>>, vector<16xf32>,
      %get3A_247 = arith.constant 11 : i32
      %get3A_248 = arith.index_cast %get3A_247 : i32 to index
      %get3A_249 = arith.constant 0 : index
      %get3A_250 = tpu.vector_load %arg18[%get3A_248, %get3A_249] {strides = array<i32>} : memref<80x16xf32, #tpu.memory_space<vmem>>, vector<16xf32>,
      %slice3A_251 = vector.extract_strided_slice %get3A_116 {offsets = [11], sizes = [1], strides = [1]} : vector<16xf32> to vector<1xf32>
      %squeeze3A_252 = vector.extract %slice3A_251[0] : f32 from vector<1xf32>
      %mul3A_253 = vector.broadcast %squeeze3A_252 : f32 to vector<16xf32>
      %mul3A_254 = arith.mulf %get3A_250, %mul3A_253 : vector<16xf32>
      %swap3A_255 = arith.constant 11 : i32
      %swap3A_256 = arith.index_cast %swap3A_255 : i32 to index
      %swap3A_257 = arith.constant 0 : index
      %swap3A_258 = tpu.vector_load %arg18[%swap3A_256, %swap3A_257] {strides = array<i32>} : memref<80x16xf32, #tpu.memory_space<vmem>>, vector<16xf32>,
      tpu.vector_store %arg18[%swap3A_256, %swap3A_257], %mul3A_254 {strides = array<i32>} : memref<80x16xf32, #tpu.memory_space<vmem>>, vector<16xf32>,
      %get3A_259 = arith.constant 12 : i32
      %get3A_260 = arith.index_cast %get3A_259 : i32 to index
      %get3A_261 = arith.constant 0 : index
      %get3A_262 = tpu.vector_load %arg18[%get3A_260, %get3A_261] {strides = array<i32>} : memref<80x16xf32, #tpu.memory_space<vmem>>, vector<16xf32>,
      %slice3A_263 = vector.extract_strided_slice %get3A_116 {offsets = [12], sizes = [1], strides = [1]} : vector<16xf32> to vector<1xf32>
      %squeeze3A_264 = vector.extract %slice3A_263[0] : f32 from vector<1xf32>
      %mul3A_265 = vector.broadcast %squeeze3A_264 : f32 to vector<16xf32>
      %mul3A_266 = arith.mulf %get3A_262, %mul3A_265 : vector<16xf32>
      %swap3A_267 = arith.constant 12 : i32
      %swap3A_268 = arith.index_cast %swap3A_267 : i32 to index
      %swap3A_269 = arith.constant 0 : index
      %swap3A_270 = tpu.vector_load %arg18[%swap3A_268, %swap3A_269] {strides = array<i32>} : memref<80x16xf32, #tpu.memory_space<vmem>>, vector<16xf32>,
      tpu.vector_store %arg18[%swap3A_268, %swap3A_269], %mul3A_266 {strides = array<i32>} : memref<80x16xf32, #tpu.memory_space<vmem>>, vector<16xf32>,
      %get3A_271 = arith.constant 13 : i32
      %get3A_272 = arith.index_cast %get3A_271 : i32 to index
      %get3A_273 = arith.constant 0 : index
      %get3A_274 = tpu.vector_load %arg18[%get3A_272, %get3A_273] {strides = array<i32>} : memref<80x16xf32, #tpu.memory_space<vmem>>, vector<16xf32>,
      %slice3A_275 = vector.extract_strided_slice %get3A_116 {offsets = [13], sizes = [1], strides = [1]} : vector<16xf32> to vector<1xf32>
      %squeeze3A_276 = vector.extract %slice3A_275[0] : f32 from vector<1xf32>
      %mul3A_277 = vector.broadcast %squeeze3A_276 : f32 to vector<16xf32>
      %mul3A_278 = arith.mulf %get3A_274, %mul3A_277 : vector<16xf32>
      %swap3A_279 = arith.constant 13 : i32
      %swap3A_280 = arith.index_cast %swap3A_279 : i32 to index
      %swap3A_281 = arith.constant 0 : index
      %swap3A_282 = tpu.vector_load %arg18[%swap3A_280, %swap3A_281] {strides = array<i32>} : memref<80x16xf32, #tpu.memory_space<vmem>>, vector<16xf32>,
      tpu.vector_store %arg18[%swap3A_280, %swap3A_281], %mul3A_278 {strides = array<i32>} : memref<80x16xf32, #tpu.memory_space<vmem>>, vector<16xf32>,
      %get3A_283 = arith.constant 14 : i32
      %get3A_284 = arith.index_cast %get3A_283 : i32 to index
      %get3A_285 = arith.constant 0 : index
      %get3A_286 = tpu.vector_load %arg18[%get3A_284, %get3A_285] {strides = array<i32>} : memref<80x16xf32, #tpu.memory_space<vmem>>, vector<16xf32>,
      %slice3A_287 = vector.extract_strided_slice %get3A_116 {offsets = [14], sizes = [1], strides = [1]} : vector<16xf32> to vector<1xf32>
      %squeeze3A_288 = vector.extract %slice3A_287[0] : f32 from vector<1xf32>
      %mul3A_289 = vector.broadcast %squeeze3A_288 : f32 to vector<16xf32>
      %mul3A_290 = arith.mulf %get3A_286, %mul3A_289 : vector<16xf32>
      %swap3A_291 = arith.constant 14 : i32
      %swap3A_292 = arith.index_cast %swap3A_291 : i32 to index
      %swap3A_293 = arith.constant 0 : index
      %swap3A_294 = tpu.vector_load %arg18[%swap3A_292, %swap3A_293] {strides = array<i32>} : memref<80x16xf32, #tpu.memory_space<vmem>>, vector<16xf32>,
      tpu.vector_store %arg18[%swap3A_292, %swap3A_293], %mul3A_290 {strides = array<i32>} : memref<80x16xf32, #tpu.memory_space<vmem>>, vector<16xf32>,
      %get3A_295 = arith.constant 15 : i32
      %get3A_296 = arith.index_cast %get3A_295 : i32 to index
      %get3A_297 = arith.constant 0 : index
      %get3A_298 = tpu.vector_load %arg18[%get3A_296, %get3A_297] {strides = array<i32>} : memref<80x16xf32, #tpu.memory_space<vmem>>, vector<16xf32>,
      %slice3A_299 = vector.extract_strided_slice %get3A_116 {offsets = [15], sizes = [1], strides = [1]} : vector<16xf32> to vector<1xf32>
      %squeeze3A_300 = vector.extract %slice3A_299[0] : f32 from vector<1xf32>
      %mul3A_301 = vector.broadcast %squeeze3A_300 : f32 to vector<16xf32>
      %mul3A_302 = arith.mulf %get3A_298, %mul3A_301 : vector<16xf32>
      %swap3A_303 = arith.constant 15 : i32
      %swap3A_304 = arith.index_cast %swap3A_303 : i32 to index
      %swap3A_305 = arith.constant 0 : index
      %swap3A_306 = tpu.vector_load %arg18[%swap3A_304, %swap3A_305] {strides = array<i32>} : memref<80x16xf32, #tpu.memory_space<vmem>>, vector<16xf32>,
      tpu.vector_store %arg18[%swap3A_304, %swap3A_305], %mul3A_302 {strides = array<i32>} : memref<80x16xf32, #tpu.memory_space<vmem>>, vector<16xf32>,
      %get3A_307 = arith.constant 16 : index
      %get3A_308 = tpu.vector_load %arg17[%get3A_307] {strides = array<i32>} : memref<80xf32, #tpu.memory_space<vmem>>, vector<16xf32>,
      %get3A_309 = arith.constant 16 : i32
      %get3A_310 = arith.index_cast %get3A_309 : i32 to index
      %get3A_311 = arith.constant 0 : index
      %get3A_312 = tpu.vector_load %arg18[%get3A_310, %get3A_311] {strides = array<i32>} : memref<80x16xf32, #tpu.memory_space<vmem>>, vector<16xf32>,
      %slice3A_313 = vector.extract_strided_slice %get3A_308 {offsets = [0], sizes = [1], strides = [1]} : vector<16xf32> to vector<1xf32>
      %squeeze3A_314 = vector.extract %slice3A_313[0] : f32 from vector<1xf32>
      %mul3A_315 = vector.broadcast %squeeze3A_314 : f32 to vector<16xf32>
      %mul3A_316 = arith.mulf %get3A_312, %mul3A_315 : vector<16xf32>
      %swap3A_317 = arith.constant 16 : i32
      %swap3A_318 = arith.index_cast %swap3A_317 : i32 to index
      %swap3A_319 = arith.constant 0 : index
      %swap3A_320 = tpu.vector_load %arg18[%swap3A_318, %swap3A_319] {strides = array<i32>} : memref<80x16xf32, #tpu.memory_space<vmem>>, vector<16xf32>,
      tpu.vector_store %arg18[%swap3A_318, %swap3A_319], %mul3A_316 {strides = array<i32>} : memref<80x16xf32, #tpu.memory_space<vmem>>, vector<16xf32>,
      %get3A_321 = arith.constant 17 : i32
      %get3A_322 = arith.index_cast %get3A_321 : i32 to index
      %get3A_323 = arith.constant 0 : index
      %get3A_324 = tpu.vector_load %arg18[%get3A_322, %get3A_323] {strides = array<i32>} : memref<80x16xf32, #tpu.memory_space<vmem>>, vector<16xf32>,
      %slice3A_325 = vector.extract_strided_slice %get3A_308 {offsets = [1], sizes = [1], strides = [1]} : vector<16xf32> to vector<1xf32>
      %squeeze3A_326 = vector.extract %slice3A_325[0] : f32 from vector<1xf32>
      %mul3A_327 = vector.broadcast %squeeze3A_326 : f32 to vector<16xf32>
      %mul3A_328 = arith.mulf %get3A_324, %mul3A_327 : vector<16xf32>
      %swap3A_329 = arith.constant 17 : i32
      %swap3A_330 = arith.index_cast %swap3A_329 : i32 to index
      %swap3A_331 = arith.constant 0 : index
      %swap3A_332 = tpu.vector_load %arg18[%swap3A_330, %swap3A_331] {strides = array<i32>} : memref<80x16xf32, #tpu.memory_space<vmem>>, vector<16xf32>,
      tpu.vector_store %arg18[%swap3A_330, %swap3A_331], %mul3A_328 {strides = array<i32>} : memref<80x16xf32, #tpu.memory_space<vmem>>, vector<16xf32>,
      %get3A_333 = arith.constant 18 : i32
      %get3A_334 = arith.index_cast %get3A_333 : i32 to index
      %get3A_335 = arith.constant 0 : index
      %get3A_336 = tpu.vector_load %arg18[%get3A_334, %get3A_335] {strides = array<i32>} : memref<80x16xf32, #tpu.memory_space<vmem>>, vector<16xf32>,
      %slice3A_337 = vector.extract_strided_slice %get3A_308 {offsets = [2], sizes = [1], strides = [1]} : vector<16xf32> to vector<1xf32>
      %squeeze3A_338 = vector.extract %slice3A_337[0] : f32 from vector<1xf32>
      %mul3A_339 = vector.broadcast %squeeze3A_338 : f32 to vector<16xf32>
      %mul3A_340 = arith.mulf %get3A_336, %mul3A_339 : vector<16xf32>
      %swap3A_341 = arith.constant 18 : i32
      %swap3A_342 = arith.index_cast %swap3A_341 : i32 to index
      %swap3A_343 = arith.constant 0 : index
      %swap3A_344 = tpu.vector_load %arg18[%swap3A_342, %swap3A_343] {strides = array<i32>} : memref<80x16xf32, #tpu.memory_space<vmem>>, vector<16xf32>,
      tpu.vector_store %arg18[%swap3A_342, %swap3A_343], %mul3A_340 {strides = array<i32>} : memref<80x16xf32, #tpu.memory_space<vmem>>, vector<16xf32>,
      %get3A_345 = arith.constant 19 : i32
      %get3A_346 = arith.index_cast %get3A_345 : i32 to index
      %get3A_347 = arith.constant 0 : index
      %get3A_348 = tpu.vector_load %arg18[%get3A_346, %get3A_347] {strides = array<i32>} : memref<80x16xf32, #tpu.memory_space<vmem>>, vector<16xf32>,
      %slice3A_349 = vector.extract_strided_slice %get3A_308 {offsets = [3], sizes = [1], strides = [1]} : vector<16xf32> to vector<1xf32>
      %squeeze3A_350 = vector.extract %slice3A_349[0] : f32 from vector<1xf32>
      %mul3A_351 = vector.broadcast %squeeze3A_350 : f32 to vector<16xf32>
      %mul3A_352 = arith.mulf %get3A_348, %mul3A_351 : vector<16xf32>
      %swap3A_353 = arith.constant 19 : i32
      %swap3A_354 = arith.index_cast %swap3A_353 : i32 to index
      %swap3A_355 = arith.constant 0 : index
      %swap3A_356 = tpu.vector_load %arg18[%swap3A_354, %swap3A_355] {strides = array<i32>} : memref<80x16xf32, #tpu.memory_space<vmem>>, vector<16xf32>,
      tpu.vector_store %arg18[%swap3A_354, %swap3A_355], %mul3A_352 {strides = array<i32>} : memref<80x16xf32, #tpu.memory_space<vmem>>, vector<16xf32>,
      %get3A_357 = arith.constant 20 : i32
      %get3A_358 = arith.index_cast %get3A_357 : i32 to index
      %get3A_359 = arith.constant 0 : index
      %get3A_360 = tpu.vector_load %arg18[%get3A_358, %get3A_359] {strides = array<i32>} : memref<80x16xf32, #tpu.memory_space<vmem>>, vector<16xf32>,
      %slice3A_361 = vector.extract_strided_slice %get3A_308 {offsets = [4], sizes = [1], strides = [1]} : vector<16xf32> to vector<1xf32>
      %squeeze3A_362 = vector.extract %slice3A_361[0] : f32 from vector<1xf32>
      %mul3A_363 = vector.broadcast %squeeze3A_362 : f32 to vector<16xf32>
      %mul3A_364 = arith.mulf %get3A_360, %mul3A_363 : vector<16xf32>
      %swap3A_365 = arith.constant 20 : i32
      %swap3A_366 = arith.index_cast %swap3A_365 : i32 to index
      %swap3A_367 = arith.constant 0 : index
      %swap3A_368 = tpu.vector_load %arg18[%swap3A_366, %swap3A_367] {strides = array<i32>} : memref<80x16xf32, #tpu.memory_space<vmem>>, vector<16xf32>,
      tpu.vector_store %arg18[%swap3A_366, %swap3A_367], %mul3A_364 {strides = array<i32>} : memref<80x16xf32, #tpu.memory_space<vmem>>, vector<16xf32>,
      %get3A_369 = arith.constant 21 : i32
      %get3A_370 = arith.index_cast %get3A_369 : i32 to index
      %get3A_371 = arith.constant 0 : index
      %get3A_372 = tpu.vector_load %arg18[%get3A_370, %get3A_371] {strides = array<i32>} : memref<80x16xf32, #tpu.memory_space<vmem>>, vector<16xf32>,
      %slice3A_373 = vector.extract_strided_slice %get3A_308 {offsets = [5], sizes = [1], strides = [1]} : vector<16xf32> to vector<1xf32>
      %squeeze3A_374 = vector.extract %slice3A_373[0] : f32 from vector<1xf32>
      %mul3A_375 = vector.broadcast %squeeze3A_374 : f32 to vector<16xf32>
      %mul3A_376 = arith.mulf %get3A_372, %mul3A_375 : vector<16xf32>
      %swap3A_377 = arith.constant 21 : i32
      %swap3A_378 = arith.index_cast %swap3A_377 : i32 to index
      %swap3A_379 = arith.constant 0 : index
      %swap3A_380 = tpu.vector_load %arg18[%swap3A_378, %swap3A_379] {strides = array<i32>} : memref<80x16xf32, #tpu.memory_space<vmem>>, vector<16xf32>,
      tpu.vector_store %arg18[%swap3A_378, %swap3A_379], %mul3A_376 {strides = array<i32>} : memref<80x16xf32, #tpu.memory_space<vmem>>, vector<16xf32>,
      %get3A_381 = arith.constant 22 : i32
      %get3A_382 = arith.index_cast %get3A_381 : i32 to index
      %get3A_383 = arith.constant 0 : index
      %get3A_384 = tpu.vector_load %arg18[%get3A_382, %get3A_383] {strides = array<i32>} : memref<80x16xf32, #tpu.memory_space<vmem>>, vector<16xf32>,
      %slice3A_385 = vector.extract_strided_slice %get3A_308 {offsets = [6], sizes = [1], strides = [1]} : vector<16xf32> to vector<1xf32>
      %squeeze3A_386 = vector.extract %slice3A_385[0] : f32 from vector<1xf32>
      %mul3A_387 = vector.broadcast %squeeze3A_386 : f32 to vector<16xf32>
      %mul3A_388 = arith.mulf %get3A_384, %mul3A_387 : vector<16xf32>
      %swap3A_389 = arith.constant 22 : i32
      %swap3A_390 = arith.index_cast %swap3A_389 : i32 to index
      %swap3A_391 = arith.constant 0 : index
      %swap3A_392 = tpu.vector_load %arg18[%swap3A_390, %swap3A_391] {strides = array<i32>} : memref<80x16xf32, #tpu.memory_space<vmem>>, vector<16xf32>,
      tpu.vector_store %arg18[%swap3A_390, %swap3A_391], %mul3A_388 {strides = array<i32>} : memref<80x16xf32, #tpu.memory_space<vmem>>, vector<16xf32>,
      %get3A_393 = arith.constant 23 : i32
      %get3A_394 = arith.index_cast %get3A_393 : i32 to index
      %get3A_395 = arith.constant 0 : index
      %get3A_396 = tpu.vector_load %arg18[%get3A_394, %get3A_395] {strides = array<i32>} : memref<80x16xf32, #tpu.memory_space<vmem>>, vector<16xf32>,
      %slice3A_397 = vector.extract_strided_slice %get3A_308 {offsets = [7], sizes = [1], strides = [1]} : vector<16xf32> to vector<1xf32>
      %squeeze3A_398 = vector.extract %slice3A_397[0] : f32 from vector<1xf32>
      %mul3A_399 = vector.broadcast %squeeze3A_398 : f32 to vector<16xf32>
      %mul3A_400 = arith.mulf %get3A_396, %mul3A_399 : vector<16xf32>
      %swap3A_401 = arith.constant 23 : i32
      %swap3A_402 = arith.index_cast %swap3A_401 : i32 to index
      %swap3A_403 = arith.constant 0 : index
      %swap3A_404 = tpu.vector_load %arg18[%swap3A_402, %swap3A_403] {strides = array<i32>} : memref<80x16xf32, #tpu.memory_space<vmem>>, vector<16xf32>,
      tpu.vector_store %arg18[%swap3A_402, %swap3A_403], %mul3A_400 {strides = array<i32>} : memref<80x16xf32, #tpu.memory_space<vmem>>, vector<16xf32>,
      %get3A_405 = arith.constant 24 : i32
      %get3A_406 = arith.index_cast %get3A_405 : i32 to index
      %get3A_407 = arith.constant 0 : index
      %get3A_408 = tpu.vector_load %arg18[%get3A_406, %get3A_407] {strides = array<i32>} : memref<80x16xf32, #tpu.memory_space<vmem>>, vector<16xf32>,
      %slice3A_409 = vector.extract_strided_slice %get3A_308 {offsets = [8], sizes = [1], strides = [1]} : vector<16xf32> to vector<1xf32>
      %squeeze3A_410 = vector.extract %slice3A_409[0] : f32 from vector<1xf32>
      %mul3A_411 = vector.broadcast %squeeze3A_410 : f32 to vector<16xf32>
      %mul3A_412 = arith.mulf %get3A_408, %mul3A_411 : vector<16xf32>
      %swap3A_413 = arith.constant 24 : i32
      %swap3A_414 = arith.index_cast %swap3A_413 : i32 to index
      %swap3A_415 = arith.constant 0 : index
      %swap3A_416 = tpu.vector_load %arg18[%swap3A_414, %swap3A_415] {strides = array<i32>} : memref<80x16xf32, #tpu.memory_space<vmem>>, vector<16xf32>,
      tpu.vector_store %arg18[%swap3A_414, %swap3A_415], %mul3A_412 {strides = array<i32>} : memref<80x16xf32, #tpu.memory_space<vmem>>, vector<16xf32>,
      %get3A_417 = arith.constant 25 : i32
      %get3A_418 = arith.index_cast %get3A_417 : i32 to index
      %get3A_419 = arith.constant 0 : index
      %get3A_420 = tpu.vector_load %arg18[%get3A_418, %get3A_419] {strides = array<i32>} : memref<80x16xf32, #tpu.memory_space<vmem>>, vector<16xf32>,
      %slice3A_421 = vector.extract_strided_slice %get3A_308 {offsets = [9], sizes = [1], strides = [1]} : vector<16xf32> to vector<1xf32>
      %squeeze3A_422 = vector.extract %slice3A_421[0] : f32 from vector<1xf32>
      %mul3A_423 = vector.broadcast %squeeze3A_422 : f32 to vector<16xf32>
      %mul3A_424 = arith.mulf %get3A_420, %mul3A_423 : vector<16xf32>
      %swap3A_425 = arith.constant 25 : i32
      %swap3A_426 = arith.index_cast %swap3A_425 : i32 to index
      %swap3A_427 = arith.constant 0 : index
      %swap3A_428 = tpu.vector_load %arg18[%swap3A_426, %swap3A_427] {strides = array<i32>} : memref<80x16xf32, #tpu.memory_space<vmem>>, vector<16xf32>,
      tpu.vector_store %arg18[%swap3A_426, %swap3A_427], %mul3A_424 {strides = array<i32>} : memref<80x16xf32, #tpu.memory_space<vmem>>, vector<16xf32>,
      %get3A_429 = arith.constant 26 : i32
      %get3A_430 = arith.index_cast %get3A_429 : i32 to index
      %get3A_431 = arith.constant 0 : index
      %get3A_432 = tpu.vector_load %arg18[%get3A_430, %get3A_431] {strides = array<i32>} : memref<80x16xf32, #tpu.memory_space<vmem>>, vector<16xf32>,
      %slice3A_433 = vector.extract_strided_slice %get3A_308 {offsets = [10], sizes = [1], strides = [1]} : vector<16xf32> to vector<1xf32>
      %squeeze3A_434 = vector.extract %slice3A_433[0] : f32 from vector<1xf32>
      %mul3A_435 = vector.broadcast %squeeze3A_434 : f32 to vector<16xf32>
      %mul3A_436 = arith.mulf %get3A_432, %mul3A_435 : vector<16xf32>
      %swap3A_437 = arith.constant 26 : i32
      %swap3A_438 = arith.index_cast %swap3A_437 : i32 to index
      %swap3A_439 = arith.constant 0 : index
      %swap3A_440 = tpu.vector_load %arg18[%swap3A_438, %swap3A_439] {strides = array<i32>} : memref<80x16xf32, #tpu.memory_space<vmem>>, vector<16xf32>,
      tpu.vector_store %arg18[%swap3A_438, %swap3A_439], %mul3A_436 {strides = array<i32>} : memref<80x16xf32, #tpu.memory_space<vmem>>, vector<16xf32>,
      %get3A_441 = arith.constant 27 : i32
      %get3A_442 = arith.index_cast %get3A_441 : i32 to index
      %get3A_443 = arith.constant 0 : index
      %get3A_444 = tpu.vector_load %arg18[%get3A_442, %get3A_443] {strides = array<i32>} : memref<80x16xf32, #tpu.memory_space<vmem>>, vector<16xf32>,
      %slice3A_445 = vector.extract_strided_slice %get3A_308 {offsets = [11], sizes = [1], strides = [1]} : vector<16xf32> to vector<1xf32>
      %squeeze3A_446 = vector.extract %slice3A_445[0] : f32 from vector<1xf32>
      %mul3A_447 = vector.broadcast %squeeze3A_446 : f32 to vector<16xf32>
      %mul3A_448 = arith.mulf %get3A_444, %mul3A_447 : vector<16xf32>
      %swap3A_449 = arith.constant 27 : i32
      %swap3A_450 = arith.index_cast %swap3A_449 : i32 to index
      %swap3A_451 = arith.constant 0 : index
      %swap3A_452 = tpu.vector_load %arg18[%swap3A_450, %swap3A_451] {strides = array<i32>} : memref<80x16xf32, #tpu.memory_space<vmem>>, vector<16xf32>,
      tpu.vector_store %arg18[%swap3A_450, %swap3A_451], %mul3A_448 {strides = array<i32>} : memref<80x16xf32, #tpu.memory_space<vmem>>, vector<16xf32>,
      %get3A_453 = arith.constant 28 : i32
      %get3A_454 = arith.index_cast %get3A_453 : i32 to index
      %get3A_455 = arith.constant 0 : index
      %get3A_456 = tpu.vector_load %arg18[%get3A_454, %get3A_455] {strides = array<i32>} : memref<80x16xf32, #tpu.memory_space<vmem>>, vector<16xf32>,
      %slice3A_457 = vector.extract_strided_slice %get3A_308 {offsets = [12], sizes = [1], strides = [1]} : vector<16xf32> to vector<1xf32>
      %squeeze3A_458 = vector.extract %slice3A_457[0] : f32 from vector<1xf32>
      %mul3A_459 = vector.broadcast %squeeze3A_458 : f32 to vector<16xf32>
      %mul3A_460 = arith.mulf %get3A_456, %mul3A_459 : vector<16xf32>
      %swap3A_461 = arith.constant 28 : i32
      %swap3A_462 = arith.index_cast %swap3A_461 : i32 to index
      %swap3A_463 = arith.constant 0 : index
      %swap3A_464 = tpu.vector_load %arg18[%swap3A_462, %swap3A_463] {strides = array<i32>} : memref<80x16xf32, #tpu.memory_space<vmem>>, vector<16xf32>,
      tpu.vector_store %arg18[%swap3A_462, %swap3A_463], %mul3A_460 {strides = array<i32>} : memref<80x16xf32, #tpu.memory_space<vmem>>, vector<16xf32>,
      %get3A_465 = arith.constant 29 : i32
      %get3A_466 = arith.index_cast %get3A_465 : i32 to index
      %get3A_467 = arith.constant 0 : index
      %get3A_468 = tpu.vector_load %arg18[%get3A_466, %get3A_467] {strides = array<i32>} : memref<80x16xf32, #tpu.memory_space<vmem>>, vector<16xf32>,
      %slice3A_469 = vector.extract_strided_slice %get3A_308 {offsets = [13], sizes = [1], strides = [1]} : vector<16xf32> to vector<1xf32>
      %squeeze3A_470 = vector.extract %slice3A_469[0] : f32 from vector<1xf32>
      %mul3A_471 = vector.broadcast %squeeze3A_470 : f32 to vector<16xf32>
      %mul3A_472 = arith.mulf %get3A_468, %mul3A_471 : vector<16xf32>
      %swap3A_473 = arith.constant 29 : i32
      %swap3A_474 = arith.index_cast %swap3A_473 : i32 to index
      %swap3A_475 = arith.constant 0 : index
      %swap3A_476 = tpu.vector_load %arg18[%swap3A_474, %swap3A_475] {strides = array<i32>} : memref<80x16xf32, #tpu.memory_space<vmem>>, vector<16xf32>,
      tpu.vector_store %arg18[%swap3A_474, %swap3A_475], %mul3A_472 {strides = array<i32>} : memref<80x16xf32, #tpu.memory_space<vmem>>, vector<16xf32>,
      %get3A_477 = arith.constant 30 : i32
      %get3A_478 = arith.index_cast %get3A_477 : i32 to index
      %get3A_479 = arith.constant 0 : index
      %get3A_480 = tpu.vector_load %arg18[%get3A_478, %get3A_479] {strides = array<i32>} : memref<80x16xf32, #tpu.memory_space<vmem>>, vector<16xf32>,
      %slice3A_481 = vector.extract_strided_slice %get3A_308 {offsets = [14], sizes = [1], strides = [1]} : vector<16xf32> to vector<1xf32>
      %squeeze3A_482 = vector.extract %slice3A_481[0] : f32 from vector<1xf32>
      %mul3A_483 = vector.broadcast %squeeze3A_482 : f32 to vector<16xf32>
      %mul3A_484 = arith.mulf %get3A_480, %mul3A_483 : vector<16xf32>
      %swap3A_485 = arith.constant 30 : i32
      %swap3A_486 = arith.index_cast %swap3A_485 : i32 to index
      %swap3A_487 = arith.constant 0 : index
      %swap3A_488 = tpu.vector_load %arg18[%swap3A_486, %swap3A_487] {strides = array<i32>} : memref<80x16xf32, #tpu.memory_space<vmem>>, vector<16xf32>,
      tpu.vector_store %arg18[%swap3A_486, %swap3A_487], %mul3A_484 {strides = array<i32>} : memref<80x16xf32, #tpu.memory_space<vmem>>, vector<16xf32>,
      %get3A_489 = arith.constant 31 : i32
      %get3A_490 = arith.index_cast %get3A_489 : i32 to index
      %get3A_491 = arith.constant 0 : index
      %get3A_492 = tpu.vector_load %arg18[%get3A_490, %get3A_491] {strides = array<i32>} : memref<80x16xf32, #tpu.memory_space<vmem>>, vector<16xf32>,
      %slice3A_493 = vector.extract_strided_slice %get3A_308 {offsets = [15], sizes = [1], strides = [1]} : vector<16xf32> to vector<1xf32>
      %squeeze3A_494 = vector.extract %slice3A_493[0] : f32 from vector<1xf32>
      %mul3A_495 = vector.broadcast %squeeze3A_494 : f32 to vector<16xf32>
      %mul3A_496 = arith.mulf %get3A_492, %mul3A_495 : vector<16xf32>
      %swap3A_497 = arith.constant 31 : i32
      %swap3A_498 = arith.index_cast %swap3A_497 : i32 to index
      %swap3A_499 = arith.constant 0 : index
      %swap3A_500 = tpu.vector_load %arg18[%swap3A_498, %swap3A_499] {strides = array<i32>} : memref<80x16xf32, #tpu.memory_space<vmem>>, vector<16xf32>,
      tpu.vector_store %arg18[%swap3A_498, %swap3A_499], %mul3A_496 {strides = array<i32>} : memref<80x16xf32, #tpu.memory_space<vmem>>, vector<16xf32>,
      %get3A_501 = arith.constant 32 : index
      %get3A_502 = tpu.vector_load %arg17[%get3A_501] {strides = array<i32>} : memref<80xf32, #tpu.memory_space<vmem>>, vector<16xf32>,
      %get3A_503 = arith.constant 32 : i32
      %get3A_504 = arith.index_cast %get3A_503 : i32 to index
      %get3A_505 = arith.constant 0 : index
      %get3A_506 = tpu.vector_load %arg18[%get3A_504, %get3A_505] {strides = array<i32>} : memref<80x16xf32, #tpu.memory_space<vmem>>, vector<16xf32>,
      %slice3A_507 = vector.extract_strided_slice %get3A_502 {offsets = [0], sizes = [1], strides = [1]} : vector<16xf32> to vector<1xf32>
      %squeeze3A_508 = vector.extract %slice3A_507[0] : f32 from vector<1xf32>
      %mul3A_509 = vector.broadcast %squeeze3A_508 : f32 to vector<16xf32>
      %mul3A_510 = arith.mulf %get3A_506, %mul3A_509 : vector<16xf32>
      %swap3A_511 = arith.constant 32 : i32
      %swap3A_512 = arith.index_cast %swap3A_511 : i32 to index
      %swap3A_513 = arith.constant 0 : index
      %swap3A_514 = tpu.vector_load %arg18[%swap3A_512, %swap3A_513] {strides = array<i32>} : memref<80x16xf32, #tpu.memory_space<vmem>>, vector<16xf32>,
      tpu.vector_store %arg18[%swap3A_512, %swap3A_513], %mul3A_510 {strides = array<i32>} : memref<80x16xf32, #tpu.memory_space<vmem>>, vector<16xf32>,
      %get3A_515 = arith.constant 33 : i32
      %get3A_516 = arith.index_cast %get3A_515 : i32 to index
      %get3A_517 = arith.constant 0 : index
      %get3A_518 = tpu.vector_load %arg18[%get3A_516, %get3A_517] {strides = array<i32>} : memref<80x16xf32, #tpu.memory_space<vmem>>, vector<16xf32>,
      %slice3A_519 = vector.extract_strided_slice %get3A_502 {offsets = [1], sizes = [1], strides = [1]} : vector<16xf32> to vector<1xf32>
      %squeeze3A_520 = vector.extract %slice3A_519[0] : f32 from vector<1xf32>
      %mul3A_521 = vector.broadcast %squeeze3A_520 : f32 to vector<16xf32>
      %mul3A_522 = arith.mulf %get3A_518, %mul3A_521 : vector<16xf32>
      %swap3A_523 = arith.constant 33 : i32
      %swap3A_524 = arith.index_cast %swap3A_523 : i32 to index
      %swap3A_525 = arith.constant 0 : index
      %swap3A_526 = tpu.vector_load %arg18[%swap3A_524, %swap3A_525] {strides = array<i32>} : memref<80x16xf32, #tpu.memory_space<vmem>>, vector<16xf32>,
      tpu.vector_store %arg18[%swap3A_524, %swap3A_525], %mul3A_522 {strides = array<i32>} : memref<80x16xf32, #tpu.memory_space<vmem>>, vector<16xf32>,
      %get3A_527 = arith.constant 34 : i32
      %get3A_528 = arith.index_cast %get3A_527 : i32 to index
      %get3A_529 = arith.constant 0 : index
      %get3A_530 = tpu.vector_load %arg18[%get3A_528, %get3A_529] {strides = array<i32>} : memref<80x16xf32, #tpu.memory_space<vmem>>, vector<16xf32>,
      %slice3A_531 = vector.extract_strided_slice %get3A_502 {offsets = [2], sizes = [1], strides = [1]} : vector<16xf32> to vector<1xf32>
      %squeeze3A_532 = vector.extract %slice3A_531[0] : f32 from vector<1xf32>
      %mul3A_533 = vector.broadcast %squeeze3A_532 : f32 to vector<16xf32>
      %mul3A_534 = arith.mulf %get3A_530, %mul3A_533 : vector<16xf32>
      %swap3A_535 = arith.constant 34 : i32
      %swap3A_536 = arith.index_cast %swap3A_535 : i32 to index
      %swap3A_537 = arith.constant 0 : index
      %swap3A_538 = tpu.vector_load %arg18[%swap3A_536, %swap3A_537] {strides = array<i32>} : memref<80x16xf32, #tpu.memory_space<vmem>>, vector<16xf32>,
      tpu.vector_store %arg18[%swap3A_536, %swap3A_537], %mul3A_534 {strides = array<i32>} : memref<80x16xf32, #tpu.memory_space<vmem>>, vector<16xf32>,
      %get3A_539 = arith.constant 35 : i32
      %get3A_540 = arith.index_cast %get3A_539 : i32 to index
      %get3A_541 = arith.constant 0 : index
      %get3A_542 = tpu.vector_load %arg18[%get3A_540, %get3A_541] {strides = array<i32>} : memref<80x16xf32, #tpu.memory_space<vmem>>, vector<16xf32>,
      %slice3A_543 = vector.extract_strided_slice %get3A_502 {offsets = [3], sizes = [1], strides = [1]} : vector<16xf32> to vector<1xf32>
      %squeeze3A_544 = vector.extract %slice3A_543[0] : f32 from vector<1xf32>
      %mul3A_545 = vector.broadcast %squeeze3A_544 : f32 to vector<16xf32>
      %mul3A_546 = arith.mulf %get3A_542, %mul3A_545 : vector<16xf32>
      %swap3A_547 = arith.constant 35 : i32
      %swap3A_548 = arith.index_cast %swap3A_547 : i32 to index
      %swap3A_549 = arith.constant 0 : index
      %swap3A_550 = tpu.vector_load %arg18[%swap3A_548, %swap3A_549] {strides = array<i32>} : memref<80x16xf32, #tpu.memory_space<vmem>>, vector<16xf32>,
      tpu.vector_store %arg18[%swap3A_548, %swap3A_549], %mul3A_546 {strides = array<i32>} : memref<80x16xf32, #tpu.memory_space<vmem>>, vector<16xf32>,
      %get3A_551 = arith.constant 36 : i32
      %get3A_552 = arith.index_cast %get3A_551 : i32 to index
      %get3A_553 = arith.constant 0 : index
      %get3A_554 = tpu.vector_load %arg18[%get3A_552, %get3A_553] {strides = array<i32>} : memref<80x16xf32, #tpu.memory_space<vmem>>, vector<16xf32>,
      %slice3A_555 = vector.extract_strided_slice %get3A_502 {offsets = [4], sizes = [1], strides = [1]} : vector<16xf32> to vector<1xf32>
      %squeeze3A_556 = vector.extract %slice3A_555[0] : f32 from vector<1xf32>
      %mul3A_557 = vector.broadcast %squeeze3A_556 : f32 to vector<16xf32>
      %mul3A_558 = arith.mulf %get3A_554, %mul3A_557 : vector<16xf32>
      %swap3A_559 = arith.constant 36 : i32
      %swap3A_560 = arith.index_cast %swap3A_559 : i32 to index
      %swap3A_561 = arith.constant 0 : index
      %swap3A_562 = tpu.vector_load %arg18[%swap3A_560, %swap3A_561] {strides = array<i32>} : memref<80x16xf32, #tpu.memory_space<vmem>>, vector<16xf32>,
      tpu.vector_store %arg18[%swap3A_560, %swap3A_561], %mul3A_558 {strides = array<i32>} : memref<80x16xf32, #tpu.memory_space<vmem>>, vector<16xf32>,
      %get3A_563 = arith.constant 37 : i32
      %get3A_564 = arith.index_cast %get3A_563 : i32 to index
      %get3A_565 = arith.constant 0 : index
      %get3A_566 = tpu.vector_load %arg18[%get3A_564, %get3A_565] {strides = array<i32>} : memref<80x16xf32, #tpu.memory_space<vmem>>, vector<16xf32>,
      %slice3A_567 = vector.extract_strided_slice %get3A_502 {offsets = [5], sizes = [1], strides = [1]} : vector<16xf32> to vector<1xf32>
      %squeeze3A_568 = vector.extract %slice3A_567[0] : f32 from vector<1xf32>
      %mul3A_569 = vector.broadcast %squeeze3A_568 : f32 to vector<16xf32>
      %mul3A_570 = arith.mulf %get3A_566, %mul3A_569 : vector<16xf32>
      %swap3A_571 = arith.constant 37 : i32
      %swap3A_572 = arith.index_cast %swap3A_571 : i32 to index
      %swap3A_573 = arith.constant 0 : index
      %swap3A_574 = tpu.vector_load %arg18[%swap3A_572, %swap3A_573] {strides = array<i32>} : memref<80x16xf32, #tpu.memory_space<vmem>>, vector<16xf32>,
      tpu.vector_store %arg18[%swap3A_572, %swap3A_573], %mul3A_570 {strides = array<i32>} : memref<80x16xf32, #tpu.memory_space<vmem>>, vector<16xf32>,
      %get3A_575 = arith.constant 38 : i32
      %get3A_576 = arith.index_cast %get3A_575 : i32 to index
      %get3A_577 = arith.constant 0 : index
      %get3A_578 = tpu.vector_load %arg18[%get3A_576, %get3A_577] {strides = array<i32>} : memref<80x16xf32, #tpu.memory_space<vmem>>, vector<16xf32>,
      %slice3A_579 = vector.extract_strided_slice %get3A_502 {offsets = [6], sizes = [1], strides = [1]} : vector<16xf32> to vector<1xf32>
      %squeeze3A_580 = vector.extract %slice3A_579[0] : f32 from vector<1xf32>
      %mul3A_581 = vector.broadcast %squeeze3A_580 : f32 to vector<16xf32>
      %mul3A_582 = arith.mulf %get3A_578, %mul3A_581 : vector<16xf32>
      %swap3A_583 = arith.constant 38 : i32
      %swap3A_584 = arith.index_cast %swap3A_583 : i32 to index
      %swap3A_585 = arith.constant 0 : index
      %swap3A_586 = tpu.vector_load %arg18[%swap3A_584, %swap3A_585] {strides = array<i32>} : memref<80x16xf32, #tpu.memory_space<vmem>>, vector<16xf32>,
      tpu.vector_store %arg18[%swap3A_584, %swap3A_585], %mul3A_582 {strides = array<i32>} : memref<80x16xf32, #tpu.memory_space<vmem>>, vector<16xf32>,
      %get3A_587 = arith.constant 39 : i32
      %get3A_588 = arith.index_cast %get3A_587 : i32 to index
      %get3A_589 = arith.constant 0 : index
      %get3A_590 = tpu.vector_load %arg18[%get3A_588, %get3A_589] {strides = array<i32>} : memref<80x16xf32, #tpu.memory_space<vmem>>, vector<16xf32>,
      %slice3A_591 = vector.extract_strided_slice %get3A_502 {offsets = [7], sizes = [1], strides = [1]} : vector<16xf32> to vector<1xf32>
      %squeeze3A_592 = vector.extract %slice3A_591[0] : f32 from vector<1xf32>
      %mul3A_593 = vector.broadcast %squeeze3A_592 : f32 to vector<16xf32>
      %mul3A_594 = arith.mulf %get3A_590, %mul3A_593 : vector<16xf32>
      %swap3A_595 = arith.constant 39 : i32
      %swap3A_596 = arith.index_cast %swap3A_595 : i32 to index
      %swap3A_597 = arith.constant 0 : index
      %swap3A_598 = tpu.vector_load %arg18[%swap3A_596, %swap3A_597] {strides = array<i32>} : memref<80x16xf32, #tpu.memory_space<vmem>>, vector<16xf32>,
      tpu.vector_store %arg18[%swap3A_596, %swap3A_597], %mul3A_594 {strides = array<i32>} : memref<80x16xf32, #tpu.memory_space<vmem>>, vector<16xf32>,
      %get3A_599 = arith.constant 40 : i32
      %get3A_600 = arith.index_cast %get3A_599 : i32 to index
      %get3A_601 = arith.constant 0 : index
      %get3A_602 = tpu.vector_load %arg18[%get3A_600, %get3A_601] {strides = array<i32>} : memref<80x16xf32, #tpu.memory_space<vmem>>, vector<16xf32>,
      %slice3A_603 = vector.extract_strided_slice %get3A_502 {offsets = [8], sizes = [1], strides = [1]} : vector<16xf32> to vector<1xf32>
      %squeeze3A_604 = vector.extract %slice3A_603[0] : f32 from vector<1xf32>
      %mul3A_605 = vector.broadcast %squeeze3A_604 : f32 to vector<16xf32>
      %mul3A_606 = arith.mulf %get3A_602, %mul3A_605 : vector<16xf32>
      %swap3A_607 = arith.constant 40 : i32
      %swap3A_608 = arith.index_cast %swap3A_607 : i32 to index
      %swap3A_609 = arith.constant 0 : index
      %swap3A_610 = tpu.vector_load %arg18[%swap3A_608, %swap3A_609] {strides = array<i32>} : memref<80x16xf32, #tpu.memory_space<vmem>>, vector<16xf32>,
      tpu.vector_store %arg18[%swap3A_608, %swap3A_609], %mul3A_606 {strides = array<i32>} : memref<80x16xf32, #tpu.memory_space<vmem>>, vector<16xf32>,
      %get3A_611 = arith.constant 41 : i32
      %get3A_612 = arith.index_cast %get3A_611 : i32 to index
      %get3A_613 = arith.constant 0 : index
      %get3A_614 = tpu.vector_load %arg18[%get3A_612, %get3A_613] {strides = array<i32>} : memref<80x16xf32, #tpu.memory_space<vmem>>, vector<16xf32>,
      %slice3A_615 = vector.extract_strided_slice %get3A_502 {offsets = [9], sizes = [1], strides = [1]} : vector<16xf32> to vector<1xf32>
      %squeeze3A_616 = vector.extract %slice3A_615[0] : f32 from vector<1xf32>
      %mul3A_617 = vector.broadcast %squeeze3A_616 : f32 to vector<16xf32>
      %mul3A_618 = arith.mulf %get3A_614, %mul3A_617 : vector<16xf32>
      %swap3A_619 = arith.constant 41 : i32
      %swap3A_620 = arith.index_cast %swap3A_619 : i32 to index
      %swap3A_621 = arith.constant 0 : index
      %swap3A_622 = tpu.vector_load %arg18[%swap3A_620, %swap3A_621] {strides = array<i32>} : memref<80x16xf32, #tpu.memory_space<vmem>>, vector<16xf32>,
      tpu.vector_store %arg18[%swap3A_620, %swap3A_621], %mul3A_618 {strides = array<i32>} : memref<80x16xf32, #tpu.memory_space<vmem>>, vector<16xf32>,
      %get3A_623 = arith.constant 42 : i32
      %get3A_624 = arith.index_cast %get3A_623 : i32 to index
      %get3A_625 = arith.constant 0 : index
      %get3A_626 = tpu.vector_load %arg18[%get3A_624, %get3A_625] {strides = array<i32>} : memref<80x16xf32, #tpu.memory_space<vmem>>, vector<16xf32>,
      %slice3A_627 = vector.extract_strided_slice %get3A_502 {offsets = [10], sizes = [1], strides = [1]} : vector<16xf32> to vector<1xf32>
      %squeeze3A_628 = vector.extract %slice3A_627[0] : f32 from vector<1xf32>
      %mul3A_629 = vector.broadcast %squeeze3A_628 : f32 to vector<16xf32>
      %mul3A_630 = arith.mulf %get3A_626, %mul3A_629 : vector<16xf32>
      %swap3A_631 = arith.constant 42 : i32
      %swap3A_632 = arith.index_cast %swap3A_631 : i32 to index
      %swap3A_633 = arith.constant 0 : index
      %swap3A_634 = tpu.vector_load %arg18[%swap3A_632, %swap3A_633] {strides = array<i32>} : memref<80x16xf32, #tpu.memory_space<vmem>>, vector<16xf32>,
      tpu.vector_store %arg18[%swap3A_632, %swap3A_633], %mul3A_630 {strides = array<i32>} : memref<80x16xf32, #tpu.memory_space<vmem>>, vector<16xf32>,
      %get3A_635 = arith.constant 43 : i32
      %get3A_636 = arith.index_cast %get3A_635 : i32 to index
      %get3A_637 = arith.constant 0 : index
      %get3A_638 = tpu.vector_load %arg18[%get3A_636, %get3A_637] {strides = array<i32>} : memref<80x16xf32, #tpu.memory_space<vmem>>, vector<16xf32>,
      %slice3A_639 = vector.extract_strided_slice %get3A_502 {offsets = [11], sizes = [1], strides = [1]} : vector<16xf32> to vector<1xf32>
      %squeeze3A_640 = vector.extract %slice3A_639[0] : f32 from vector<1xf32>
      %mul3A_641 = vector.broadcast %squeeze3A_640 : f32 to vector<16xf32>
      %mul3A_642 = arith.mulf %get3A_638, %mul3A_641 : vector<16xf32>
      %swap3A_643 = arith.constant 43 : i32
      %swap3A_644 = arith.index_cast %swap3A_643 : i32 to index
      %swap3A_645 = arith.constant 0 : index
      %swap3A_646 = tpu.vector_load %arg18[%swap3A_644, %swap3A_645] {strides = array<i32>} : memref<80x16xf32, #tpu.memory_space<vmem>>, vector<16xf32>,
      tpu.vector_store %arg18[%swap3A_644, %swap3A_645], %mul3A_642 {strides = array<i32>} : memref<80x16xf32, #tpu.memory_space<vmem>>, vector<16xf32>,
      %get3A_647 = arith.constant 44 : i32
      %get3A_648 = arith.index_cast %get3A_647 : i32 to index
      %get3A_649 = arith.constant 0 : index
      %get3A_650 = tpu.vector_load %arg18[%get3A_648, %get3A_649] {strides = array<i32>} : memref<80x16xf32, #tpu.memory_space<vmem>>, vector<16xf32>,
      %slice3A_651 = vector.extract_strided_slice %get3A_502 {offsets = [12], sizes = [1], strides = [1]} : vector<16xf32> to vector<1xf32>
      %squeeze3A_652 = vector.extract %slice3A_651[0] : f32 from vector<1xf32>
      %mul3A_653 = vector.broadcast %squeeze3A_652 : f32 to vector<16xf32>
      %mul3A_654 = arith.mulf %get3A_650, %mul3A_653 : vector<16xf32>
      %swap3A_655 = arith.constant 44 : i32
      %swap3A_656 = arith.index_cast %swap3A_655 : i32 to index
      %swap3A_657 = arith.constant 0 : index
      %swap3A_658 = tpu.vector_load %arg18[%swap3A_656, %swap3A_657] {strides = array<i32>} : memref<80x16xf32, #tpu.memory_space<vmem>>, vector<16xf32>,
      tpu.vector_store %arg18[%swap3A_656, %swap3A_657], %mul3A_654 {strides = array<i32>} : memref<80x16xf32, #tpu.memory_space<vmem>>, vector<16xf32>,
      %get3A_659 = arith.constant 45 : i32
      %get3A_660 = arith.index_cast %get3A_659 : i32 to index
      %get3A_661 = arith.constant 0 : index
      %get3A_662 = tpu.vector_load %arg18[%get3A_660, %get3A_661] {strides = array<i32>} : memref<80x16xf32, #tpu.memory_space<vmem>>, vector<16xf32>,
      %slice3A_663 = vector.extract_strided_slice %get3A_502 {offsets = [13], sizes = [1], strides = [1]} : vector<16xf32> to vector<1xf32>
      %squeeze3A_664 = vector.extract %slice3A_663[0] : f32 from vector<1xf32>
      %mul3A_665 = vector.broadcast %squeeze3A_664 : f32 to vector<16xf32>
      %mul3A_666 = arith.mulf %get3A_662, %mul3A_665 : vector<16xf32>
      %swap3A_667 = arith.constant 45 : i32
      %swap3A_668 = arith.index_cast %swap3A_667 : i32 to index
      %swap3A_669 = arith.constant 0 : index
      %swap3A_670 = tpu.vector_load %arg18[%swap3A_668, %swap3A_669] {strides = array<i32>} : memref<80x16xf32, #tpu.memory_space<vmem>>, vector<16xf32>,
      tpu.vector_store %arg18[%swap3A_668, %swap3A_669], %mul3A_666 {strides = array<i32>} : memref<80x16xf32, #tpu.memory_space<vmem>>, vector<16xf32>,
      %get3A_671 = arith.constant 46 : i32
      %get3A_672 = arith.index_cast %get3A_671 : i32 to index
      %get3A_673 = arith.constant 0 : index
      %get3A_674 = tpu.vector_load %arg18[%get3A_672, %get3A_673] {strides = array<i32>} : memref<80x16xf32, #tpu.memory_space<vmem>>, vector<16xf32>,
      %slice3A_675 = vector.extract_strided_slice %get3A_502 {offsets = [14], sizes = [1], strides = [1]} : vector<16xf32> to vector<1xf32>
      %squeeze3A_676 = vector.extract %slice3A_675[0] : f32 from vector<1xf32>
      %mul3A_677 = vector.broadcast %squeeze3A_676 : f32 to vector<16xf32>
      %mul3A_678 = arith.mulf %get3A_674, %mul3A_677 : vector<16xf32>
      %swap3A_679 = arith.constant 46 : i32
      %swap3A_680 = arith.index_cast %swap3A_679 : i32 to index
      %swap3A_681 = arith.constant 0 : index
      %swap3A_682 = tpu.vector_load %arg18[%swap3A_680, %swap3A_681] {strides = array<i32>} : memref<80x16xf32, #tpu.memory_space<vmem>>, vector<16xf32>,
      tpu.vector_store %arg18[%swap3A_680, %swap3A_681], %mul3A_678 {strides = array<i32>} : memref<80x16xf32, #tpu.memory_space<vmem>>, vector<16xf32>,
      %get3A_683 = arith.constant 47 : i32
      %get3A_684 = arith.index_cast %get3A_683 : i32 to index
      %get3A_685 = arith.constant 0 : index
      %get3A_686 = tpu.vector_load %arg18[%get3A_684, %get3A_685] {strides = array<i32>} : memref<80x16xf32, #tpu.memory_space<vmem>>, vector<16xf32>,
      %slice3A_687 = vector.extract_strided_slice %get3A_502 {offsets = [15], sizes = [1], strides = [1]} : vector<16xf32> to vector<1xf32>
      %squeeze3A_688 = vector.extract %slice3A_687[0] : f32 from vector<1xf32>
      %mul3A_689 = vector.broadcast %squeeze3A_688 : f32 to vector<16xf32>
      %mul3A_690 = arith.mulf %get3A_686, %mul3A_689 : vector<16xf32>
      %swap3A_691 = arith.constant 47 : i32
      %swap3A_692 = arith.index_cast %swap3A_691 : i32 to index
      %swap3A_693 = arith.constant 0 : index
      %swap3A_694 = tpu.vector_load %arg18[%swap3A_692, %swap3A_693] {strides = array<i32>} : memref<80x16xf32, #tpu.memory_space<vmem>>, vector<16xf32>,
      tpu.vector_store %arg18[%swap3A_692, %swap3A_693], %mul3A_690 {strides = array<i32>} : memref<80x16xf32, #tpu.memory_space<vmem>>, vector<16xf32>,
      %get3A_695 = arith.constant 48 : index
      %get3A_696 = tpu.vector_load %arg17[%get3A_695] {strides = array<i32>} : memref<80xf32, #tpu.memory_space<vmem>>, vector<16xf32>,
      %get3A_697 = arith.constant 48 : i32
      %get3A_698 = arith.index_cast %get3A_697 : i32 to index
      %get3A_699 = arith.constant 0 : index
      %get3A_700 = tpu.vector_load %arg18[%get3A_698, %get3A_699] {strides = array<i32>} : memref<80x16xf32, #tpu.memory_space<vmem>>, vector<16xf32>,
      %slice3A_701 = vector.extract_strided_slice %get3A_696 {offsets = [0], sizes = [1], strides = [1]} : vector<16xf32> to vector<1xf32>
      %squeeze3A_702 = vector.extract %slice3A_701[0] : f32 from vector<1xf32>
      %mul3A_703 = vector.broadcast %squeeze3A_702 : f32 to vector<16xf32>
      %mul3A_704 = arith.mulf %get3A_700, %mul3A_703 : vector<16xf32>
      %swap3A_705 = arith.constant 48 : i32
      %swap3A_706 = arith.index_cast %swap3A_705 : i32 to index
      %swap3A_707 = arith.constant 0 : index
      %swap3A_708 = tpu.vector_load %arg18[%swap3A_706, %swap3A_707] {strides = array<i32>} : memref<80x16xf32, #tpu.memory_space<vmem>>, vector<16xf32>,
      tpu.vector_store %arg18[%swap3A_706, %swap3A_707], %mul3A_704 {strides = array<i32>} : memref<80x16xf32, #tpu.memory_space<vmem>>, vector<16xf32>,
      %get3A_709 = arith.constant 49 : i32
      %get3A_710 = arith.index_cast %get3A_709 : i32 to index
      %get3A_711 = arith.constant 0 : index
      %get3A_712 = tpu.vector_load %arg18[%get3A_710, %get3A_711] {strides = array<i32>} : memref<80x16xf32, #tpu.memory_space<vmem>>, vector<16xf32>,
      %slice3A_713 = vector.extract_strided_slice %get3A_696 {offsets = [1], sizes = [1], strides = [1]} : vector<16xf32> to vector<1xf32>
      %squeeze3A_714 = vector.extract %slice3A_713[0] : f32 from vector<1xf32>
      %mul3A_715 = vector.broadcast %squeeze3A_714 : f32 to vector<16xf32>
      %mul3A_716 = arith.mulf %get3A_712, %mul3A_715 : vector<16xf32>
      %swap3A_717 = arith.constant 49 : i32
      %swap3A_718 = arith.index_cast %swap3A_717 : i32 to index
      %swap3A_719 = arith.constant 0 : index
      %swap3A_720 = tpu.vector_load %arg18[%swap3A_718, %swap3A_719] {strides = array<i32>} : memref<80x16xf32, #tpu.memory_space<vmem>>, vector<16xf32>,
      tpu.vector_store %arg18[%swap3A_718, %swap3A_719], %mul3A_716 {strides = array<i32>} : memref<80x16xf32, #tpu.memory_space<vmem>>, vector<16xf32>,
      %get3A_721 = arith.constant 50 : i32
      %get3A_722 = arith.index_cast %get3A_721 : i32 to index
      %get3A_723 = arith.constant 0 : index
      %get3A_724 = tpu.vector_load %arg18[%get3A_722, %get3A_723] {strides = array<i32>} : memref<80x16xf32, #tpu.memory_space<vmem>>, vector<16xf32>,
      %slice3A_725 = vector.extract_strided_slice %get3A_696 {offsets = [2], sizes = [1], strides = [1]} : vector<16xf32> to vector<1xf32>
      %squeeze3A_726 = vector.extract %slice3A_725[0] : f32 from vector<1xf32>
      %mul3A_727 = vector.broadcast %squeeze3A_726 : f32 to vector<16xf32>
      %mul3A_728 = arith.mulf %get3A_724, %mul3A_727 : vector<16xf32>
      %swap3A_729 = arith.constant 50 : i32
      %swap3A_730 = arith.index_cast %swap3A_729 : i32 to index
      %swap3A_731 = arith.constant 0 : index
      %swap3A_732 = tpu.vector_load %arg18[%swap3A_730, %swap3A_731] {strides = array<i32>} : memref<80x16xf32, #tpu.memory_space<vmem>>, vector<16xf32>,
      tpu.vector_store %arg18[%swap3A_730, %swap3A_731], %mul3A_728 {strides = array<i32>} : memref<80x16xf32, #tpu.memory_space<vmem>>, vector<16xf32>,
      %get3A_733 = arith.constant 51 : i32
      %get3A_734 = arith.index_cast %get3A_733 : i32 to index
      %get3A_735 = arith.constant 0 : index
      %get3A_736 = tpu.vector_load %arg18[%get3A_734, %get3A_735] {strides = array<i32>} : memref<80x16xf32, #tpu.memory_space<vmem>>, vector<16xf32>,
      %slice3A_737 = vector.extract_strided_slice %get3A_696 {offsets = [3], sizes = [1], strides = [1]} : vector<16xf32> to vector<1xf32>
      %squeeze3A_738 = vector.extract %slice3A_737[0] : f32 from vector<1xf32>
      %mul3A_739 = vector.broadcast %squeeze3A_738 : f32 to vector<16xf32>
      %mul3A_740 = arith.mulf %get3A_736, %mul3A_739 : vector<16xf32>
      %swap3A_741 = arith.constant 51 : i32
      %swap3A_742 = arith.index_cast %swap3A_741 : i32 to index
      %swap3A_743 = arith.constant 0 : index
      %swap3A_744 = tpu.vector_load %arg18[%swap3A_742, %swap3A_743] {strides = array<i32>} : memref<80x16xf32, #tpu.memory_space<vmem>>, vector<16xf32>,
      tpu.vector_store %arg18[%swap3A_742, %swap3A_743], %mul3A_740 {strides = array<i32>} : memref<80x16xf32, #tpu.memory_space<vmem>>, vector<16xf32>,
      %get3A_745 = arith.constant 52 : i32
      %get3A_746 = arith.index_cast %get3A_745 : i32 to index
      %get3A_747 = arith.constant 0 : index
      %get3A_748 = tpu.vector_load %arg18[%get3A_746, %get3A_747] {strides = array<i32>} : memref<80x16xf32, #tpu.memory_space<vmem>>, vector<16xf32>,
      %slice3A_749 = vector.extract_strided_slice %get3A_696 {offsets = [4], sizes = [1], strides = [1]} : vector<16xf32> to vector<1xf32>
      %squeeze3A_750 = vector.extract %slice3A_749[0] : f32 from vector<1xf32>
      %mul3A_751 = vector.broadcast %squeeze3A_750 : f32 to vector<16xf32>
      %mul3A_752 = arith.mulf %get3A_748, %mul3A_751 : vector<16xf32>
      %swap3A_753 = arith.constant 52 : i32
      %swap3A_754 = arith.index_cast %swap3A_753 : i32 to index
      %swap3A_755 = arith.constant 0 : index
      %swap3A_756 = tpu.vector_load %arg18[%swap3A_754, %swap3A_755] {strides = array<i32>} : memref<80x16xf32, #tpu.memory_space<vmem>>, vector<16xf32>,
      tpu.vector_store %arg18[%swap3A_754, %swap3A_755], %mul3A_752 {strides = array<i32>} : memref<80x16xf32, #tpu.memory_space<vmem>>, vector<16xf32>,
      %get3A_757 = arith.constant 53 : i32
      %get3A_758 = arith.index_cast %get3A_757 : i32 to index
      %get3A_759 = arith.constant 0 : index
      %get3A_760 = tpu.vector_load %arg18[%get3A_758, %get3A_759] {strides = array<i32>} : memref<80x16xf32, #tpu.memory_space<vmem>>, vector<16xf32>,
      %slice3A_761 = vector.extract_strided_slice %get3A_696 {offsets = [5], sizes = [1], strides = [1]} : vector<16xf32> to vector<1xf32>
      %squeeze3A_762 = vector.extract %slice3A_761[0] : f32 from vector<1xf32>
      %mul3A_763 = vector.broadcast %squeeze3A_762 : f32 to vector<16xf32>
      %mul3A_764 = arith.mulf %get3A_760, %mul3A_763 : vector<16xf32>
      %swap3A_765 = arith.constant 53 : i32
      %swap3A_766 = arith.index_cast %swap3A_765 : i32 to index
      %swap3A_767 = arith.constant 0 : index
      %swap3A_768 = tpu.vector_load %arg18[%swap3A_766, %swap3A_767] {strides = array<i32>} : memref<80x16xf32, #tpu.memory_space<vmem>>, vector<16xf32>,
      tpu.vector_store %arg18[%swap3A_766, %swap3A_767], %mul3A_764 {strides = array<i32>} : memref<80x16xf32, #tpu.memory_space<vmem>>, vector<16xf32>,
      %get3A_769 = arith.constant 54 : i32
      %get3A_770 = arith.index_cast %get3A_769 : i32 to index
      %get3A_771 = arith.constant 0 : index
      %get3A_772 = tpu.vector_load %arg18[%get3A_770, %get3A_771] {strides = array<i32>} : memref<80x16xf32, #tpu.memory_space<vmem>>, vector<16xf32>,
      %slice3A_773 = vector.extract_strided_slice %get3A_696 {offsets = [6], sizes = [1], strides = [1]} : vector<16xf32> to vector<1xf32>
      %squeeze3A_774 = vector.extract %slice3A_773[0] : f32 from vector<1xf32>
      %mul3A_775 = vector.broadcast %squeeze3A_774 : f32 to vector<16xf32>
      %mul3A_776 = arith.mulf %get3A_772, %mul3A_775 : vector<16xf32>
      %swap3A_777 = arith.constant 54 : i32
      %swap3A_778 = arith.index_cast %swap3A_777 : i32 to index
      %swap3A_779 = arith.constant 0 : index
      %swap3A_780 = tpu.vector_load %arg18[%swap3A_778, %swap3A_779] {strides = array<i32>} : memref<80x16xf32, #tpu.memory_space<vmem>>, vector<16xf32>,
      tpu.vector_store %arg18[%swap3A_778, %swap3A_779], %mul3A_776 {strides = array<i32>} : memref<80x16xf32, #tpu.memory_space<vmem>>, vector<16xf32>,
      %get3A_781 = arith.constant 55 : i32
      %get3A_782 = arith.index_cast %get3A_781 : i32 to index
      %get3A_783 = arith.constant 0 : index
      %get3A_784 = tpu.vector_load %arg18[%get3A_782, %get3A_783] {strides = array<i32>} : memref<80x16xf32, #tpu.memory_space<vmem>>, vector<16xf32>,
      %slice3A_785 = vector.extract_strided_slice %get3A_696 {offsets = [7], sizes = [1], strides = [1]} : vector<16xf32> to vector<1xf32>
      %squeeze3A_786 = vector.extract %slice3A_785[0] : f32 from vector<1xf32>
      %mul3A_787 = vector.broadcast %squeeze3A_786 : f32 to vector<16xf32>
      %mul3A_788 = arith.mulf %get3A_784, %mul3A_787 : vector<16xf32>
      %swap3A_789 = arith.constant 55 : i32
      %swap3A_790 = arith.index_cast %swap3A_789 : i32 to index
      %swap3A_791 = arith.constant 0 : index
      %swap3A_792 = tpu.vector_load %arg18[%swap3A_790, %swap3A_791] {strides = array<i32>} : memref<80x16xf32, #tpu.memory_space<vmem>>, vector<16xf32>,
      tpu.vector_store %arg18[%swap3A_790, %swap3A_791], %mul3A_788 {strides = array<i32>} : memref<80x16xf32, #tpu.memory_space<vmem>>, vector<16xf32>,
      %get3A_793 = arith.constant 56 : i32
      %get3A_794 = arith.index_cast %get3A_793 : i32 to index
      %get3A_795 = arith.constant 0 : index
      %get3A_796 = tpu.vector_load %arg18[%get3A_794, %get3A_795] {strides = array<i32>} : memref<80x16xf32, #tpu.memory_space<vmem>>, vector<16xf32>,
      %slice3A_797 = vector.extract_strided_slice %get3A_696 {offsets = [8], sizes = [1], strides = [1]} : vector<16xf32> to vector<1xf32>
      %squeeze3A_798 = vector.extract %slice3A_797[0] : f32 from vector<1xf32>
      %mul3A_799 = vector.broadcast %squeeze3A_798 : f32 to vector<16xf32>
      %mul3A_800 = arith.mulf %get3A_796, %mul3A_799 : vector<16xf32>
      %swap3A_801 = arith.constant 56 : i32
      %swap3A_802 = arith.index_cast %swap3A_801 : i32 to index
      %swap3A_803 = arith.constant 0 : index
      %swap3A_804 = tpu.vector_load %arg18[%swap3A_802, %swap3A_803] {strides = array<i32>} : memref<80x16xf32, #tpu.memory_space<vmem>>, vector<16xf32>,
      tpu.vector_store %arg18[%swap3A_802, %swap3A_803], %mul3A_800 {strides = array<i32>} : memref<80x16xf32, #tpu.memory_space<vmem>>, vector<16xf32>,
      %get3A_805 = arith.constant 57 : i32
      %get3A_806 = arith.index_cast %get3A_805 : i32 to index
      %get3A_807 = arith.constant 0 : index
      %get3A_808 = tpu.vector_load %arg18[%get3A_806, %get3A_807] {strides = array<i32>} : memref<80x16xf32, #tpu.memory_space<vmem>>, vector<16xf32>,
      %slice3A_809 = vector.extract_strided_slice %get3A_696 {offsets = [9], sizes = [1], strides = [1]} : vector<16xf32> to vector<1xf32>
      %squeeze3A_810 = vector.extract %slice3A_809[0] : f32 from vector<1xf32>
      %mul3A_811 = vector.broadcast %squeeze3A_810 : f32 to vector<16xf32>
      %mul3A_812 = arith.mulf %get3A_808, %mul3A_811 : vector<16xf32>
      %swap3A_813 = arith.constant 57 : i32
      %swap3A_814 = arith.index_cast %swap3A_813 : i32 to index
      %swap3A_815 = arith.constant 0 : index
      %swap3A_816 = tpu.vector_load %arg18[%swap3A_814, %swap3A_815] {strides = array<i32>} : memref<80x16xf32, #tpu.memory_space<vmem>>, vector<16xf32>,
      tpu.vector_store %arg18[%swap3A_814, %swap3A_815], %mul3A_812 {strides = array<i32>} : memref<80x16xf32, #tpu.memory_space<vmem>>, vector<16xf32>,
      %get3A_817 = arith.constant 58 : i32
      %get3A_818 = arith.index_cast %get3A_817 : i32 to index
      %get3A_819 = arith.constant 0 : index
      %get3A_820 = tpu.vector_load %arg18[%get3A_818, %get3A_819] {strides = array<i32>} : memref<80x16xf32, #tpu.memory_space<vmem>>, vector<16xf32>,
      %slice3A_821 = vector.extract_strided_slice %get3A_696 {offsets = [10], sizes = [1], strides = [1]} : vector<16xf32> to vector<1xf32>
      %squeeze3A_822 = vector.extract %slice3A_821[0] : f32 from vector<1xf32>
      %mul3A_823 = vector.broadcast %squeeze3A_822 : f32 to vector<16xf32>
      %mul3A_824 = arith.mulf %get3A_820, %mul3A_823 : vector<16xf32>
      %swap3A_825 = arith.constant 58 : i32
      %swap3A_826 = arith.index_cast %swap3A_825 : i32 to index
      %swap3A_827 = arith.constant 0 : index
      %swap3A_828 = tpu.vector_load %arg18[%swap3A_826, %swap3A_827] {strides = array<i32>} : memref<80x16xf32, #tpu.memory_space<vmem>>, vector<16xf32>,
      tpu.vector_store %arg18[%swap3A_826, %swap3A_827], %mul3A_824 {strides = array<i32>} : memref<80x16xf32, #tpu.memory_space<vmem>>, vector<16xf32>,
      %get3A_829 = arith.constant 59 : i32
      %get3A_830 = arith.index_cast %get3A_829 : i32 to index
      %get3A_831 = arith.constant 0 : index
      %get3A_832 = tpu.vector_load %arg18[%get3A_830, %get3A_831] {strides = array<i32>} : memref<80x16xf32, #tpu.memory_space<vmem>>, vector<16xf32>,
      %slice3A_833 = vector.extract_strided_slice %get3A_696 {offsets = [11], sizes = [1], strides = [1]} : vector<16xf32> to vector<1xf32>
      %squeeze3A_834 = vector.extract %slice3A_833[0] : f32 from vector<1xf32>
      %mul3A_835 = vector.broadcast %squeeze3A_834 : f32 to vector<16xf32>
      %mul3A_836 = arith.mulf %get3A_832, %mul3A_835 : vector<16xf32>
      %swap3A_837 = arith.constant 59 : i32
      %swap3A_838 = arith.index_cast %swap3A_837 : i32 to index
      %swap3A_839 = arith.constant 0 : index
      %swap3A_840 = tpu.vector_load %arg18[%swap3A_838, %swap3A_839] {strides = array<i32>} : memref<80x16xf32, #tpu.memory_space<vmem>>, vector<16xf32>,
      tpu.vector_store %arg18[%swap3A_838, %swap3A_839], %mul3A_836 {strides = array<i32>} : memref<80x16xf32, #tpu.memory_space<vmem>>, vector<16xf32>,
      %get3A_841 = arith.constant 60 : i32
      %get3A_842 = arith.index_cast %get3A_841 : i32 to index
      %get3A_843 = arith.constant 0 : index
      %get3A_844 = tpu.vector_load %arg18[%get3A_842, %get3A_843] {strides = array<i32>} : memref<80x16xf32, #tpu.memory_space<vmem>>, vector<16xf32>,
      %slice3A_845 = vector.extract_strided_slice %get3A_696 {offsets = [12], sizes = [1], strides = [1]} : vector<16xf32> to vector<1xf32>
      %squeeze3A_846 = vector.extract %slice3A_845[0] : f32 from vector<1xf32>
      %mul3A_847 = vector.broadcast %squeeze3A_846 : f32 to vector<16xf32>
      %mul3A_848 = arith.mulf %get3A_844, %mul3A_847 : vector<16xf32>
      %swap3A_849 = arith.constant 60 : i32
      %swap3A_850 = arith.index_cast %swap3A_849 : i32 to index
      %swap3A_851 = arith.constant 0 : index
      %swap3A_852 = tpu.vector_load %arg18[%swap3A_850, %swap3A_851] {strides = array<i32>} : memref<80x16xf32, #tpu.memory_space<vmem>>, vector<16xf32>,
      tpu.vector_store %arg18[%swap3A_850, %swap3A_851], %mul3A_848 {strides = array<i32>} : memref<80x16xf32, #tpu.memory_space<vmem>>, vector<16xf32>,
      %get3A_853 = arith.constant 61 : i32
      %get3A_854 = arith.index_cast %get3A_853 : i32 to index
      %get3A_855 = arith.constant 0 : index
      %get3A_856 = tpu.vector_load %arg18[%get3A_854, %get3A_855] {strides = array<i32>} : memref<80x16xf32, #tpu.memory_space<vmem>>, vector<16xf32>,
      %slice3A_857 = vector.extract_strided_slice %get3A_696 {offsets = [13], sizes = [1], strides = [1]} : vector<16xf32> to vector<1xf32>
      %squeeze3A_858 = vector.extract %slice3A_857[0] : f32 from vector<1xf32>
      %mul3A_859 = vector.broadcast %squeeze3A_858 : f32 to vector<16xf32>
      %mul3A_860 = arith.mulf %get3A_856, %mul3A_859 : vector<16xf32>
      %swap3A_861 = arith.constant 61 : i32
      %swap3A_862 = arith.index_cast %swap3A_861 : i32 to index
      %swap3A_863 = arith.constant 0 : index
      %swap3A_864 = tpu.vector_load %arg18[%swap3A_862, %swap3A_863] {strides = array<i32>} : memref<80x16xf32, #tpu.memory_space<vmem>>, vector<16xf32>,
      tpu.vector_store %arg18[%swap3A_862, %swap3A_863], %mul3A_860 {strides = array<i32>} : memref<80x16xf32, #tpu.memory_space<vmem>>, vector<16xf32>,
      %get3A_865 = arith.constant 62 : i32
      %get3A_866 = arith.index_cast %get3A_865 : i32 to index
      %get3A_867 = arith.constant 0 : index
      %get3A_868 = tpu.vector_load %arg18[%get3A_866, %get3A_867] {strides = array<i32>} : memref<80x16xf32, #tpu.memory_space<vmem>>, vector<16xf32>,
      %slice3A_869 = vector.extract_strided_slice %get3A_696 {offsets = [14], sizes = [1], strides = [1]} : vector<16xf32> to vector<1xf32>
      %squeeze3A_870 = vector.extract %slice3A_869[0] : f32 from vector<1xf32>
      %mul3A_871 = vector.broadcast %squeeze3A_870 : f32 to vector<16xf32>
      %mul3A_872 = arith.mulf %get3A_868, %mul3A_871 : vector<16xf32>
      %swap3A_873 = arith.constant 62 : i32
      %swap3A_874 = arith.index_cast %swap3A_873 : i32 to index
      %swap3A_875 = arith.constant 0 : index
      %swap3A_876 = tpu.vector_load %arg18[%swap3A_874, %swap3A_875] {strides = array<i32>} : memref<80x16xf32, #tpu.memory_space<vmem>>, vector<16xf32>,
      tpu.vector_store %arg18[%swap3A_874, %swap3A_875], %mul3A_872 {strides = array<i32>} : memref<80x16xf32, #tpu.memory_space<vmem>>, vector<16xf32>,
      %get3A_877 = arith.constant 63 : i32
      %get3A_878 = arith.index_cast %get3A_877 : i32 to index
      %get3A_879 = arith.constant 0 : index
      %get3A_880 = tpu.vector_load %arg18[%get3A_878, %get3A_879] {strides = array<i32>} : memref<80x16xf32, #tpu.memory_space<vmem>>, vector<16xf32>,
      %slice3A_881 = vector.extract_strided_slice %get3A_696 {offsets = [15], sizes = [1], strides = [1]} : vector<16xf32> to vector<1xf32>
      %squeeze3A_882 = vector.extract %slice3A_881[0] : f32 from vector<1xf32>
      %mul3A_883 = vector.broadcast %squeeze3A_882 : f32 to vector<16xf32>
      %mul3A_884 = arith.mulf %get3A_880, %mul3A_883 : vector<16xf32>
      %swap3A_885 = arith.constant 63 : i32
      %swap3A_886 = arith.index_cast %swap3A_885 : i32 to index
      %swap3A_887 = arith.constant 0 : index
      %swap3A_888 = tpu.vector_load %arg18[%swap3A_886, %swap3A_887] {strides = array<i32>} : memref<80x16xf32, #tpu.memory_space<vmem>>, vector<16xf32>,
      tpu.vector_store %arg18[%swap3A_886, %swap3A_887], %mul3A_884 {strides = array<i32>} : memref<80x16xf32, #tpu.memory_space<vmem>>, vector<16xf32>,
      %get3A_889 = arith.constant 64 : index
      %get3A_890 = tpu.vector_load %arg17[%get3A_889] {strides = array<i32>} : memref<80xf32, #tpu.memory_space<vmem>>, vector<16xf32>,
      %get3A_891 = arith.constant 64 : i32
      %get3A_892 = arith.index_cast %get3A_891 : i32 to index
      %get3A_893 = arith.constant 0 : index
      %get3A_894 = tpu.vector_load %arg18[%get3A_892, %get3A_893] {strides = array<i32>} : memref<80x16xf32, #tpu.memory_space<vmem>>, vector<16xf32>,
      %slice3A_895 = vector.extract_strided_slice %get3A_890 {offsets = [0], sizes = [1], strides = [1]} : vector<16xf32> to vector<1xf32>
      %squeeze3A_896 = vector.extract %slice3A_895[0] : f32 from vector<1xf32>
      %mul3A_897 = vector.broadcast %squeeze3A_896 : f32 to vector<16xf32>
      %mul3A_898 = arith.mulf %get3A_894, %mul3A_897 : vector<16xf32>
      %swap3A_899 = arith.constant 64 : i32
      %swap3A_900 = arith.index_cast %swap3A_899 : i32 to index
      %swap3A_901 = arith.constant 0 : index
      %swap3A_902 = tpu.vector_load %arg18[%swap3A_900, %swap3A_901] {strides = array<i32>} : memref<80x16xf32, #tpu.memory_space<vmem>>, vector<16xf32>,
      tpu.vector_store %arg18[%swap3A_900, %swap3A_901], %mul3A_898 {strides = array<i32>} : memref<80x16xf32, #tpu.memory_space<vmem>>, vector<16xf32>,
      %get3A_903 = arith.constant 65 : i32
      %get3A_904 = arith.index_cast %get3A_903 : i32 to index
      %get3A_905 = arith.constant 0 : index
      %get3A_906 = tpu.vector_load %arg18[%get3A_904, %get3A_905] {strides = array<i32>} : memref<80x16xf32, #tpu.memory_space<vmem>>, vector<16xf32>,
      %slice3A_907 = vector.extract_strided_slice %get3A_890 {offsets = [1], sizes = [1], strides = [1]} : vector<16xf32> to vector<1xf32>
      %squeeze3A_908 = vector.extract %slice3A_907[0] : f32 from vector<1xf32>
      %mul3A_909 = vector.broadcast %squeeze3A_908 : f32 to vector<16xf32>
      %mul3A_910 = arith.mulf %get3A_906, %mul3A_909 : vector<16xf32>
      %swap3A_911 = arith.constant 65 : i32
      %swap3A_912 = arith.index_cast %swap3A_911 : i32 to index
      %swap3A_913 = arith.constant 0 : index
      %swap3A_914 = tpu.vector_load %arg18[%swap3A_912, %swap3A_913] {strides = array<i32>} : memref<80x16xf32, #tpu.memory_space<vmem>>, vector<16xf32>,
      tpu.vector_store %arg18[%swap3A_912, %swap3A_913], %mul3A_910 {strides = array<i32>} : memref<80x16xf32, #tpu.memory_space<vmem>>, vector<16xf32>,
      %get3A_915 = arith.constant 66 : i32
      %get3A_916 = arith.index_cast %get3A_915 : i32 to index
      %get3A_917 = arith.constant 0 : index
      %get3A_918 = tpu.vector_load %arg18[%get3A_916, %get3A_917] {strides = array<i32>} : memref<80x16xf32, #tpu.memory_space<vmem>>, vector<16xf32>,
      %slice3A_919 = vector.extract_strided_slice %get3A_890 {offsets = [2], sizes = [1], strides = [1]} : vector<16xf32> to vector<1xf32>
      %squeeze3A_920 = vector.extract %slice3A_919[0] : f32 from vector<1xf32>
      %mul3A_921 = vector.broadcast %squeeze3A_920 : f32 to vector<16xf32>
      %mul3A_922 = arith.mulf %get3A_918, %mul3A_921 : vector<16xf32>
      %swap3A_923 = arith.constant 66 : i32
      %swap3A_924 = arith.index_cast %swap3A_923 : i32 to index
      %swap3A_925 = arith.constant 0 : index
      %swap3A_926 = tpu.vector_load %arg18[%swap3A_924, %swap3A_925] {strides = array<i32>} : memref<80x16xf32, #tpu.memory_space<vmem>>, vector<16xf32>,
      tpu.vector_store %arg18[%swap3A_924, %swap3A_925], %mul3A_922 {strides = array<i32>} : memref<80x16xf32, #tpu.memory_space<vmem>>, vector<16xf32>,
      %get3A_927 = arith.constant 67 : i32
      %get3A_928 = arith.index_cast %get3A_927 : i32 to index
      %get3A_929 = arith.constant 0 : index
      %get3A_930 = tpu.vector_load %arg18[%get3A_928, %get3A_929] {strides = array<i32>} : memref<80x16xf32, #tpu.memory_space<vmem>>, vector<16xf32>,
      %slice3A_931 = vector.extract_strided_slice %get3A_890 {offsets = [3], sizes = [1], strides = [1]} : vector<16xf32> to vector<1xf32>
      %squeeze3A_932 = vector.extract %slice3A_931[0] : f32 from vector<1xf32>
      %mul3A_933 = vector.broadcast %squeeze3A_932 : f32 to vector<16xf32>
      %mul3A_934 = arith.mulf %get3A_930, %mul3A_933 : vector<16xf32>
      %swap3A_935 = arith.constant 67 : i32
      %swap3A_936 = arith.index_cast %swap3A_935 : i32 to index
      %swap3A_937 = arith.constant 0 : index
      %swap3A_938 = tpu.vector_load %arg18[%swap3A_936, %swap3A_937] {strides = array<i32>} : memref<80x16xf32, #tpu.memory_space<vmem>>, vector<16xf32>,
      tpu.vector_store %arg18[%swap3A_936, %swap3A_937], %mul3A_934 {strides = array<i32>} : memref<80x16xf32, #tpu.memory_space<vmem>>, vector<16xf32>,
      %get3A_939 = arith.constant 68 : i32
      %get3A_940 = arith.index_cast %get3A_939 : i32 to index
      %get3A_941 = arith.constant 0 : index
      %get3A_942 = tpu.vector_load %arg18[%get3A_940, %get3A_941] {strides = array<i32>} : memref<80x16xf32, #tpu.memory_space<vmem>>, vector<16xf32>,
      %slice3A_943 = vector.extract_strided_slice %get3A_890 {offsets = [4], sizes = [1], strides = [1]} : vector<16xf32> to vector<1xf32>
      %squeeze3A_944 = vector.extract %slice3A_943[0] : f32 from vector<1xf32>
      %mul3A_945 = vector.broadcast %squeeze3A_944 : f32 to vector<16xf32>
      %mul3A_946 = arith.mulf %get3A_942, %mul3A_945 : vector<16xf32>
      %swap3A_947 = arith.constant 68 : i32
      %swap3A_948 = arith.index_cast %swap3A_947 : i32 to index
      %swap3A_949 = arith.constant 0 : index
      %swap3A_950 = tpu.vector_load %arg18[%swap3A_948, %swap3A_949] {strides = array<i32>} : memref<80x16xf32, #tpu.memory_space<vmem>>, vector<16xf32>,
      tpu.vector_store %arg18[%swap3A_948, %swap3A_949], %mul3A_946 {strides = array<i32>} : memref<80x16xf32, #tpu.memory_space<vmem>>, vector<16xf32>,
      %get3A_951 = arith.constant 69 : i32
      %get3A_952 = arith.index_cast %get3A_951 : i32 to index
      %get3A_953 = arith.constant 0 : index
      %get3A_954 = tpu.vector_load %arg18[%get3A_952, %get3A_953] {strides = array<i32>} : memref<80x16xf32, #tpu.memory_space<vmem>>, vector<16xf32>,
      %slice3A_955 = vector.extract_strided_slice %get3A_890 {offsets = [5], sizes = [1], strides = [1]} : vector<16xf32> to vector<1xf32>
      %squeeze3A_956 = vector.extract %slice3A_955[0] : f32 from vector<1xf32>
      %mul3A_957 = vector.broadcast %squeeze3A_956 : f32 to vector<16xf32>
      %mul3A_958 = arith.mulf %get3A_954, %mul3A_957 : vector<16xf32>
      %swap3A_959 = arith.constant 69 : i32
      %swap3A_960 = arith.index_cast %swap3A_959 : i32 to index
      %swap3A_961 = arith.constant 0 : index
      %swap3A_962 = tpu.vector_load %arg18[%swap3A_960, %swap3A_961] {strides = array<i32>} : memref<80x16xf32, #tpu.memory_space<vmem>>, vector<16xf32>,
      tpu.vector_store %arg18[%swap3A_960, %swap3A_961], %mul3A_958 {strides = array<i32>} : memref<80x16xf32, #tpu.memory_space<vmem>>, vector<16xf32>,
      %get3A_963 = arith.constant 70 : i32
      %get3A_964 = arith.index_cast %get3A_963 : i32 to index
      %get3A_965 = arith.constant 0 : index
      %get3A_966 = tpu.vector_load %arg18[%get3A_964, %get3A_965] {strides = array<i32>} : memref<80x16xf32, #tpu.memory_space<vmem>>, vector<16xf32>,
      %slice3A_967 = vector.extract_strided_slice %get3A_890 {offsets = [6], sizes = [1], strides = [1]} : vector<16xf32> to vector<1xf32>
      %squeeze3A_968 = vector.extract %slice3A_967[0] : f32 from vector<1xf32>
      %mul3A_969 = vector.broadcast %squeeze3A_968 : f32 to vector<16xf32>
      %mul3A_970 = arith.mulf %get3A_966, %mul3A_969 : vector<16xf32>
      %swap3A_971 = arith.constant 70 : i32
      %swap3A_972 = arith.index_cast %swap3A_971 : i32 to index
      %swap3A_973 = arith.constant 0 : index
      %swap3A_974 = tpu.vector_load %arg18[%swap3A_972, %swap3A_973] {strides = array<i32>} : memref<80x16xf32, #tpu.memory_space<vmem>>, vector<16xf32>,
      tpu.vector_store %arg18[%swap3A_972, %swap3A_973], %mul3A_970 {strides = array<i32>} : memref<80x16xf32, #tpu.memory_space<vmem>>, vector<16xf32>,
      %get3A_975 = arith.constant 71 : i32
      %get3A_976 = arith.index_cast %get3A_975 : i32 to index
      %get3A_977 = arith.constant 0 : index
      %get3A_978 = tpu.vector_load %arg18[%get3A_976, %get3A_977] {strides = array<i32>} : memref<80x16xf32, #tpu.memory_space<vmem>>, vector<16xf32>,
      %slice3A_979 = vector.extract_strided_slice %get3A_890 {offsets = [7], sizes = [1], strides = [1]} : vector<16xf32> to vector<1xf32>
      %squeeze3A_980 = vector.extract %slice3A_979[0] : f32 from vector<1xf32>
      %mul3A_981 = vector.broadcast %squeeze3A_980 : f32 to vector<16xf32>
      %mul3A_982 = arith.mulf %get3A_978, %mul3A_981 : vector<16xf32>
      %swap3A_983 = arith.constant 71 : i32
      %swap3A_984 = arith.index_cast %swap3A_983 : i32 to index
      %swap3A_985 = arith.constant 0 : index
      %swap3A_986 = tpu.vector_load %arg18[%swap3A_984, %swap3A_985] {strides = array<i32>} : memref<80x16xf32, #tpu.memory_space<vmem>>, vector<16xf32>,
      tpu.vector_store %arg18[%swap3A_984, %swap3A_985], %mul3A_982 {strides = array<i32>} : memref<80x16xf32, #tpu.memory_space<vmem>>, vector<16xf32>,
      %get3A_987 = arith.constant 72 : i32
      %get3A_988 = arith.index_cast %get3A_987 : i32 to index
      %get3A_989 = arith.constant 0 : index
      %get3A_990 = tpu.vector_load %arg18[%get3A_988, %get3A_989] {strides = array<i32>} : memref<80x16xf32, #tpu.memory_space<vmem>>, vector<16xf32>,
      %slice3A_991 = vector.extract_strided_slice %get3A_890 {offsets = [8], sizes = [1], strides = [1]} : vector<16xf32> to vector<1xf32>
      %squeeze3A_992 = vector.extract %slice3A_991[0] : f32 from vector<1xf32>
      %mul3A_993 = vector.broadcast %squeeze3A_992 : f32 to vector<16xf32>
      %mul3A_994 = arith.mulf %get3A_990, %mul3A_993 : vector<16xf32>
      %swap3A_995 = arith.constant 72 : i32
      %swap3A_996 = arith.index_cast %swap3A_995 : i32 to index
      %swap3A_997 = arith.constant 0 : index
      %swap3A_998 = tpu.vector_load %arg18[%swap3A_996, %swap3A_997] {strides = array<i32>} : memref<80x16xf32, #tpu.memory_space<vmem>>, vector<16xf32>,
      tpu.vector_store %arg18[%swap3A_996, %swap3A_997], %mul3A_994 {strides = array<i32>} : memref<80x16xf32, #tpu.memory_space<vmem>>, vector<16xf32>,
      %get3A_999 = arith.constant 73 : i32
      %get3A_1000 = arith.index_cast %get3A_999 : i32 to index
      %get3A_1001 = arith.constant 0 : index
      %get3A_1002 = tpu.vector_load %arg18[%get3A_1000, %get3A_1001] {strides = array<i32>} : memref<80x16xf32, #tpu.memory_space<vmem>>, vector<16xf32>,
      %slice3A_1003 = vector.extract_strided_slice %get3A_890 {offsets = [9], sizes = [1], strides = [1]} : vector<16xf32> to vector<1xf32>
      %squeeze3A_1004 = vector.extract %slice3A_1003[0] : f32 from vector<1xf32>
      %mul3A_1005 = vector.broadcast %squeeze3A_1004 : f32 to vector<16xf32>
      %mul3A_1006 = arith.mulf %get3A_1002, %mul3A_1005 : vector<16xf32>
      %swap3A_1007 = arith.constant 73 : i32
      %swap3A_1008 = arith.index_cast %swap3A_1007 : i32 to index
      %swap3A_1009 = arith.constant 0 : index
      %swap3A_1010 = tpu.vector_load %arg18[%swap3A_1008, %swap3A_1009] {strides = array<i32>} : memref<80x16xf32, #tpu.memory_space<vmem>>, vector<16xf32>,
      tpu.vector_store %arg18[%swap3A_1008, %swap3A_1009], %mul3A_1006 {strides = array<i32>} : memref<80x16xf32, #tpu.memory_space<vmem>>, vector<16xf32>,
      %get3A_1011 = arith.constant 74 : i32
      %get3A_1012 = arith.index_cast %get3A_1011 : i32 to index
      %get3A_1013 = arith.constant 0 : index
      %get3A_1014 = tpu.vector_load %arg18[%get3A_1012, %get3A_1013] {strides = array<i32>} : memref<80x16xf32, #tpu.memory_space<vmem>>, vector<16xf32>,
      %slice3A_1015 = vector.extract_strided_slice %get3A_890 {offsets = [10], sizes = [1], strides = [1]} : vector<16xf32> to vector<1xf32>
      %squeeze3A_1016 = vector.extract %slice3A_1015[0] : f32 from vector<1xf32>
      %mul3A_1017 = vector.broadcast %squeeze3A_1016 : f32 to vector<16xf32>
      %mul3A_1018 = arith.mulf %get3A_1014, %mul3A_1017 : vector<16xf32>
      %swap3A_1019 = arith.constant 74 : i32
      %swap3A_1020 = arith.index_cast %swap3A_1019 : i32 to index
      %swap3A_1021 = arith.constant 0 : index
      %swap3A_1022 = tpu.vector_load %arg18[%swap3A_1020, %swap3A_1021] {strides = array<i32>} : memref<80x16xf32, #tpu.memory_space<vmem>>, vector<16xf32>,
      tpu.vector_store %arg18[%swap3A_1020, %swap3A_1021], %mul3A_1018 {strides = array<i32>} : memref<80x16xf32, #tpu.memory_space<vmem>>, vector<16xf32>,
      %get3A_1023 = arith.constant 75 : i32
      %get3A_1024 = arith.index_cast %get3A_1023 : i32 to index
      %get3A_1025 = arith.constant 0 : index
      %get3A_1026 = tpu.vector_load %arg18[%get3A_1024, %get3A_1025] {strides = array<i32>} : memref<80x16xf32, #tpu.memory_space<vmem>>, vector<16xf32>,
      %slice3A_1027 = vector.extract_strided_slice %get3A_890 {offsets = [11], sizes = [1], strides = [1]} : vector<16xf32> to vector<1xf32>
      %squeeze3A_1028 = vector.extract %slice3A_1027[0] : f32 from vector<1xf32>
      %mul3A_1029 = vector.broadcast %squeeze3A_1028 : f32 to vector<16xf32>
      %mul3A_1030 = arith.mulf %get3A_1026, %mul3A_1029 : vector<16xf32>
      %swap3A_1031 = arith.constant 75 : i32
      %swap3A_1032 = arith.index_cast %swap3A_1031 : i32 to index
      %swap3A_1033 = arith.constant 0 : index
      %swap3A_1034 = tpu.vector_load %arg18[%swap3A_1032, %swap3A_1033] {strides = array<i32>} : memref<80x16xf32, #tpu.memory_space<vmem>>, vector<16xf32>,
      tpu.vector_store %arg18[%swap3A_1032, %swap3A_1033], %mul3A_1030 {strides = array<i32>} : memref<80x16xf32, #tpu.memory_space<vmem>>, vector<16xf32>,
      %get3A_1035 = arith.constant 76 : i32
      %get3A_1036 = arith.index_cast %get3A_1035 : i32 to index
      %get3A_1037 = arith.constant 0 : index
      %get3A_1038 = tpu.vector_load %arg18[%get3A_1036, %get3A_1037] {strides = array<i32>} : memref<80x16xf32, #tpu.memory_space<vmem>>, vector<16xf32>,
      %slice3A_1039 = vector.extract_strided_slice %get3A_890 {offsets = [12], sizes = [1], strides = [1]} : vector<16xf32> to vector<1xf32>
      %squeeze3A_1040 = vector.extract %slice3A_1039[0] : f32 from vector<1xf32>
      %mul3A_1041 = vector.broadcast %squeeze3A_1040 : f32 to vector<16xf32>
      %mul3A_1042 = arith.mulf %get3A_1038, %mul3A_1041 : vector<16xf32>
      %swap3A_1043 = arith.constant 76 : i32
      %swap3A_1044 = arith.index_cast %swap3A_1043 : i32 to index
      %swap3A_1045 = arith.constant 0 : index
      %swap3A_1046 = tpu.vector_load %arg18[%swap3A_1044, %swap3A_1045] {strides = array<i32>} : memref<80x16xf32, #tpu.memory_space<vmem>>, vector<16xf32>,
      tpu.vector_store %arg18[%swap3A_1044, %swap3A_1045], %mul3A_1042 {strides = array<i32>} : memref<80x16xf32, #tpu.memory_space<vmem>>, vector<16xf32>,
      %get3A_1047 = arith.constant 77 : i32
      %get3A_1048 = arith.index_cast %get3A_1047 : i32 to index
      %get3A_1049 = arith.constant 0 : index
      %get3A_1050 = tpu.vector_load %arg18[%get3A_1048, %get3A_1049] {strides = array<i32>} : memref<80x16xf32, #tpu.memory_space<vmem>>, vector<16xf32>,
      %slice3A_1051 = vector.extract_strided_slice %get3A_890 {offsets = [13], sizes = [1], strides = [1]} : vector<16xf32> to vector<1xf32>
      %squeeze3A_1052 = vector.extract %slice3A_1051[0] : f32 from vector<1xf32>
      %mul3A_1053 = vector.broadcast %squeeze3A_1052 : f32 to vector<16xf32>
      %mul3A_1054 = arith.mulf %get3A_1050, %mul3A_1053 : vector<16xf32>
      %swap3A_1055 = arith.constant 77 : i32
      %swap3A_1056 = arith.index_cast %swap3A_1055 : i32 to index
      %swap3A_1057 = arith.constant 0 : index
      %swap3A_1058 = tpu.vector_load %arg18[%swap3A_1056, %swap3A_1057] {strides = array<i32>} : memref<80x16xf32, #tpu.memory_space<vmem>>, vector<16xf32>,
      tpu.vector_store %arg18[%swap3A_1056, %swap3A_1057], %mul3A_1054 {strides = array<i32>} : memref<80x16xf32, #tpu.memory_space<vmem>>, vector<16xf32>,
      %get3A_1059 = arith.constant 78 : i32
      %get3A_1060 = arith.index_cast %get3A_1059 : i32 to index
      %get3A_1061 = arith.constant 0 : index
      %get3A_1062 = tpu.vector_load %arg18[%get3A_1060, %get3A_1061] {strides = array<i32>} : memref<80x16xf32, #tpu.memory_space<vmem>>, vector<16xf32>,
      %slice3A_1063 = vector.extract_strided_slice %get3A_890 {offsets = [14], sizes = [1], strides = [1]} : vector<16xf32> to vector<1xf32>
      %squeeze3A_1064 = vector.extract %slice3A_1063[0] : f32 from vector<1xf32>
      %mul3A_1065 = vector.broadcast %squeeze3A_1064 : f32 to vector<16xf32>
      %mul3A_1066 = arith.mulf %get3A_1062, %mul3A_1065 : vector<16xf32>
      %swap3A_1067 = arith.constant 78 : i32
      %swap3A_1068 = arith.index_cast %swap3A_1067 : i32 to index
      %swap3A_1069 = arith.constant 0 : index
      %swap3A_1070 = tpu.vector_load %arg18[%swap3A_1068, %swap3A_1069] {strides = array<i32>} : memref<80x16xf32, #tpu.memory_space<vmem>>, vector<16xf32>,
      tpu.vector_store %arg18[%swap3A_1068, %swap3A_1069], %mul3A_1066 {strides = array<i32>} : memref<80x16xf32, #tpu.memory_space<vmem>>, vector<16xf32>,
      %get3A_1071 = arith.constant 79 : i32
      %get3A_1072 = arith.index_cast %get3A_1071 : i32 to index
      %get3A_1073 = arith.constant 0 : index
      %get3A_1074 = tpu.vector_load %arg18[%get3A_1072, %get3A_1073] {strides = array<i32>} : memref<80x16xf32, #tpu.memory_space<vmem>>, vector<16xf32>,
      %slice3A_1075 = vector.extract_strided_slice %get3A_890 {offsets = [15], sizes = [1], strides = [1]} : vector<16xf32> to vector<1xf32>
      %squeeze3A_1076 = vector.extract %slice3A_1075[0] : f32 from vector<1xf32>
      %mul3A_1077 = vector.broadcast %squeeze3A_1076 : f32 to vector<16xf32>
      %mul3A_1078 = arith.mulf %get3A_1074, %mul3A_1077 : vector<16xf32>
      %swap3A_1079 = arith.constant 79 : i32
      %swap3A_1080 = arith.index_cast %swap3A_1079 : i32 to index
      %swap3A_1081 = arith.constant 0 : index
      %swap3A_1082 = tpu.vector_load %arg18[%swap3A_1080, %swap3A_1081] {strides = array<i32>} : memref<80x16xf32, #tpu.memory_space<vmem>>, vector<16xf32>,
      tpu.vector_store %arg18[%swap3A_1080, %swap3A_1081], %mul3A_1078 {strides = array<i32>} : memref<80x16xf32, #tpu.memory_space<vmem>>, vector<16xf32>,
      "tpu.region"() ({
        %run_scoped3A = tpu.sem_alloc : memref<!tpu.dma_semaphore, #tpu.memory_space<semaphore_mem>>
        %dma_start3A_1083 = arith.constant 0 : i32
        %dma_start3A_1084 = tpu.memref_slice %arg20[%dma_start3A_1083] : memref<10240xf32, #tpu.memory_space<vmem_shared>> -> memref<10240xf32, #tpu.memory_space<vmem_shared>>
        tpu.enqueue_indirect_dma source(%arg17 : memref<80xf32, #tpu.memory_space<vmem>>) target(%dma_start3A_1084 : memref<10240xf32, #tpu.memory_space<vmem_shared>>) offsets(%arg15 : memref<80xi32, #tpu.memory_space<vmem>>) semaphore(%run_scoped3A : memref<!tpu.dma_semaphore, #tpu.memory_space<semaphore_mem>>) {add = true}
        %dma_wait3A_1085 = arith.constant 0 : i32
        %dma_wait3A_1086 = tpu.memref_slice %arg20[%dma_wait3A_1085] : memref<10240xf32, #tpu.memory_space<vmem_shared>> -> memref<10240xf32, #tpu.memory_space<vmem_shared>>
        tpu.wait_indirect_dma semaphore(%run_scoped3A : memref<!tpu.dma_semaphore, #tpu.memory_space<semaphore_mem>>) src(%arg17 : memref<80xf32, #tpu.memory_space<vmem>>) dst(%dma_wait3A_1086 : memref<10240xf32, #tpu.memory_space<vmem_shared>>)
        tpu.yield
      }) : () -> ()
      "tpu.region"() ({
        %run_scoped3A = tpu.sem_alloc : memref<!tpu.dma_semaphore, #tpu.memory_space<semaphore_mem>>
        %dma_start3A_1083 = arith.constant 0 : i32
        %dma_start3A_1084 = arith.constant 0 : i32
        %dma_start3A_1085 = tpu.memref_slice %arg19[%dma_start3A_1083, %dma_start3A_1084] : memref<10240x16xf32, #tpu.memory_space<vmem_shared>> -> memref<10240x16xf32, #tpu.memory_space<vmem_shared>>
        tpu.enqueue_indirect_dma source(%arg18 : memref<80x16xf32, #tpu.memory_space<vmem>>) target(%dma_start3A_1085 : memref<10240x16xf32, #tpu.memory_space<vmem_shared>>) offsets(%arg15 : memref<80xi32, #tpu.memory_space<vmem>>) semaphore(%run_scoped3A : memref<!tpu.dma_semaphore, #tpu.memory_space<semaphore_mem>>) {add = true}
        %dma_wait3A_1086 = arith.constant 0 : i32
        %dma_wait3A_1087 = arith.constant 0 : i32
        %dma_wait3A_1088 = tpu.memref_slice %arg19[%dma_wait3A_1086, %dma_wait3A_1087] : memref<10240x16xf32, #tpu.memory_space<vmem_shared>> -> memref<10240x16xf32, #tpu.memory_space<vmem_shared>>
        tpu.wait_indirect_dma semaphore(%run_scoped3A : memref<!tpu.dma_semaphore, #tpu.memory_space<semaphore_mem>>) src(%arg18 : memref<80x16xf32, #tpu.memory_space<vmem>>) dst(%dma_wait3A_1088 : memref<10240x16xf32, #tpu.memory_space<vmem_shared>>)
        tpu.yield
      }) : () -> ()
    }
    %scan3A_9 = arith.constant 125 : i32
    %barrier3A_10 = arith.constant 0 : index
    tpu.barrier barrier_id(%barrier3A_10)
    %eq3A = arith.constant 0 : i32
    %eq3A_11 = arith.cmpi eq, %arg1, %eq3A : i32
    %convert_element_type3A = arith.extui %eq3A_11 : i1 to i32
    %cond3A = arith.constant 0 : i32
    %cond3A_12 = arith.cmpi ne, %convert_element_type3A, %cond3A : i32
    scf.if %cond3A_12 {
      %mul3A_13 = arith.constant 10240 : i32
      %mul3A_14 = arith.muli %arg0, %mul3A_13 : i32
      "tpu.region"() ({
        %run_scoped3A = tpu.sem_alloc : memref<!tpu.dma_semaphore, #tpu.memory_space<semaphore_mem>>
        %dma_start3A = arith.constant 0 : i32
        %dma_start3A_17 = tpu.memref_slice %arg10[%mul3A_14, %dma_start3A] : memref<20480x16xf32, #tpu.memory_space<hbm>> -> memref<10240x16xf32, #tpu.memory_space<hbm>>
        tpu.enqueue_dma source(%arg19 : memref<10240x16xf32, #tpu.memory_space<vmem_shared>>) target(%dma_start3A_17 : memref<10240x16xf32, #tpu.memory_space<hbm>>) target_semaphore(%run_scoped3A : memref<!tpu.dma_semaphore, #tpu.memory_space<semaphore_mem>>)
        %dma_wait3A = arith.constant 0 : i32
        %dma_wait3A_18 = tpu.memref_slice %arg10[%mul3A_14, %dma_wait3A] : memref<20480x16xf32, #tpu.memory_space<hbm>> -> memref<10240x16xf32, #tpu.memory_space<hbm>>
        tpu.wait_dma2 semaphore(%run_scoped3A : memref<!tpu.dma_semaphore, #tpu.memory_space<semaphore_mem>>) src(%arg19 : memref<10240x16xf32, #tpu.memory_space<vmem_shared>>) dst(%dma_wait3A_18 : memref<10240x16xf32, #tpu.memory_space<hbm>>)
        tpu.yield
      }) : () -> ()
      %mul3A_15 = arith.constant 10240 : i32
      %mul3A_16 = arith.muli %arg0, %mul3A_15 : i32
      "tpu.region"() ({
        %run_scoped3A = tpu.sem_alloc : memref<!tpu.dma_semaphore, #tpu.memory_space<semaphore_mem>>
        %dma_start3A = tpu.memref_slice %arg11[%mul3A_16] : memref<20480xf32, #tpu.memory_space<hbm>> -> memref<10240xf32, #tpu.memory_space<hbm>>
        tpu.enqueue_dma source(%arg20 : memref<10240xf32, #tpu.memory_space<vmem_shared>>) target(%dma_start3A : memref<10240xf32, #tpu.memory_space<hbm>>) target_semaphore(%run_scoped3A : memref<!tpu.dma_semaphore, #tpu.memory_space<semaphore_mem>>)
        %dma_wait3A = tpu.memref_slice %arg11[%mul3A_16] : memref<20480xf32, #tpu.memory_space<hbm>> -> memref<10240xf32, #tpu.memory_space<hbm>>
        tpu.wait_dma2 semaphore(%run_scoped3A : memref<!tpu.dma_semaphore, #tpu.memory_space<semaphore_mem>>) src(%arg20 : memref<10240xf32, #tpu.memory_space<vmem_shared>>) dst(%dma_wait3A : memref<10240xf32, #tpu.memory_space<hbm>>)
        tpu.yield
      }) : () -> ()
    } else {
    }
    return
  }
}

#map = affine_map<(d0, d1) -> (0)>
#map1 = affine_map<(d0, d1) -> (0, 0)>
module attributes {stable_mosaic.version = 14 : i64} {
  func.func @_edge_body(%arg0: i32, %arg1: i32, %arg2: memref<320000xi32, #tpu.memory_space<hbm>>, %arg3: memref<320000xi32, #tpu.memory_space<hbm>>, %arg4: memref<320000xf32, #tpu.memory_space<hbm>>, %arg5: memref<10240xf32, #tpu.memory_space<hbm>>, %arg6: memref<10240xf32, #tpu.memory_space<hbm>>, %arg7: memref<10240x16xf32, #tpu.memory_space<hbm>>, %arg8: memref<10240x16xf32, #tpu.memory_space<hbm>>, %arg9: memref<10240xf32, #tpu.memory_space<hbm>>, %arg10: memref<20480x16xf32, #tpu.memory_space<hbm>>, %arg11: memref<20480xf32, #tpu.memory_space<hbm>>, %arg12: memref<10240xf32, #tpu.memory_space<vmem>>, %arg13: memref<10240xf32, #tpu.memory_space<vmem>>, %arg14: memref<80xi32, #tpu.memory_space<vmem>>, %arg15: memref<80xi32, #tpu.memory_space<vmem>>, %arg16: memref<80xf32, #tpu.memory_space<vmem>>, %arg17: memref<80xf32, #tpu.memory_space<vmem>>, %arg18: memref<80x16xf32, #tpu.memory_space<vmem>>, %arg19: memref<10240x16xf32, #tpu.memory_space<vmem_shared>>, %arg20: memref<10240xf32, #tpu.memory_space<vmem_shared>>, %arg21: memref<!tpu.dma_semaphore, #tpu.memory_space<semaphore_mem>>) attributes {dimension_semantics = [#tpu.dimension_semantics<core_parallel>, #tpu.dimension_semantics<subcore_parallel>], iteration_bounds = array<i64: 2, 16>, scalar_prefetch = 0 : i64, scratch_operands = 10 : i64, tpu.core_type = #tpu.core_type<sc_vector_subcore>, window_params = [{transform_indices = #map}, {transform_indices = #map}, {transform_indices = #map}, {transform_indices = #map}, {transform_indices = #map}, {transform_indices = #map1}, {transform_indices = #map1}, {transform_indices = #map}, {transform_indices = #map1}, {transform_indices = #map}]} {
    %mul3A = arith.constant 2 : i32
    %mul3A_0 = arith.muli %arg1, %mul3A : i32
    %add3A = arith.addi %mul3A_0, %arg0 : i32
    "tpu.region"() ({
      %run_scoped3A = tpu.sem_alloc : memref<!tpu.dma_semaphore, #tpu.memory_space<semaphore_mem>>
      tpu.enqueue_dma source(%arg5 : memref<10240xf32, #tpu.memory_space<hbm>>) target(%arg12 : memref<10240xf32, #tpu.memory_space<vmem>>) target_semaphore(%run_scoped3A : memref<!tpu.dma_semaphore, #tpu.memory_space<semaphore_mem>>)
      tpu.wait_dma2 semaphore(%run_scoped3A : memref<!tpu.dma_semaphore, #tpu.memory_space<semaphore_mem>>) src(%arg5 : memref<10240xf32, #tpu.memory_space<hbm>>) dst(%arg12 : memref<10240xf32, #tpu.memory_space<vmem>>)
      tpu.yield
    }) : () -> ()
    "tpu.region"() ({
      %run_scoped3A = tpu.sem_alloc : memref<!tpu.dma_semaphore, #tpu.memory_space<semaphore_mem>>
      tpu.enqueue_dma source(%arg6 : memref<10240xf32, #tpu.memory_space<hbm>>) target(%arg13 : memref<10240xf32, #tpu.memory_space<vmem>>) target_semaphore(%run_scoped3A : memref<!tpu.dma_semaphore, #tpu.memory_space<semaphore_mem>>)
      tpu.wait_dma2 semaphore(%run_scoped3A : memref<!tpu.dma_semaphore, #tpu.memory_space<semaphore_mem>>) src(%arg6 : memref<10240xf32, #tpu.memory_space<hbm>>) dst(%arg13 : memref<10240xf32, #tpu.memory_space<vmem>>)
      tpu.yield
    }) : () -> ()
    %mul3A_1 = arith.constant 640 : i32
    %mul3A_2 = arith.muli %arg1, %mul3A_1 : i32
    "tpu.region"() ({
      %run_scoped3A = tpu.sem_alloc : memref<!tpu.dma_semaphore, #tpu.memory_space<semaphore_mem>>
      %dma_start3A = arith.constant 0 : i32
      %dma_start3A_13 = tpu.memref_slice %arg19[%mul3A_2, %dma_start3A] : memref<10240x16xf32, #tpu.memory_space<vmem_shared>> -> memref<640x16xf32, #tpu.memory_space<vmem_shared>>
      %dma_start3A_14 = arith.constant 0 : i32
      %dma_start3A_15 = tpu.memref_slice %arg8[%mul3A_2, %dma_start3A_14] : memref<10240x16xf32, #tpu.memory_space<hbm>> -> memref<640x16xf32, #tpu.memory_space<hbm>>
      tpu.enqueue_dma source(%dma_start3A_15 : memref<640x16xf32, #tpu.memory_space<hbm>>) target(%dma_start3A_13 : memref<640x16xf32, #tpu.memory_space<vmem_shared>>) target_semaphore(%run_scoped3A : memref<!tpu.dma_semaphore, #tpu.memory_space<semaphore_mem>>)
      %dma_wait3A = arith.constant 0 : i32
      %dma_wait3A_16 = tpu.memref_slice %arg19[%mul3A_2, %dma_wait3A] : memref<10240x16xf32, #tpu.memory_space<vmem_shared>> -> memref<640x16xf32, #tpu.memory_space<vmem_shared>>
      %dma_wait3A_17 = arith.constant 0 : i32
      %dma_wait3A_18 = tpu.memref_slice %arg8[%mul3A_2, %dma_wait3A_17] : memref<10240x16xf32, #tpu.memory_space<hbm>> -> memref<640x16xf32, #tpu.memory_space<hbm>>
      tpu.wait_dma2 semaphore(%run_scoped3A : memref<!tpu.dma_semaphore, #tpu.memory_space<semaphore_mem>>) src(%dma_wait3A_18 : memref<640x16xf32, #tpu.memory_space<hbm>>) dst(%dma_wait3A_16 : memref<640x16xf32, #tpu.memory_space<vmem_shared>>)
      tpu.yield
    }) : () -> ()
    "tpu.region"() ({
      %run_scoped3A = tpu.sem_alloc : memref<!tpu.dma_semaphore, #tpu.memory_space<semaphore_mem>>
      %dma_start3A = tpu.memref_slice %arg20[%mul3A_2] : memref<10240xf32, #tpu.memory_space<vmem_shared>> -> memref<640xf32, #tpu.memory_space<vmem_shared>>
      %dma_start3A_13 = tpu.memref_slice %arg9[%mul3A_2] : memref<10240xf32, #tpu.memory_space<hbm>> -> memref<640xf32, #tpu.memory_space<hbm>>
      tpu.enqueue_dma source(%dma_start3A_13 : memref<640xf32, #tpu.memory_space<hbm>>) target(%dma_start3A : memref<640xf32, #tpu.memory_space<vmem_shared>>) target_semaphore(%run_scoped3A : memref<!tpu.dma_semaphore, #tpu.memory_space<semaphore_mem>>)
      %dma_wait3A = tpu.memref_slice %arg20[%mul3A_2] : memref<10240xf32, #tpu.memory_space<vmem_shared>> -> memref<640xf32, #tpu.memory_space<vmem_shared>>
      %dma_wait3A_14 = tpu.memref_slice %arg9[%mul3A_2] : memref<10240xf32, #tpu.memory_space<hbm>> -> memref<640xf32, #tpu.memory_space<hbm>>
      tpu.wait_dma2 semaphore(%run_scoped3A : memref<!tpu.dma_semaphore, #tpu.memory_space<semaphore_mem>>) src(%dma_wait3A_14 : memref<640xf32, #tpu.memory_space<hbm>>) dst(%dma_wait3A : memref<640xf32, #tpu.memory_space<vmem_shared>>)
      tpu.yield
    }) : () -> ()
    %barrier3A = arith.constant 0 : index
    tpu.barrier barrier_id(%barrier3A)
    %mul3A_3 = arith.constant 10000 : i32
    %mul3A_4 = arith.muli %add3A, %mul3A_3 : i32
    %scan3A = arith.constant 0 : i32
    %scan3A_5 = arith.constant 0 : i32
    %scan3A_6 = arith.constant 125 : i32
    %scan3A_7 = arith.addi %scan3A_5, %scan3A_6 : i32
    %scan3A_8 = arith.constant 1 : i32
    scf.for %scan3A_13 = %scan3A_5 to %scan3A_7 step %scan3A_8  : i32 {
      %mul3A_14 = arith.constant 80 : i32
      %mul3A_15 = arith.muli %scan3A_13, %mul3A_14 : i32
      %add3A_16 = arith.addi %mul3A_4, %mul3A_15 : i32
      "tpu.region"() ({
        %run_scoped3A = tpu.sem_alloc : memref<!tpu.dma_semaphore, #tpu.memory_space<semaphore_mem>>
        %dma_start3A_1083 = tpu.memref_slice %arg2[%add3A_16] : memref<320000xi32, #tpu.memory_space<hbm>> -> memref<80xi32, #tpu.memory_space<hbm>>
        %dma_start3A_1084 = tpu.memref_slice %arg2[%add3A_16] : memref<320000xi32, #tpu.memory_space<hbm>> -> memref<80xi32, #tpu.memory_space<hbm>>
        tpu.enqueue_dma source(%dma_start3A_1084 : memref<80xi32, #tpu.memory_space<hbm>>) target(%arg14 : memref<80xi32, #tpu.memory_space<vmem>>) target_semaphore(%run_scoped3A : memref<!tpu.dma_semaphore, #tpu.memory_space<semaphore_mem>>)
        %dma_wait3A_1085 = tpu.memref_slice %arg2[%add3A_16] : memref<320000xi32, #tpu.memory_space<hbm>> -> memref<80xi32, #tpu.memory_space<hbm>>
        %dma_wait3A_1086 = tpu.memref_slice %arg2[%add3A_16] : memref<320000xi32, #tpu.memory_space<hbm>> -> memref<80xi32, #tpu.memory_space<hbm>>
        tpu.wait_dma2 semaphore(%run_scoped3A : memref<!tpu.dma_semaphore, #tpu.memory_space<semaphore_mem>>) src(%dma_wait3A_1086 : memref<80xi32, #tpu.memory_space<hbm>>) dst(%arg14 : memref<80xi32, #tpu.memory_space<vmem>>)
        tpu.yield
      }) : () -> ()
      "tpu.region"() ({
        %run_scoped3A = tpu.sem_alloc : memref<!tpu.dma_semaphore, #tpu.memory_space<semaphore_mem>>
        %dma_start3A_1083 = tpu.memref_slice %arg3[%add3A_16] : memref<320000xi32, #tpu.memory_space<hbm>> -> memref<80xi32, #tpu.memory_space<hbm>>
        %dma_start3A_1084 = tpu.memref_slice %arg3[%add3A_16] : memref<320000xi32, #tpu.memory_space<hbm>> -> memref<80xi32, #tpu.memory_space<hbm>>
        tpu.enqueue_dma source(%dma_start3A_1084 : memref<80xi32, #tpu.memory_space<hbm>>) target(%arg15 : memref<80xi32, #tpu.memory_space<vmem>>) target_semaphore(%run_scoped3A : memref<!tpu.dma_semaphore, #tpu.memory_space<semaphore_mem>>)
        %dma_wait3A_1085 = tpu.memref_slice %arg3[%add3A_16] : memref<320000xi32, #tpu.memory_space<hbm>> -> memref<80xi32, #tpu.memory_space<hbm>>
        %dma_wait3A_1086 = tpu.memref_slice %arg3[%add3A_16] : memref<320000xi32, #tpu.memory_space<hbm>> -> memref<80xi32, #tpu.memory_space<hbm>>
        tpu.wait_dma2 semaphore(%run_scoped3A : memref<!tpu.dma_semaphore, #tpu.memory_space<semaphore_mem>>) src(%dma_wait3A_1086 : memref<80xi32, #tpu.memory_space<hbm>>) dst(%arg15 : memref<80xi32, #tpu.memory_space<vmem>>)
        tpu.yield
      }) : () -> ()
      "tpu.region"() ({
        %run_scoped3A = tpu.sem_alloc : memref<!tpu.dma_semaphore, #tpu.memory_space<semaphore_mem>>
        %dma_start3A_1083 = tpu.memref_slice %arg4[%add3A_16] : memref<320000xf32, #tpu.memory_space<hbm>> -> memref<80xf32, #tpu.memory_space<hbm>>
        %dma_start3A_1084 = tpu.memref_slice %arg4[%add3A_16] : memref<320000xf32, #tpu.memory_space<hbm>> -> memref<80xf32, #tpu.memory_space<hbm>>
        tpu.enqueue_dma source(%dma_start3A_1084 : memref<80xf32, #tpu.memory_space<hbm>>) target(%arg16 : memref<80xf32, #tpu.memory_space<vmem>>) target_semaphore(%run_scoped3A : memref<!tpu.dma_semaphore, #tpu.memory_space<semaphore_mem>>)
        %dma_wait3A_1085 = tpu.memref_slice %arg4[%add3A_16] : memref<320000xf32, #tpu.memory_space<hbm>> -> memref<80xf32, #tpu.memory_space<hbm>>
        %dma_wait3A_1086 = tpu.memref_slice %arg4[%add3A_16] : memref<320000xf32, #tpu.memory_space<hbm>> -> memref<80xf32, #tpu.memory_space<hbm>>
        tpu.wait_dma2 semaphore(%run_scoped3A : memref<!tpu.dma_semaphore, #tpu.memory_space<semaphore_mem>>) src(%dma_wait3A_1086 : memref<80xf32, #tpu.memory_space<hbm>>) dst(%arg16 : memref<80xf32, #tpu.memory_space<vmem>>)
        tpu.yield
      }) : () -> ()
      %dma_start3A = arith.constant 0 : i32
      %dma_start3A_17 = arith.constant 0 : i32
      %dma_start3A_18 = tpu.memref_slice %arg7[%dma_start3A, %dma_start3A_17] : memref<10240x16xf32, #tpu.memory_space<hbm>> -> memref<10240x16xf32, #tpu.memory_space<hbm>>
      tpu.enqueue_indirect_dma source(%dma_start3A_18 : memref<10240x16xf32, #tpu.memory_space<hbm>>) target(%arg18 : memref<80x16xf32, #tpu.memory_space<vmem>>) offsets(%arg14 : memref<80xi32, #tpu.memory_space<vmem>>) semaphore(%arg21 : memref<!tpu.dma_semaphore, #tpu.memory_space<semaphore_mem>>)
      %get3A = arith.constant 0 : index
      %get3A_19 = tpu.vector_load %arg14[%get3A] {strides = array<i32>} : memref<80xi32, #tpu.memory_space<vmem>>, vector<16xi32>,
      %get3A_20 = arith.constant 0 : index
      %get3A_21 = tpu.vector_load %arg15[%get3A_20] {strides = array<i32>} : memref<80xi32, #tpu.memory_space<vmem>>, vector<16xi32>,
      %gather3A = tpu.vector_load_idx %arg12[%get3A_19] : memref<10240xf32, #tpu.memory_space<vmem>>[vector<16xi32>], vector<16xf32>,
      %gather3A_22 = tpu.vector_load_idx %arg13[%get3A_21] : memref<10240xf32, #tpu.memory_space<vmem>>[vector<16xi32>], vector<16xf32>,
      %add3A_23 = arith.addf %gather3A, %gather3A_22 : vector<16xf32>
      %ge3A = arith.constant 0.000000e+00 : f32
      %ge3A_24 = vector.broadcast %ge3A : f32 to vector<16xf32>
      %ge3A_25 = arith.cmpf oge, %add3A_23, %ge3A_24 : vector<16xf32>
      %mul3A_26 = arith.constant 2.000000e-01 : f32
      %mul3A_27 = vector.broadcast %mul3A_26 : f32 to vector<16xf32>
      %mul3A_28 = arith.mulf %add3A_23, %mul3A_27 : vector<16xf32>
      %select_n3A = arith.select %ge3A_25, %add3A_23, %mul3A_28 : vector<16xi1>, vector<16xf32>
      %get3A_29 = arith.constant 0 : index
      %get3A_30 = tpu.vector_load %arg16[%get3A_29] {strides = array<i32>} : memref<80xf32, #tpu.memory_space<vmem>>, vector<16xf32>,
      %add3A_31 = arith.addf %select_n3A, %get3A_30 : vector<16xf32>
      %exp3A = math.exp %add3A_31 : vector<16xf32>
      %swap3A = arith.constant 0 : index
      %swap3A_32 = tpu.vector_load %arg17[%swap3A] {strides = array<i32>} : memref<80xf32, #tpu.memory_space<vmem>>, vector<16xf32>,
      tpu.vector_store %arg17[%swap3A], %exp3A {strides = array<i32>} : memref<80xf32, #tpu.memory_space<vmem>>, vector<16xf32>,
      %get3A_33 = arith.constant 16 : index
      %get3A_34 = tpu.vector_load %arg14[%get3A_33] {strides = array<i32>} : memref<80xi32, #tpu.memory_space<vmem>>, vector<16xi32>,
      %get3A_35 = arith.constant 16 : index
      %get3A_36 = tpu.vector_load %arg15[%get3A_35] {strides = array<i32>} : memref<80xi32, #tpu.memory_space<vmem>>, vector<16xi32>,
      %gather3A_37 = tpu.vector_load_idx %arg12[%get3A_34] : memref<10240xf32, #tpu.memory_space<vmem>>[vector<16xi32>], vector<16xf32>,
      %gather3A_38 = tpu.vector_load_idx %arg13[%get3A_36] : memref<10240xf32, #tpu.memory_space<vmem>>[vector<16xi32>], vector<16xf32>,
      %add3A_39 = arith.addf %gather3A_37, %gather3A_38 : vector<16xf32>
      %ge3A_40 = arith.constant 0.000000e+00 : f32
      %ge3A_41 = vector.broadcast %ge3A_40 : f32 to vector<16xf32>
      %ge3A_42 = arith.cmpf oge, %add3A_39, %ge3A_41 : vector<16xf32>
      %mul3A_43 = arith.constant 2.000000e-01 : f32
      %mul3A_44 = vector.broadcast %mul3A_43 : f32 to vector<16xf32>
      %mul3A_45 = arith.mulf %add3A_39, %mul3A_44 : vector<16xf32>
      %select_n3A_46 = arith.select %ge3A_42, %add3A_39, %mul3A_45 : vector<16xi1>, vector<16xf32>
      %get3A_47 = arith.constant 16 : index
      %get3A_48 = tpu.vector_load %arg16[%get3A_47] {strides = array<i32>} : memref<80xf32, #tpu.memory_space<vmem>>, vector<16xf32>,
      %add3A_49 = arith.addf %select_n3A_46, %get3A_48 : vector<16xf32>
      %exp3A_50 = math.exp %add3A_49 : vector<16xf32>
      %swap3A_51 = arith.constant 16 : index
      %swap3A_52 = tpu.vector_load %arg17[%swap3A_51] {strides = array<i32>} : memref<80xf32, #tpu.memory_space<vmem>>, vector<16xf32>,
      tpu.vector_store %arg17[%swap3A_51], %exp3A_50 {strides = array<i32>} : memref<80xf32, #tpu.memory_space<vmem>>, vector<16xf32>,
      %get3A_53 = arith.constant 32 : index
      %get3A_54 = tpu.vector_load %arg14[%get3A_53] {strides = array<i32>} : memref<80xi32, #tpu.memory_space<vmem>>, vector<16xi32>,
      %get3A_55 = arith.constant 32 : index
      %get3A_56 = tpu.vector_load %arg15[%get3A_55] {strides = array<i32>} : memref<80xi32, #tpu.memory_space<vmem>>, vector<16xi32>,
      %gather3A_57 = tpu.vector_load_idx %arg12[%get3A_54] : memref<10240xf32, #tpu.memory_space<vmem>>[vector<16xi32>], vector<16xf32>,
      %gather3A_58 = tpu.vector_load_idx %arg13[%get3A_56] : memref<10240xf32, #tpu.memory_space<vmem>>[vector<16xi32>], vector<16xf32>,
      %add3A_59 = arith.addf %gather3A_57, %gather3A_58 : vector<16xf32>
      %ge3A_60 = arith.constant 0.000000e+00 : f32
      %ge3A_61 = vector.broadcast %ge3A_60 : f32 to vector<16xf32>
      %ge3A_62 = arith.cmpf oge, %add3A_59, %ge3A_61 : vector<16xf32>
      %mul3A_63 = arith.constant 2.000000e-01 : f32
      %mul3A_64 = vector.broadcast %mul3A_63 : f32 to vector<16xf32>
      %mul3A_65 = arith.mulf %add3A_59, %mul3A_64 : vector<16xf32>
      %select_n3A_66 = arith.select %ge3A_62, %add3A_59, %mul3A_65 : vector<16xi1>, vector<16xf32>
      %get3A_67 = arith.constant 32 : index
      %get3A_68 = tpu.vector_load %arg16[%get3A_67] {strides = array<i32>} : memref<80xf32, #tpu.memory_space<vmem>>, vector<16xf32>,
      %add3A_69 = arith.addf %select_n3A_66, %get3A_68 : vector<16xf32>
      %exp3A_70 = math.exp %add3A_69 : vector<16xf32>
      %swap3A_71 = arith.constant 32 : index
      %swap3A_72 = tpu.vector_load %arg17[%swap3A_71] {strides = array<i32>} : memref<80xf32, #tpu.memory_space<vmem>>, vector<16xf32>,
      tpu.vector_store %arg17[%swap3A_71], %exp3A_70 {strides = array<i32>} : memref<80xf32, #tpu.memory_space<vmem>>, vector<16xf32>,
      %get3A_73 = arith.constant 48 : index
      %get3A_74 = tpu.vector_load %arg14[%get3A_73] {strides = array<i32>} : memref<80xi32, #tpu.memory_space<vmem>>, vector<16xi32>,
      %get3A_75 = arith.constant 48 : index
      %get3A_76 = tpu.vector_load %arg15[%get3A_75] {strides = array<i32>} : memref<80xi32, #tpu.memory_space<vmem>>, vector<16xi32>,
      %gather3A_77 = tpu.vector_load_idx %arg12[%get3A_74] : memref<10240xf32, #tpu.memory_space<vmem>>[vector<16xi32>], vector<16xf32>,
      %gather3A_78 = tpu.vector_load_idx %arg13[%get3A_76] : memref<10240xf32, #tpu.memory_space<vmem>>[vector<16xi32>], vector<16xf32>,
      %add3A_79 = arith.addf %gather3A_77, %gather3A_78 : vector<16xf32>
      %ge3A_80 = arith.constant 0.000000e+00 : f32
      %ge3A_81 = vector.broadcast %ge3A_80 : f32 to vector<16xf32>
      %ge3A_82 = arith.cmpf oge, %add3A_79, %ge3A_81 : vector<16xf32>
      %mul3A_83 = arith.constant 2.000000e-01 : f32
      %mul3A_84 = vector.broadcast %mul3A_83 : f32 to vector<16xf32>
      %mul3A_85 = arith.mulf %add3A_79, %mul3A_84 : vector<16xf32>
      %select_n3A_86 = arith.select %ge3A_82, %add3A_79, %mul3A_85 : vector<16xi1>, vector<16xf32>
      %get3A_87 = arith.constant 48 : index
      %get3A_88 = tpu.vector_load %arg16[%get3A_87] {strides = array<i32>} : memref<80xf32, #tpu.memory_space<vmem>>, vector<16xf32>,
      %add3A_89 = arith.addf %select_n3A_86, %get3A_88 : vector<16xf32>
      %exp3A_90 = math.exp %add3A_89 : vector<16xf32>
      %swap3A_91 = arith.constant 48 : index
      %swap3A_92 = tpu.vector_load %arg17[%swap3A_91] {strides = array<i32>} : memref<80xf32, #tpu.memory_space<vmem>>, vector<16xf32>,
      tpu.vector_store %arg17[%swap3A_91], %exp3A_90 {strides = array<i32>} : memref<80xf32, #tpu.memory_space<vmem>>, vector<16xf32>,
      %get3A_93 = arith.constant 64 : index
      %get3A_94 = tpu.vector_load %arg14[%get3A_93] {strides = array<i32>} : memref<80xi32, #tpu.memory_space<vmem>>, vector<16xi32>,
      %get3A_95 = arith.constant 64 : index
      %get3A_96 = tpu.vector_load %arg15[%get3A_95] {strides = array<i32>} : memref<80xi32, #tpu.memory_space<vmem>>, vector<16xi32>,
      %gather3A_97 = tpu.vector_load_idx %arg12[%get3A_94] : memref<10240xf32, #tpu.memory_space<vmem>>[vector<16xi32>], vector<16xf32>,
      %gather3A_98 = tpu.vector_load_idx %arg13[%get3A_96] : memref<10240xf32, #tpu.memory_space<vmem>>[vector<16xi32>], vector<16xf32>,
      %add3A_99 = arith.addf %gather3A_97, %gather3A_98 : vector<16xf32>
      %ge3A_100 = arith.constant 0.000000e+00 : f32
      %ge3A_101 = vector.broadcast %ge3A_100 : f32 to vector<16xf32>
      %ge3A_102 = arith.cmpf oge, %add3A_99, %ge3A_101 : vector<16xf32>
      %mul3A_103 = arith.constant 2.000000e-01 : f32
      %mul3A_104 = vector.broadcast %mul3A_103 : f32 to vector<16xf32>
      %mul3A_105 = arith.mulf %add3A_99, %mul3A_104 : vector<16xf32>
      %select_n3A_106 = arith.select %ge3A_102, %add3A_99, %mul3A_105 : vector<16xi1>, vector<16xf32>
      %get3A_107 = arith.constant 64 : index
      %get3A_108 = tpu.vector_load %arg16[%get3A_107] {strides = array<i32>} : memref<80xf32, #tpu.memory_space<vmem>>, vector<16xf32>,
      %add3A_109 = arith.addf %select_n3A_106, %get3A_108 : vector<16xf32>
      %exp3A_110 = math.exp %add3A_109 : vector<16xf32>
      %swap3A_111 = arith.constant 64 : index
      %swap3A_112 = tpu.vector_load %arg17[%swap3A_111] {strides = array<i32>} : memref<80xf32, #tpu.memory_space<vmem>>, vector<16xf32>,
      tpu.vector_store %arg17[%swap3A_111], %exp3A_110 {strides = array<i32>} : memref<80xf32, #tpu.memory_space<vmem>>, vector<16xf32>,
      %dma_wait3A = arith.constant 0 : i32
      %dma_wait3A_113 = arith.constant 0 : i32
      %dma_wait3A_114 = tpu.memref_slice %arg7[%dma_wait3A, %dma_wait3A_113] : memref<10240x16xf32, #tpu.memory_space<hbm>> -> memref<10240x16xf32, #tpu.memory_space<hbm>>
      tpu.wait_indirect_dma semaphore(%arg21 : memref<!tpu.dma_semaphore, #tpu.memory_space<semaphore_mem>>) src(%dma_wait3A_114 : memref<10240x16xf32, #tpu.memory_space<hbm>>) dst(%arg18 : memref<80x16xf32, #tpu.memory_space<vmem>>)
      %get3A_115 = arith.constant 0 : index
      %get3A_116 = tpu.vector_load %arg17[%get3A_115] {strides = array<i32>} : memref<80xf32, #tpu.memory_space<vmem>>, vector<16xf32>,
      %get3A_117 = arith.constant 0 : i32
      %get3A_118 = arith.index_cast %get3A_117 : i32 to index
      %get3A_119 = arith.constant 0 : index
      %get3A_120 = tpu.vector_load %arg18[%get3A_118, %get3A_119] {strides = array<i32>} : memref<80x16xf32, #tpu.memory_space<vmem>>, vector<16xf32>,
      %slice3A = vector.extract_strided_slice %get3A_116 {offsets = [0], sizes = [1], strides = [1]} : vector<16xf32> to vector<1xf32>
      %squeeze3A = vector.extract %slice3A[0] : f32 from vector<1xf32>
      %mul3A_121 = vector.broadcast %squeeze3A : f32 to vector<16xf32>
      %mul3A_122 = arith.mulf %get3A_120, %mul3A_121 : vector<16xf32>
      %swap3A_123 = arith.constant 0 : i32
      %swap3A_124 = arith.index_cast %swap3A_123 : i32 to index
      %swap3A_125 = arith.constant 0 : index
      %swap3A_126 = tpu.vector_load %arg18[%swap3A_124, %swap3A_125] {strides = array<i32>} : memref<80x16xf32, #tpu.memory_space<vmem>>, vector<16xf32>,
      tpu.vector_store %arg18[%swap3A_124, %swap3A_125], %mul3A_122 {strides = array<i32>} : memref<80x16xf32, #tpu.memory_space<vmem>>, vector<16xf32>,
      %get3A_127 = arith.constant 1 : i32
      %get3A_128 = arith.index_cast %get3A_127 : i32 to index
      %get3A_129 = arith.constant 0 : index
      %get3A_130 = tpu.vector_load %arg18[%get3A_128, %get3A_129] {strides = array<i32>} : memref<80x16xf32, #tpu.memory_space<vmem>>, vector<16xf32>,
      %slice3A_131 = vector.extract_strided_slice %get3A_116 {offsets = [1], sizes = [1], strides = [1]} : vector<16xf32> to vector<1xf32>
      %squeeze3A_132 = vector.extract %slice3A_131[0] : f32 from vector<1xf32>
      %mul3A_133 = vector.broadcast %squeeze3A_132 : f32 to vector<16xf32>
      %mul3A_134 = arith.mulf %get3A_130, %mul3A_133 : vector<16xf32>
      %swap3A_135 = arith.constant 1 : i32
      %swap3A_136 = arith.index_cast %swap3A_135 : i32 to index
      %swap3A_137 = arith.constant 0 : index
      %swap3A_138 = tpu.vector_load %arg18[%swap3A_136, %swap3A_137] {strides = array<i32>} : memref<80x16xf32, #tpu.memory_space<vmem>>, vector<16xf32>,
      tpu.vector_store %arg18[%swap3A_136, %swap3A_137], %mul3A_134 {strides = array<i32>} : memref<80x16xf32, #tpu.memory_space<vmem>>, vector<16xf32>,
      %get3A_139 = arith.constant 2 : i32
      %get3A_140 = arith.index_cast %get3A_139 : i32 to index
      %get3A_141 = arith.constant 0 : index
      %get3A_142 = tpu.vector_load %arg18[%get3A_140, %get3A_141] {strides = array<i32>} : memref<80x16xf32, #tpu.memory_space<vmem>>, vector<16xf32>,
      %slice3A_143 = vector.extract_strided_slice %get3A_116 {offsets = [2], sizes = [1], strides = [1]} : vector<16xf32> to vector<1xf32>
      %squeeze3A_144 = vector.extract %slice3A_143[0] : f32 from vector<1xf32>
      %mul3A_145 = vector.broadcast %squeeze3A_144 : f32 to vector<16xf32>
      %mul3A_146 = arith.mulf %get3A_142, %mul3A_145 : vector<16xf32>
      %swap3A_147 = arith.constant 2 : i32
      %swap3A_148 = arith.index_cast %swap3A_147 : i32 to index
      %swap3A_149 = arith.constant 0 : index
      %swap3A_150 = tpu.vector_load %arg18[%swap3A_148, %swap3A_149] {strides = array<i32>} : memref<80x16xf32, #tpu.memory_space<vmem>>, vector<16xf32>,
      tpu.vector_store %arg18[%swap3A_148, %swap3A_149], %mul3A_146 {strides = array<i32>} : memref<80x16xf32, #tpu.memory_space<vmem>>, vector<16xf32>,
      %get3A_151 = arith.constant 3 : i32
      %get3A_152 = arith.index_cast %get3A_151 : i32 to index
      %get3A_153 = arith.constant 0 : index
      %get3A_154 = tpu.vector_load %arg18[%get3A_152, %get3A_153] {strides = array<i32>} : memref<80x16xf32, #tpu.memory_space<vmem>>, vector<16xf32>,
      %slice3A_155 = vector.extract_strided_slice %get3A_116 {offsets = [3], sizes = [1], strides = [1]} : vector<16xf32> to vector<1xf32>
      %squeeze3A_156 = vector.extract %slice3A_155[0] : f32 from vector<1xf32>
      %mul3A_157 = vector.broadcast %squeeze3A_156 : f32 to vector<16xf32>
      %mul3A_158 = arith.mulf %get3A_154, %mul3A_157 : vector<16xf32>
      %swap3A_159 = arith.constant 3 : i32
      %swap3A_160 = arith.index_cast %swap3A_159 : i32 to index
      %swap3A_161 = arith.constant 0 : index
      %swap3A_162 = tpu.vector_load %arg18[%swap3A_160, %swap3A_161] {strides = array<i32>} : memref<80x16xf32, #tpu.memory_space<vmem>>, vector<16xf32>,
      tpu.vector_store %arg18[%swap3A_160, %swap3A_161], %mul3A_158 {strides = array<i32>} : memref<80x16xf32, #tpu.memory_space<vmem>>, vector<16xf32>,
      %get3A_163 = arith.constant 4 : i32
      %get3A_164 = arith.index_cast %get3A_163 : i32 to index
      %get3A_165 = arith.constant 0 : index
      %get3A_166 = tpu.vector_load %arg18[%get3A_164, %get3A_165] {strides = array<i32>} : memref<80x16xf32, #tpu.memory_space<vmem>>, vector<16xf32>,
      %slice3A_167 = vector.extract_strided_slice %get3A_116 {offsets = [4], sizes = [1], strides = [1]} : vector<16xf32> to vector<1xf32>
      %squeeze3A_168 = vector.extract %slice3A_167[0] : f32 from vector<1xf32>
      %mul3A_169 = vector.broadcast %squeeze3A_168 : f32 to vector<16xf32>
      %mul3A_170 = arith.mulf %get3A_166, %mul3A_169 : vector<16xf32>
      %swap3A_171 = arith.constant 4 : i32
      %swap3A_172 = arith.index_cast %swap3A_171 : i32 to index
      %swap3A_173 = arith.constant 0 : index
      %swap3A_174 = tpu.vector_load %arg18[%swap3A_172, %swap3A_173] {strides = array<i32>} : memref<80x16xf32, #tpu.memory_space<vmem>>, vector<16xf32>,
      tpu.vector_store %arg18[%swap3A_172, %swap3A_173], %mul3A_170 {strides = array<i32>} : memref<80x16xf32, #tpu.memory_space<vmem>>, vector<16xf32>,
      %get3A_175 = arith.constant 5 : i32
      %get3A_176 = arith.index_cast %get3A_175 : i32 to index
      %get3A_177 = arith.constant 0 : index
      %get3A_178 = tpu.vector_load %arg18[%get3A_176, %get3A_177] {strides = array<i32>} : memref<80x16xf32, #tpu.memory_space<vmem>>, vector<16xf32>,
      %slice3A_179 = vector.extract_strided_slice %get3A_116 {offsets = [5], sizes = [1], strides = [1]} : vector<16xf32> to vector<1xf32>
      %squeeze3A_180 = vector.extract %slice3A_179[0] : f32 from vector<1xf32>
      %mul3A_181 = vector.broadcast %squeeze3A_180 : f32 to vector<16xf32>
      %mul3A_182 = arith.mulf %get3A_178, %mul3A_181 : vector<16xf32>
      %swap3A_183 = arith.constant 5 : i32
      %swap3A_184 = arith.index_cast %swap3A_183 : i32 to index
      %swap3A_185 = arith.constant 0 : index
      %swap3A_186 = tpu.vector_load %arg18[%swap3A_184, %swap3A_185] {strides = array<i32>} : memref<80x16xf32, #tpu.memory_space<vmem>>, vector<16xf32>,
      tpu.vector_store %arg18[%swap3A_184, %swap3A_185], %mul3A_182 {strides = array<i32>} : memref<80x16xf32, #tpu.memory_space<vmem>>, vector<16xf32>,
      %get3A_187 = arith.constant 6 : i32
      %get3A_188 = arith.index_cast %get3A_187 : i32 to index
      %get3A_189 = arith.constant 0 : index
      %get3A_190 = tpu.vector_load %arg18[%get3A_188, %get3A_189] {strides = array<i32>} : memref<80x16xf32, #tpu.memory_space<vmem>>, vector<16xf32>,
      %slice3A_191 = vector.extract_strided_slice %get3A_116 {offsets = [6], sizes = [1], strides = [1]} : vector<16xf32> to vector<1xf32>
      %squeeze3A_192 = vector.extract %slice3A_191[0] : f32 from vector<1xf32>
      %mul3A_193 = vector.broadcast %squeeze3A_192 : f32 to vector<16xf32>
      %mul3A_194 = arith.mulf %get3A_190, %mul3A_193 : vector<16xf32>
      %swap3A_195 = arith.constant 6 : i32
      %swap3A_196 = arith.index_cast %swap3A_195 : i32 to index
      %swap3A_197 = arith.constant 0 : index
      %swap3A_198 = tpu.vector_load %arg18[%swap3A_196, %swap3A_197] {strides = array<i32>} : memref<80x16xf32, #tpu.memory_space<vmem>>, vector<16xf32>,
      tpu.vector_store %arg18[%swap3A_196, %swap3A_197], %mul3A_194 {strides = array<i32>} : memref<80x16xf32, #tpu.memory_space<vmem>>, vector<16xf32>,
      %get3A_199 = arith.constant 7 : i32
      %get3A_200 = arith.index_cast %get3A_199 : i32 to index
      %get3A_201 = arith.constant 0 : index
      %get3A_202 = tpu.vector_load %arg18[%get3A_200, %get3A_201] {strides = array<i32>} : memref<80x16xf32, #tpu.memory_space<vmem>>, vector<16xf32>,
      %slice3A_203 = vector.extract_strided_slice %get3A_116 {offsets = [7], sizes = [1], strides = [1]} : vector<16xf32> to vector<1xf32>
      %squeeze3A_204 = vector.extract %slice3A_203[0] : f32 from vector<1xf32>
      %mul3A_205 = vector.broadcast %squeeze3A_204 : f32 to vector<16xf32>
      %mul3A_206 = arith.mulf %get3A_202, %mul3A_205 : vector<16xf32>
      %swap3A_207 = arith.constant 7 : i32
      %swap3A_208 = arith.index_cast %swap3A_207 : i32 to index
      %swap3A_209 = arith.constant 0 : index
      %swap3A_210 = tpu.vector_load %arg18[%swap3A_208, %swap3A_209] {strides = array<i32>} : memref<80x16xf32, #tpu.memory_space<vmem>>, vector<16xf32>,
      tpu.vector_store %arg18[%swap3A_208, %swap3A_209], %mul3A_206 {strides = array<i32>} : memref<80x16xf32, #tpu.memory_space<vmem>>, vector<16xf32>,
      %get3A_211 = arith.constant 8 : i32
      %get3A_212 = arith.index_cast %get3A_211 : i32 to index
      %get3A_213 = arith.constant 0 : index
      %get3A_214 = tpu.vector_load %arg18[%get3A_212, %get3A_213] {strides = array<i32>} : memref<80x16xf32, #tpu.memory_space<vmem>>, vector<16xf32>,
      %slice3A_215 = vector.extract_strided_slice %get3A_116 {offsets = [8], sizes = [1], strides = [1]} : vector<16xf32> to vector<1xf32>
      %squeeze3A_216 = vector.extract %slice3A_215[0] : f32 from vector<1xf32>
      %mul3A_217 = vector.broadcast %squeeze3A_216 : f32 to vector<16xf32>
      %mul3A_218 = arith.mulf %get3A_214, %mul3A_217 : vector<16xf32>
      %swap3A_219 = arith.constant 8 : i32
      %swap3A_220 = arith.index_cast %swap3A_219 : i32 to index
      %swap3A_221 = arith.constant 0 : index
      %swap3A_222 = tpu.vector_load %arg18[%swap3A_220, %swap3A_221] {strides = array<i32>} : memref<80x16xf32, #tpu.memory_space<vmem>>, vector<16xf32>,
      tpu.vector_store %arg18[%swap3A_220, %swap3A_221], %mul3A_218 {strides = array<i32>} : memref<80x16xf32, #tpu.memory_space<vmem>>, vector<16xf32>,
      %get3A_223 = arith.constant 9 : i32
      %get3A_224 = arith.index_cast %get3A_223 : i32 to index
      %get3A_225 = arith.constant 0 : index
      %get3A_226 = tpu.vector_load %arg18[%get3A_224, %get3A_225] {strides = array<i32>} : memref<80x16xf32, #tpu.memory_space<vmem>>, vector<16xf32>,
      %slice3A_227 = vector.extract_strided_slice %get3A_116 {offsets = [9], sizes = [1], strides = [1]} : vector<16xf32> to vector<1xf32>
      %squeeze3A_228 = vector.extract %slice3A_227[0] : f32 from vector<1xf32>
      %mul3A_229 = vector.broadcast %squeeze3A_228 : f32 to vector<16xf32>
      %mul3A_230 = arith.mulf %get3A_226, %mul3A_229 : vector<16xf32>
      %swap3A_231 = arith.constant 9 : i32
      %swap3A_232 = arith.index_cast %swap3A_231 : i32 to index
      %swap3A_233 = arith.constant 0 : index
      %swap3A_234 = tpu.vector_load %arg18[%swap3A_232, %swap3A_233] {strides = array<i32>} : memref<80x16xf32, #tpu.memory_space<vmem>>, vector<16xf32>,
      tpu.vector_store %arg18[%swap3A_232, %swap3A_233], %mul3A_230 {strides = array<i32>} : memref<80x16xf32, #tpu.memory_space<vmem>>, vector<16xf32>,
      %get3A_235 = arith.constant 10 : i32
      %get3A_236 = arith.index_cast %get3A_235 : i32 to index
      %get3A_237 = arith.constant 0 : index
      %get3A_238 = tpu.vector_load %arg18[%get3A_236, %get3A_237] {strides = array<i32>} : memref<80x16xf32, #tpu.memory_space<vmem>>, vector<16xf32>,
      %slice3A_239 = vector.extract_strided_slice %get3A_116 {offsets = [10], sizes = [1], strides = [1]} : vector<16xf32> to vector<1xf32>
      %squeeze3A_240 = vector.extract %slice3A_239[0] : f32 from vector<1xf32>
      %mul3A_241 = vector.broadcast %squeeze3A_240 : f32 to vector<16xf32>
      %mul3A_242 = arith.mulf %get3A_238, %mul3A_241 : vector<16xf32>
      %swap3A_243 = arith.constant 10 : i32
      %swap3A_244 = arith.index_cast %swap3A_243 : i32 to index
      %swap3A_245 = arith.constant 0 : index
      %swap3A_246 = tpu.vector_load %arg18[%swap3A_244, %swap3A_245] {strides = array<i32>} : memref<80x16xf32, #tpu.memory_space<vmem>>, vector<16xf32>,
      tpu.vector_store %arg18[%swap3A_244, %swap3A_245], %mul3A_242 {strides = array<i32>} : memref<80x16xf32, #tpu.memory_space<vmem>>, vector<16xf32>,
      %get3A_247 = arith.constant 11 : i32
      %get3A_248 = arith.index_cast %get3A_247 : i32 to index
      %get3A_249 = arith.constant 0 : index
      %get3A_250 = tpu.vector_load %arg18[%get3A_248, %get3A_249] {strides = array<i32>} : memref<80x16xf32, #tpu.memory_space<vmem>>, vector<16xf32>,
      %slice3A_251 = vector.extract_strided_slice %get3A_116 {offsets = [11], sizes = [1], strides = [1]} : vector<16xf32> to vector<1xf32>
      %squeeze3A_252 = vector.extract %slice3A_251[0] : f32 from vector<1xf32>
      %mul3A_253 = vector.broadcast %squeeze3A_252 : f32 to vector<16xf32>
      %mul3A_254 = arith.mulf %get3A_250, %mul3A_253 : vector<16xf32>
      %swap3A_255 = arith.constant 11 : i32
      %swap3A_256 = arith.index_cast %swap3A_255 : i32 to index
      %swap3A_257 = arith.constant 0 : index
      %swap3A_258 = tpu.vector_load %arg18[%swap3A_256, %swap3A_257] {strides = array<i32>} : memref<80x16xf32, #tpu.memory_space<vmem>>, vector<16xf32>,
      tpu.vector_store %arg18[%swap3A_256, %swap3A_257], %mul3A_254 {strides = array<i32>} : memref<80x16xf32, #tpu.memory_space<vmem>>, vector<16xf32>,
      %get3A_259 = arith.constant 12 : i32
      %get3A_260 = arith.index_cast %get3A_259 : i32 to index
      %get3A_261 = arith.constant 0 : index
      %get3A_262 = tpu.vector_load %arg18[%get3A_260, %get3A_261] {strides = array<i32>} : memref<80x16xf32, #tpu.memory_space<vmem>>, vector<16xf32>,
      %slice3A_263 = vector.extract_strided_slice %get3A_116 {offsets = [12], sizes = [1], strides = [1]} : vector<16xf32> to vector<1xf32>
      %squeeze3A_264 = vector.extract %slice3A_263[0] : f32 from vector<1xf32>
      %mul3A_265 = vector.broadcast %squeeze3A_264 : f32 to vector<16xf32>
      %mul3A_266 = arith.mulf %get3A_262, %mul3A_265 : vector<16xf32>
      %swap3A_267 = arith.constant 12 : i32
      %swap3A_268 = arith.index_cast %swap3A_267 : i32 to index
      %swap3A_269 = arith.constant 0 : index
      %swap3A_270 = tpu.vector_load %arg18[%swap3A_268, %swap3A_269] {strides = array<i32>} : memref<80x16xf32, #tpu.memory_space<vmem>>, vector<16xf32>,
      tpu.vector_store %arg18[%swap3A_268, %swap3A_269], %mul3A_266 {strides = array<i32>} : memref<80x16xf32, #tpu.memory_space<vmem>>, vector<16xf32>,
      %get3A_271 = arith.constant 13 : i32
      %get3A_272 = arith.index_cast %get3A_271 : i32 to index
      %get3A_273 = arith.constant 0 : index
      %get3A_274 = tpu.vector_load %arg18[%get3A_272, %get3A_273] {strides = array<i32>} : memref<80x16xf32, #tpu.memory_space<vmem>>, vector<16xf32>,
      %slice3A_275 = vector.extract_strided_slice %get3A_116 {offsets = [13], sizes = [1], strides = [1]} : vector<16xf32> to vector<1xf32>
      %squeeze3A_276 = vector.extract %slice3A_275[0] : f32 from vector<1xf32>
      %mul3A_277 = vector.broadcast %squeeze3A_276 : f32 to vector<16xf32>
      %mul3A_278 = arith.mulf %get3A_274, %mul3A_277 : vector<16xf32>
      %swap3A_279 = arith.constant 13 : i32
      %swap3A_280 = arith.index_cast %swap3A_279 : i32 to index
      %swap3A_281 = arith.constant 0 : index
      %swap3A_282 = tpu.vector_load %arg18[%swap3A_280, %swap3A_281] {strides = array<i32>} : memref<80x16xf32, #tpu.memory_space<vmem>>, vector<16xf32>,
      tpu.vector_store %arg18[%swap3A_280, %swap3A_281], %mul3A_278 {strides = array<i32>} : memref<80x16xf32, #tpu.memory_space<vmem>>, vector<16xf32>,
      %get3A_283 = arith.constant 14 : i32
      %get3A_284 = arith.index_cast %get3A_283 : i32 to index
      %get3A_285 = arith.constant 0 : index
      %get3A_286 = tpu.vector_load %arg18[%get3A_284, %get3A_285] {strides = array<i32>} : memref<80x16xf32, #tpu.memory_space<vmem>>, vector<16xf32>,
      %slice3A_287 = vector.extract_strided_slice %get3A_116 {offsets = [14], sizes = [1], strides = [1]} : vector<16xf32> to vector<1xf32>
      %squeeze3A_288 = vector.extract %slice3A_287[0] : f32 from vector<1xf32>
      %mul3A_289 = vector.broadcast %squeeze3A_288 : f32 to vector<16xf32>
      %mul3A_290 = arith.mulf %get3A_286, %mul3A_289 : vector<16xf32>
      %swap3A_291 = arith.constant 14 : i32
      %swap3A_292 = arith.index_cast %swap3A_291 : i32 to index
      %swap3A_293 = arith.constant 0 : index
      %swap3A_294 = tpu.vector_load %arg18[%swap3A_292, %swap3A_293] {strides = array<i32>} : memref<80x16xf32, #tpu.memory_space<vmem>>, vector<16xf32>,
      tpu.vector_store %arg18[%swap3A_292, %swap3A_293], %mul3A_290 {strides = array<i32>} : memref<80x16xf32, #tpu.memory_space<vmem>>, vector<16xf32>,
      %get3A_295 = arith.constant 15 : i32
      %get3A_296 = arith.index_cast %get3A_295 : i32 to index
      %get3A_297 = arith.constant 0 : index
      %get3A_298 = tpu.vector_load %arg18[%get3A_296, %get3A_297] {strides = array<i32>} : memref<80x16xf32, #tpu.memory_space<vmem>>, vector<16xf32>,
      %slice3A_299 = vector.extract_strided_slice %get3A_116 {offsets = [15], sizes = [1], strides = [1]} : vector<16xf32> to vector<1xf32>
      %squeeze3A_300 = vector.extract %slice3A_299[0] : f32 from vector<1xf32>
      %mul3A_301 = vector.broadcast %squeeze3A_300 : f32 to vector<16xf32>
      %mul3A_302 = arith.mulf %get3A_298, %mul3A_301 : vector<16xf32>
      %swap3A_303 = arith.constant 15 : i32
      %swap3A_304 = arith.index_cast %swap3A_303 : i32 to index
      %swap3A_305 = arith.constant 0 : index
      %swap3A_306 = tpu.vector_load %arg18[%swap3A_304, %swap3A_305] {strides = array<i32>} : memref<80x16xf32, #tpu.memory_space<vmem>>, vector<16xf32>,
      tpu.vector_store %arg18[%swap3A_304, %swap3A_305], %mul3A_302 {strides = array<i32>} : memref<80x16xf32, #tpu.memory_space<vmem>>, vector<16xf32>,
      %get3A_307 = arith.constant 16 : index
      %get3A_308 = tpu.vector_load %arg17[%get3A_307] {strides = array<i32>} : memref<80xf32, #tpu.memory_space<vmem>>, vector<16xf32>,
      %get3A_309 = arith.constant 16 : i32
      %get3A_310 = arith.index_cast %get3A_309 : i32 to index
      %get3A_311 = arith.constant 0 : index
      %get3A_312 = tpu.vector_load %arg18[%get3A_310, %get3A_311] {strides = array<i32>} : memref<80x16xf32, #tpu.memory_space<vmem>>, vector<16xf32>,
      %slice3A_313 = vector.extract_strided_slice %get3A_308 {offsets = [0], sizes = [1], strides = [1]} : vector<16xf32> to vector<1xf32>
      %squeeze3A_314 = vector.extract %slice3A_313[0] : f32 from vector<1xf32>
      %mul3A_315 = vector.broadcast %squeeze3A_314 : f32 to vector<16xf32>
      %mul3A_316 = arith.mulf %get3A_312, %mul3A_315 : vector<16xf32>
      %swap3A_317 = arith.constant 16 : i32
      %swap3A_318 = arith.index_cast %swap3A_317 : i32 to index
      %swap3A_319 = arith.constant 0 : index
      %swap3A_320 = tpu.vector_load %arg18[%swap3A_318, %swap3A_319] {strides = array<i32>} : memref<80x16xf32, #tpu.memory_space<vmem>>, vector<16xf32>,
      tpu.vector_store %arg18[%swap3A_318, %swap3A_319], %mul3A_316 {strides = array<i32>} : memref<80x16xf32, #tpu.memory_space<vmem>>, vector<16xf32>,
      %get3A_321 = arith.constant 17 : i32
      %get3A_322 = arith.index_cast %get3A_321 : i32 to index
      %get3A_323 = arith.constant 0 : index
      %get3A_324 = tpu.vector_load %arg18[%get3A_322, %get3A_323] {strides = array<i32>} : memref<80x16xf32, #tpu.memory_space<vmem>>, vector<16xf32>,
      %slice3A_325 = vector.extract_strided_slice %get3A_308 {offsets = [1], sizes = [1], strides = [1]} : vector<16xf32> to vector<1xf32>
      %squeeze3A_326 = vector.extract %slice3A_325[0] : f32 from vector<1xf32>
      %mul3A_327 = vector.broadcast %squeeze3A_326 : f32 to vector<16xf32>
      %mul3A_328 = arith.mulf %get3A_324, %mul3A_327 : vector<16xf32>
      %swap3A_329 = arith.constant 17 : i32
      %swap3A_330 = arith.index_cast %swap3A_329 : i32 to index
      %swap3A_331 = arith.constant 0 : index
      %swap3A_332 = tpu.vector_load %arg18[%swap3A_330, %swap3A_331] {strides = array<i32>} : memref<80x16xf32, #tpu.memory_space<vmem>>, vector<16xf32>,
      tpu.vector_store %arg18[%swap3A_330, %swap3A_331], %mul3A_328 {strides = array<i32>} : memref<80x16xf32, #tpu.memory_space<vmem>>, vector<16xf32>,
      %get3A_333 = arith.constant 18 : i32
      %get3A_334 = arith.index_cast %get3A_333 : i32 to index
      %get3A_335 = arith.constant 0 : index
      %get3A_336 = tpu.vector_load %arg18[%get3A_334, %get3A_335] {strides = array<i32>} : memref<80x16xf32, #tpu.memory_space<vmem>>, vector<16xf32>,
      %slice3A_337 = vector.extract_strided_slice %get3A_308 {offsets = [2], sizes = [1], strides = [1]} : vector<16xf32> to vector<1xf32>
      %squeeze3A_338 = vector.extract %slice3A_337[0] : f32 from vector<1xf32>
      %mul3A_339 = vector.broadcast %squeeze3A_338 : f32 to vector<16xf32>
      %mul3A_340 = arith.mulf %get3A_336, %mul3A_339 : vector<16xf32>
      %swap3A_341 = arith.constant 18 : i32
      %swap3A_342 = arith.index_cast %swap3A_341 : i32 to index
      %swap3A_343 = arith.constant 0 : index
      %swap3A_344 = tpu.vector_load %arg18[%swap3A_342, %swap3A_343] {strides = array<i32>} : memref<80x16xf32, #tpu.memory_space<vmem>>, vector<16xf32>,
      tpu.vector_store %arg18[%swap3A_342, %swap3A_343], %mul3A_340 {strides = array<i32>} : memref<80x16xf32, #tpu.memory_space<vmem>>, vector<16xf32>,
      %get3A_345 = arith.constant 19 : i32
      %get3A_346 = arith.index_cast %get3A_345 : i32 to index
      %get3A_347 = arith.constant 0 : index
      %get3A_348 = tpu.vector_load %arg18[%get3A_346, %get3A_347] {strides = array<i32>} : memref<80x16xf32, #tpu.memory_space<vmem>>, vector<16xf32>,
      %slice3A_349 = vector.extract_strided_slice %get3A_308 {offsets = [3], sizes = [1], strides = [1]} : vector<16xf32> to vector<1xf32>
      %squeeze3A_350 = vector.extract %slice3A_349[0] : f32 from vector<1xf32>
      %mul3A_351 = vector.broadcast %squeeze3A_350 : f32 to vector<16xf32>
      %mul3A_352 = arith.mulf %get3A_348, %mul3A_351 : vector<16xf32>
      %swap3A_353 = arith.constant 19 : i32
      %swap3A_354 = arith.index_cast %swap3A_353 : i32 to index
      %swap3A_355 = arith.constant 0 : index
      %swap3A_356 = tpu.vector_load %arg18[%swap3A_354, %swap3A_355] {strides = array<i32>} : memref<80x16xf32, #tpu.memory_space<vmem>>, vector<16xf32>,
      tpu.vector_store %arg18[%swap3A_354, %swap3A_355], %mul3A_352 {strides = array<i32>} : memref<80x16xf32, #tpu.memory_space<vmem>>, vector<16xf32>,
      %get3A_357 = arith.constant 20 : i32
      %get3A_358 = arith.index_cast %get3A_357 : i32 to index
      %get3A_359 = arith.constant 0 : index
      %get3A_360 = tpu.vector_load %arg18[%get3A_358, %get3A_359] {strides = array<i32>} : memref<80x16xf32, #tpu.memory_space<vmem>>, vector<16xf32>,
      %slice3A_361 = vector.extract_strided_slice %get3A_308 {offsets = [4], sizes = [1], strides = [1]} : vector<16xf32> to vector<1xf32>
      %squeeze3A_362 = vector.extract %slice3A_361[0] : f32 from vector<1xf32>
      %mul3A_363 = vector.broadcast %squeeze3A_362 : f32 to vector<16xf32>
      %mul3A_364 = arith.mulf %get3A_360, %mul3A_363 : vector<16xf32>
      %swap3A_365 = arith.constant 20 : i32
      %swap3A_366 = arith.index_cast %swap3A_365 : i32 to index
      %swap3A_367 = arith.constant 0 : index
      %swap3A_368 = tpu.vector_load %arg18[%swap3A_366, %swap3A_367] {strides = array<i32>} : memref<80x16xf32, #tpu.memory_space<vmem>>, vector<16xf32>,
      tpu.vector_store %arg18[%swap3A_366, %swap3A_367], %mul3A_364 {strides = array<i32>} : memref<80x16xf32, #tpu.memory_space<vmem>>, vector<16xf32>,
      %get3A_369 = arith.constant 21 : i32
      %get3A_370 = arith.index_cast %get3A_369 : i32 to index
      %get3A_371 = arith.constant 0 : index
      %get3A_372 = tpu.vector_load %arg18[%get3A_370, %get3A_371] {strides = array<i32>} : memref<80x16xf32, #tpu.memory_space<vmem>>, vector<16xf32>,
      %slice3A_373 = vector.extract_strided_slice %get3A_308 {offsets = [5], sizes = [1], strides = [1]} : vector<16xf32> to vector<1xf32>
      %squeeze3A_374 = vector.extract %slice3A_373[0] : f32 from vector<1xf32>
      %mul3A_375 = vector.broadcast %squeeze3A_374 : f32 to vector<16xf32>
      %mul3A_376 = arith.mulf %get3A_372, %mul3A_375 : vector<16xf32>
      %swap3A_377 = arith.constant 21 : i32
      %swap3A_378 = arith.index_cast %swap3A_377 : i32 to index
      %swap3A_379 = arith.constant 0 : index
      %swap3A_380 = tpu.vector_load %arg18[%swap3A_378, %swap3A_379] {strides = array<i32>} : memref<80x16xf32, #tpu.memory_space<vmem>>, vector<16xf32>,
      tpu.vector_store %arg18[%swap3A_378, %swap3A_379], %mul3A_376 {strides = array<i32>} : memref<80x16xf32, #tpu.memory_space<vmem>>, vector<16xf32>,
      %get3A_381 = arith.constant 22 : i32
      %get3A_382 = arith.index_cast %get3A_381 : i32 to index
      %get3A_383 = arith.constant 0 : index
      %get3A_384 = tpu.vector_load %arg18[%get3A_382, %get3A_383] {strides = array<i32>} : memref<80x16xf32, #tpu.memory_space<vmem>>, vector<16xf32>,
      %slice3A_385 = vector.extract_strided_slice %get3A_308 {offsets = [6], sizes = [1], strides = [1]} : vector<16xf32> to vector<1xf32>
      %squeeze3A_386 = vector.extract %slice3A_385[0] : f32 from vector<1xf32>
      %mul3A_387 = vector.broadcast %squeeze3A_386 : f32 to vector<16xf32>
      %mul3A_388 = arith.mulf %get3A_384, %mul3A_387 : vector<16xf32>
      %swap3A_389 = arith.constant 22 : i32
      %swap3A_390 = arith.index_cast %swap3A_389 : i32 to index
      %swap3A_391 = arith.constant 0 : index
      %swap3A_392 = tpu.vector_load %arg18[%swap3A_390, %swap3A_391] {strides = array<i32>} : memref<80x16xf32, #tpu.memory_space<vmem>>, vector<16xf32>,
      tpu.vector_store %arg18[%swap3A_390, %swap3A_391], %mul3A_388 {strides = array<i32>} : memref<80x16xf32, #tpu.memory_space<vmem>>, vector<16xf32>,
      %get3A_393 = arith.constant 23 : i32
      %get3A_394 = arith.index_cast %get3A_393 : i32 to index
      %get3A_395 = arith.constant 0 : index
      %get3A_396 = tpu.vector_load %arg18[%get3A_394, %get3A_395] {strides = array<i32>} : memref<80x16xf32, #tpu.memory_space<vmem>>, vector<16xf32>,
      %slice3A_397 = vector.extract_strided_slice %get3A_308 {offsets = [7], sizes = [1], strides = [1]} : vector<16xf32> to vector<1xf32>
      %squeeze3A_398 = vector.extract %slice3A_397[0] : f32 from vector<1xf32>
      %mul3A_399 = vector.broadcast %squeeze3A_398 : f32 to vector<16xf32>
      %mul3A_400 = arith.mulf %get3A_396, %mul3A_399 : vector<16xf32>
      %swap3A_401 = arith.constant 23 : i32
      %swap3A_402 = arith.index_cast %swap3A_401 : i32 to index
      %swap3A_403 = arith.constant 0 : index
      %swap3A_404 = tpu.vector_load %arg18[%swap3A_402, %swap3A_403] {strides = array<i32>} : memref<80x16xf32, #tpu.memory_space<vmem>>, vector<16xf32>,
      tpu.vector_store %arg18[%swap3A_402, %swap3A_403], %mul3A_400 {strides = array<i32>} : memref<80x16xf32, #tpu.memory_space<vmem>>, vector<16xf32>,
      %get3A_405 = arith.constant 24 : i32
      %get3A_406 = arith.index_cast %get3A_405 : i32 to index
      %get3A_407 = arith.constant 0 : index
      %get3A_408 = tpu.vector_load %arg18[%get3A_406, %get3A_407] {strides = array<i32>} : memref<80x16xf32, #tpu.memory_space<vmem>>, vector<16xf32>,
      %slice3A_409 = vector.extract_strided_slice %get3A_308 {offsets = [8], sizes = [1], strides = [1]} : vector<16xf32> to vector<1xf32>
      %squeeze3A_410 = vector.extract %slice3A_409[0] : f32 from vector<1xf32>
      %mul3A_411 = vector.broadcast %squeeze3A_410 : f32 to vector<16xf32>
      %mul3A_412 = arith.mulf %get3A_408, %mul3A_411 : vector<16xf32>
      %swap3A_413 = arith.constant 24 : i32
      %swap3A_414 = arith.index_cast %swap3A_413 : i32 to index
      %swap3A_415 = arith.constant 0 : index
      %swap3A_416 = tpu.vector_load %arg18[%swap3A_414, %swap3A_415] {strides = array<i32>} : memref<80x16xf32, #tpu.memory_space<vmem>>, vector<16xf32>,
      tpu.vector_store %arg18[%swap3A_414, %swap3A_415], %mul3A_412 {strides = array<i32>} : memref<80x16xf32, #tpu.memory_space<vmem>>, vector<16xf32>,
      %get3A_417 = arith.constant 25 : i32
      %get3A_418 = arith.index_cast %get3A_417 : i32 to index
      %get3A_419 = arith.constant 0 : index
      %get3A_420 = tpu.vector_load %arg18[%get3A_418, %get3A_419] {strides = array<i32>} : memref<80x16xf32, #tpu.memory_space<vmem>>, vector<16xf32>,
      %slice3A_421 = vector.extract_strided_slice %get3A_308 {offsets = [9], sizes = [1], strides = [1]} : vector<16xf32> to vector<1xf32>
      %squeeze3A_422 = vector.extract %slice3A_421[0] : f32 from vector<1xf32>
      %mul3A_423 = vector.broadcast %squeeze3A_422 : f32 to vector<16xf32>
      %mul3A_424 = arith.mulf %get3A_420, %mul3A_423 : vector<16xf32>
      %swap3A_425 = arith.constant 25 : i32
      %swap3A_426 = arith.index_cast %swap3A_425 : i32 to index
      %swap3A_427 = arith.constant 0 : index
      %swap3A_428 = tpu.vector_load %arg18[%swap3A_426, %swap3A_427] {strides = array<i32>} : memref<80x16xf32, #tpu.memory_space<vmem>>, vector<16xf32>,
      tpu.vector_store %arg18[%swap3A_426, %swap3A_427], %mul3A_424 {strides = array<i32>} : memref<80x16xf32, #tpu.memory_space<vmem>>, vector<16xf32>,
      %get3A_429 = arith.constant 26 : i32
      %get3A_430 = arith.index_cast %get3A_429 : i32 to index
      %get3A_431 = arith.constant 0 : index
      %get3A_432 = tpu.vector_load %arg18[%get3A_430, %get3A_431] {strides = array<i32>} : memref<80x16xf32, #tpu.memory_space<vmem>>, vector<16xf32>,
      %slice3A_433 = vector.extract_strided_slice %get3A_308 {offsets = [10], sizes = [1], strides = [1]} : vector<16xf32> to vector<1xf32>
      %squeeze3A_434 = vector.extract %slice3A_433[0] : f32 from vector<1xf32>
      %mul3A_435 = vector.broadcast %squeeze3A_434 : f32 to vector<16xf32>
      %mul3A_436 = arith.mulf %get3A_432, %mul3A_435 : vector<16xf32>
      %swap3A_437 = arith.constant 26 : i32
      %swap3A_438 = arith.index_cast %swap3A_437 : i32 to index
      %swap3A_439 = arith.constant 0 : index
      %swap3A_440 = tpu.vector_load %arg18[%swap3A_438, %swap3A_439] {strides = array<i32>} : memref<80x16xf32, #tpu.memory_space<vmem>>, vector<16xf32>,
      tpu.vector_store %arg18[%swap3A_438, %swap3A_439], %mul3A_436 {strides = array<i32>} : memref<80x16xf32, #tpu.memory_space<vmem>>, vector<16xf32>,
      %get3A_441 = arith.constant 27 : i32
      %get3A_442 = arith.index_cast %get3A_441 : i32 to index
      %get3A_443 = arith.constant 0 : index
      %get3A_444 = tpu.vector_load %arg18[%get3A_442, %get3A_443] {strides = array<i32>} : memref<80x16xf32, #tpu.memory_space<vmem>>, vector<16xf32>,
      %slice3A_445 = vector.extract_strided_slice %get3A_308 {offsets = [11], sizes = [1], strides = [1]} : vector<16xf32> to vector<1xf32>
      %squeeze3A_446 = vector.extract %slice3A_445[0] : f32 from vector<1xf32>
      %mul3A_447 = vector.broadcast %squeeze3A_446 : f32 to vector<16xf32>
      %mul3A_448 = arith.mulf %get3A_444, %mul3A_447 : vector<16xf32>
      %swap3A_449 = arith.constant 27 : i32
      %swap3A_450 = arith.index_cast %swap3A_449 : i32 to index
      %swap3A_451 = arith.constant 0 : index
      %swap3A_452 = tpu.vector_load %arg18[%swap3A_450, %swap3A_451] {strides = array<i32>} : memref<80x16xf32, #tpu.memory_space<vmem>>, vector<16xf32>,
      tpu.vector_store %arg18[%swap3A_450, %swap3A_451], %mul3A_448 {strides = array<i32>} : memref<80x16xf32, #tpu.memory_space<vmem>>, vector<16xf32>,
      %get3A_453 = arith.constant 28 : i32
      %get3A_454 = arith.index_cast %get3A_453 : i32 to index
      %get3A_455 = arith.constant 0 : index
      %get3A_456 = tpu.vector_load %arg18[%get3A_454, %get3A_455] {strides = array<i32>} : memref<80x16xf32, #tpu.memory_space<vmem>>, vector<16xf32>,
      %slice3A_457 = vector.extract_strided_slice %get3A_308 {offsets = [12], sizes = [1], strides = [1]} : vector<16xf32> to vector<1xf32>
      %squeeze3A_458 = vector.extract %slice3A_457[0] : f32 from vector<1xf32>
      %mul3A_459 = vector.broadcast %squeeze3A_458 : f32 to vector<16xf32>
      %mul3A_460 = arith.mulf %get3A_456, %mul3A_459 : vector<16xf32>
      %swap3A_461 = arith.constant 28 : i32
      %swap3A_462 = arith.index_cast %swap3A_461 : i32 to index
      %swap3A_463 = arith.constant 0 : index
      %swap3A_464 = tpu.vector_load %arg18[%swap3A_462, %swap3A_463] {strides = array<i32>} : memref<80x16xf32, #tpu.memory_space<vmem>>, vector<16xf32>,
      tpu.vector_store %arg18[%swap3A_462, %swap3A_463], %mul3A_460 {strides = array<i32>} : memref<80x16xf32, #tpu.memory_space<vmem>>, vector<16xf32>,
      %get3A_465 = arith.constant 29 : i32
      %get3A_466 = arith.index_cast %get3A_465 : i32 to index
      %get3A_467 = arith.constant 0 : index
      %get3A_468 = tpu.vector_load %arg18[%get3A_466, %get3A_467] {strides = array<i32>} : memref<80x16xf32, #tpu.memory_space<vmem>>, vector<16xf32>,
      %slice3A_469 = vector.extract_strided_slice %get3A_308 {offsets = [13], sizes = [1], strides = [1]} : vector<16xf32> to vector<1xf32>
      %squeeze3A_470 = vector.extract %slice3A_469[0] : f32 from vector<1xf32>
      %mul3A_471 = vector.broadcast %squeeze3A_470 : f32 to vector<16xf32>
      %mul3A_472 = arith.mulf %get3A_468, %mul3A_471 : vector<16xf32>
      %swap3A_473 = arith.constant 29 : i32
      %swap3A_474 = arith.index_cast %swap3A_473 : i32 to index
      %swap3A_475 = arith.constant 0 : index
      %swap3A_476 = tpu.vector_load %arg18[%swap3A_474, %swap3A_475] {strides = array<i32>} : memref<80x16xf32, #tpu.memory_space<vmem>>, vector<16xf32>,
      tpu.vector_store %arg18[%swap3A_474, %swap3A_475], %mul3A_472 {strides = array<i32>} : memref<80x16xf32, #tpu.memory_space<vmem>>, vector<16xf32>,
      %get3A_477 = arith.constant 30 : i32
      %get3A_478 = arith.index_cast %get3A_477 : i32 to index
      %get3A_479 = arith.constant 0 : index
      %get3A_480 = tpu.vector_load %arg18[%get3A_478, %get3A_479] {strides = array<i32>} : memref<80x16xf32, #tpu.memory_space<vmem>>, vector<16xf32>,
      %slice3A_481 = vector.extract_strided_slice %get3A_308 {offsets = [14], sizes = [1], strides = [1]} : vector<16xf32> to vector<1xf32>
      %squeeze3A_482 = vector.extract %slice3A_481[0] : f32 from vector<1xf32>
      %mul3A_483 = vector.broadcast %squeeze3A_482 : f32 to vector<16xf32>
      %mul3A_484 = arith.mulf %get3A_480, %mul3A_483 : vector<16xf32>
      %swap3A_485 = arith.constant 30 : i32
      %swap3A_486 = arith.index_cast %swap3A_485 : i32 to index
      %swap3A_487 = arith.constant 0 : index
      %swap3A_488 = tpu.vector_load %arg18[%swap3A_486, %swap3A_487] {strides = array<i32>} : memref<80x16xf32, #tpu.memory_space<vmem>>, vector<16xf32>,
      tpu.vector_store %arg18[%swap3A_486, %swap3A_487], %mul3A_484 {strides = array<i32>} : memref<80x16xf32, #tpu.memory_space<vmem>>, vector<16xf32>,
      %get3A_489 = arith.constant 31 : i32
      %get3A_490 = arith.index_cast %get3A_489 : i32 to index
      %get3A_491 = arith.constant 0 : index
      %get3A_492 = tpu.vector_load %arg18[%get3A_490, %get3A_491] {strides = array<i32>} : memref<80x16xf32, #tpu.memory_space<vmem>>, vector<16xf32>,
      %slice3A_493 = vector.extract_strided_slice %get3A_308 {offsets = [15], sizes = [1], strides = [1]} : vector<16xf32> to vector<1xf32>
      %squeeze3A_494 = vector.extract %slice3A_493[0] : f32 from vector<1xf32>
      %mul3A_495 = vector.broadcast %squeeze3A_494 : f32 to vector<16xf32>
      %mul3A_496 = arith.mulf %get3A_492, %mul3A_495 : vector<16xf32>
      %swap3A_497 = arith.constant 31 : i32
      %swap3A_498 = arith.index_cast %swap3A_497 : i32 to index
      %swap3A_499 = arith.constant 0 : index
      %swap3A_500 = tpu.vector_load %arg18[%swap3A_498, %swap3A_499] {strides = array<i32>} : memref<80x16xf32, #tpu.memory_space<vmem>>, vector<16xf32>,
      tpu.vector_store %arg18[%swap3A_498, %swap3A_499], %mul3A_496 {strides = array<i32>} : memref<80x16xf32, #tpu.memory_space<vmem>>, vector<16xf32>,
      %get3A_501 = arith.constant 32 : index
      %get3A_502 = tpu.vector_load %arg17[%get3A_501] {strides = array<i32>} : memref<80xf32, #tpu.memory_space<vmem>>, vector<16xf32>,
      %get3A_503 = arith.constant 32 : i32
      %get3A_504 = arith.index_cast %get3A_503 : i32 to index
      %get3A_505 = arith.constant 0 : index
      %get3A_506 = tpu.vector_load %arg18[%get3A_504, %get3A_505] {strides = array<i32>} : memref<80x16xf32, #tpu.memory_space<vmem>>, vector<16xf32>,
      %slice3A_507 = vector.extract_strided_slice %get3A_502 {offsets = [0], sizes = [1], strides = [1]} : vector<16xf32> to vector<1xf32>
      %squeeze3A_508 = vector.extract %slice3A_507[0] : f32 from vector<1xf32>
      %mul3A_509 = vector.broadcast %squeeze3A_508 : f32 to vector<16xf32>
      %mul3A_510 = arith.mulf %get3A_506, %mul3A_509 : vector<16xf32>
      %swap3A_511 = arith.constant 32 : i32
      %swap3A_512 = arith.index_cast %swap3A_511 : i32 to index
      %swap3A_513 = arith.constant 0 : index
      %swap3A_514 = tpu.vector_load %arg18[%swap3A_512, %swap3A_513] {strides = array<i32>} : memref<80x16xf32, #tpu.memory_space<vmem>>, vector<16xf32>,
      tpu.vector_store %arg18[%swap3A_512, %swap3A_513], %mul3A_510 {strides = array<i32>} : memref<80x16xf32, #tpu.memory_space<vmem>>, vector<16xf32>,
      %get3A_515 = arith.constant 33 : i32
      %get3A_516 = arith.index_cast %get3A_515 : i32 to index
      %get3A_517 = arith.constant 0 : index
      %get3A_518 = tpu.vector_load %arg18[%get3A_516, %get3A_517] {strides = array<i32>} : memref<80x16xf32, #tpu.memory_space<vmem>>, vector<16xf32>,
      %slice3A_519 = vector.extract_strided_slice %get3A_502 {offsets = [1], sizes = [1], strides = [1]} : vector<16xf32> to vector<1xf32>
      %squeeze3A_520 = vector.extract %slice3A_519[0] : f32 from vector<1xf32>
      %mul3A_521 = vector.broadcast %squeeze3A_520 : f32 to vector<16xf32>
      %mul3A_522 = arith.mulf %get3A_518, %mul3A_521 : vector<16xf32>
      %swap3A_523 = arith.constant 33 : i32
      %swap3A_524 = arith.index_cast %swap3A_523 : i32 to index
      %swap3A_525 = arith.constant 0 : index
      %swap3A_526 = tpu.vector_load %arg18[%swap3A_524, %swap3A_525] {strides = array<i32>} : memref<80x16xf32, #tpu.memory_space<vmem>>, vector<16xf32>,
      tpu.vector_store %arg18[%swap3A_524, %swap3A_525], %mul3A_522 {strides = array<i32>} : memref<80x16xf32, #tpu.memory_space<vmem>>, vector<16xf32>,
      %get3A_527 = arith.constant 34 : i32
      %get3A_528 = arith.index_cast %get3A_527 : i32 to index
      %get3A_529 = arith.constant 0 : index
      %get3A_530 = tpu.vector_load %arg18[%get3A_528, %get3A_529] {strides = array<i32>} : memref<80x16xf32, #tpu.memory_space<vmem>>, vector<16xf32>,
      %slice3A_531 = vector.extract_strided_slice %get3A_502 {offsets = [2], sizes = [1], strides = [1]} : vector<16xf32> to vector<1xf32>
      %squeeze3A_532 = vector.extract %slice3A_531[0] : f32 from vector<1xf32>
      %mul3A_533 = vector.broadcast %squeeze3A_532 : f32 to vector<16xf32>
      %mul3A_534 = arith.mulf %get3A_530, %mul3A_533 : vector<16xf32>
      %swap3A_535 = arith.constant 34 : i32
      %swap3A_536 = arith.index_cast %swap3A_535 : i32 to index
      %swap3A_537 = arith.constant 0 : index
      %swap3A_538 = tpu.vector_load %arg18[%swap3A_536, %swap3A_537] {strides = array<i32>} : memref<80x16xf32, #tpu.memory_space<vmem>>, vector<16xf32>,
      tpu.vector_store %arg18[%swap3A_536, %swap3A_537], %mul3A_534 {strides = array<i32>} : memref<80x16xf32, #tpu.memory_space<vmem>>, vector<16xf32>,
      %get3A_539 = arith.constant 35 : i32
      %get3A_540 = arith.index_cast %get3A_539 : i32 to index
      %get3A_541 = arith.constant 0 : index
      %get3A_542 = tpu.vector_load %arg18[%get3A_540, %get3A_541] {strides = array<i32>} : memref<80x16xf32, #tpu.memory_space<vmem>>, vector<16xf32>,
      %slice3A_543 = vector.extract_strided_slice %get3A_502 {offsets = [3], sizes = [1], strides = [1]} : vector<16xf32> to vector<1xf32>
      %squeeze3A_544 = vector.extract %slice3A_543[0] : f32 from vector<1xf32>
      %mul3A_545 = vector.broadcast %squeeze3A_544 : f32 to vector<16xf32>
      %mul3A_546 = arith.mulf %get3A_542, %mul3A_545 : vector<16xf32>
      %swap3A_547 = arith.constant 35 : i32
      %swap3A_548 = arith.index_cast %swap3A_547 : i32 to index
      %swap3A_549 = arith.constant 0 : index
      %swap3A_550 = tpu.vector_load %arg18[%swap3A_548, %swap3A_549] {strides = array<i32>} : memref<80x16xf32, #tpu.memory_space<vmem>>, vector<16xf32>,
      tpu.vector_store %arg18[%swap3A_548, %swap3A_549], %mul3A_546 {strides = array<i32>} : memref<80x16xf32, #tpu.memory_space<vmem>>, vector<16xf32>,
      %get3A_551 = arith.constant 36 : i32
      %get3A_552 = arith.index_cast %get3A_551 : i32 to index
      %get3A_553 = arith.constant 0 : index
      %get3A_554 = tpu.vector_load %arg18[%get3A_552, %get3A_553] {strides = array<i32>} : memref<80x16xf32, #tpu.memory_space<vmem>>, vector<16xf32>,
      %slice3A_555 = vector.extract_strided_slice %get3A_502 {offsets = [4], sizes = [1], strides = [1]} : vector<16xf32> to vector<1xf32>
      %squeeze3A_556 = vector.extract %slice3A_555[0] : f32 from vector<1xf32>
      %mul3A_557 = vector.broadcast %squeeze3A_556 : f32 to vector<16xf32>
      %mul3A_558 = arith.mulf %get3A_554, %mul3A_557 : vector<16xf32>
      %swap3A_559 = arith.constant 36 : i32
      %swap3A_560 = arith.index_cast %swap3A_559 : i32 to index
      %swap3A_561 = arith.constant 0 : index
      %swap3A_562 = tpu.vector_load %arg18[%swap3A_560, %swap3A_561] {strides = array<i32>} : memref<80x16xf32, #tpu.memory_space<vmem>>, vector<16xf32>,
      tpu.vector_store %arg18[%swap3A_560, %swap3A_561], %mul3A_558 {strides = array<i32>} : memref<80x16xf32, #tpu.memory_space<vmem>>, vector<16xf32>,
      %get3A_563 = arith.constant 37 : i32
      %get3A_564 = arith.index_cast %get3A_563 : i32 to index
      %get3A_565 = arith.constant 0 : index
      %get3A_566 = tpu.vector_load %arg18[%get3A_564, %get3A_565] {strides = array<i32>} : memref<80x16xf32, #tpu.memory_space<vmem>>, vector<16xf32>,
      %slice3A_567 = vector.extract_strided_slice %get3A_502 {offsets = [5], sizes = [1], strides = [1]} : vector<16xf32> to vector<1xf32>
      %squeeze3A_568 = vector.extract %slice3A_567[0] : f32 from vector<1xf32>
      %mul3A_569 = vector.broadcast %squeeze3A_568 : f32 to vector<16xf32>
      %mul3A_570 = arith.mulf %get3A_566, %mul3A_569 : vector<16xf32>
      %swap3A_571 = arith.constant 37 : i32
      %swap3A_572 = arith.index_cast %swap3A_571 : i32 to index
      %swap3A_573 = arith.constant 0 : index
      %swap3A_574 = tpu.vector_load %arg18[%swap3A_572, %swap3A_573] {strides = array<i32>} : memref<80x16xf32, #tpu.memory_space<vmem>>, vector<16xf32>,
      tpu.vector_store %arg18[%swap3A_572, %swap3A_573], %mul3A_570 {strides = array<i32>} : memref<80x16xf32, #tpu.memory_space<vmem>>, vector<16xf32>,
      %get3A_575 = arith.constant 38 : i32
      %get3A_576 = arith.index_cast %get3A_575 : i32 to index
      %get3A_577 = arith.constant 0 : index
      %get3A_578 = tpu.vector_load %arg18[%get3A_576, %get3A_577] {strides = array<i32>} : memref<80x16xf32, #tpu.memory_space<vmem>>, vector<16xf32>,
      %slice3A_579 = vector.extract_strided_slice %get3A_502 {offsets = [6], sizes = [1], strides = [1]} : vector<16xf32> to vector<1xf32>
      %squeeze3A_580 = vector.extract %slice3A_579[0] : f32 from vector<1xf32>
      %mul3A_581 = vector.broadcast %squeeze3A_580 : f32 to vector<16xf32>
      %mul3A_582 = arith.mulf %get3A_578, %mul3A_581 : vector<16xf32>
      %swap3A_583 = arith.constant 38 : i32
      %swap3A_584 = arith.index_cast %swap3A_583 : i32 to index
      %swap3A_585 = arith.constant 0 : index
      %swap3A_586 = tpu.vector_load %arg18[%swap3A_584, %swap3A_585] {strides = array<i32>} : memref<80x16xf32, #tpu.memory_space<vmem>>, vector<16xf32>,
      tpu.vector_store %arg18[%swap3A_584, %swap3A_585], %mul3A_582 {strides = array<i32>} : memref<80x16xf32, #tpu.memory_space<vmem>>, vector<16xf32>,
      %get3A_587 = arith.constant 39 : i32
      %get3A_588 = arith.index_cast %get3A_587 : i32 to index
      %get3A_589 = arith.constant 0 : index
      %get3A_590 = tpu.vector_load %arg18[%get3A_588, %get3A_589] {strides = array<i32>} : memref<80x16xf32, #tpu.memory_space<vmem>>, vector<16xf32>,
      %slice3A_591 = vector.extract_strided_slice %get3A_502 {offsets = [7], sizes = [1], strides = [1]} : vector<16xf32> to vector<1xf32>
      %squeeze3A_592 = vector.extract %slice3A_591[0] : f32 from vector<1xf32>
      %mul3A_593 = vector.broadcast %squeeze3A_592 : f32 to vector<16xf32>
      %mul3A_594 = arith.mulf %get3A_590, %mul3A_593 : vector<16xf32>
      %swap3A_595 = arith.constant 39 : i32
      %swap3A_596 = arith.index_cast %swap3A_595 : i32 to index
      %swap3A_597 = arith.constant 0 : index
      %swap3A_598 = tpu.vector_load %arg18[%swap3A_596, %swap3A_597] {strides = array<i32>} : memref<80x16xf32, #tpu.memory_space<vmem>>, vector<16xf32>,
      tpu.vector_store %arg18[%swap3A_596, %swap3A_597], %mul3A_594 {strides = array<i32>} : memref<80x16xf32, #tpu.memory_space<vmem>>, vector<16xf32>,
      %get3A_599 = arith.constant 40 : i32
      %get3A_600 = arith.index_cast %get3A_599 : i32 to index
      %get3A_601 = arith.constant 0 : index
      %get3A_602 = tpu.vector_load %arg18[%get3A_600, %get3A_601] {strides = array<i32>} : memref<80x16xf32, #tpu.memory_space<vmem>>, vector<16xf32>,
      %slice3A_603 = vector.extract_strided_slice %get3A_502 {offsets = [8], sizes = [1], strides = [1]} : vector<16xf32> to vector<1xf32>
      %squeeze3A_604 = vector.extract %slice3A_603[0] : f32 from vector<1xf32>
      %mul3A_605 = vector.broadcast %squeeze3A_604 : f32 to vector<16xf32>
      %mul3A_606 = arith.mulf %get3A_602, %mul3A_605 : vector<16xf32>
      %swap3A_607 = arith.constant 40 : i32
      %swap3A_608 = arith.index_cast %swap3A_607 : i32 to index
      %swap3A_609 = arith.constant 0 : index
      %swap3A_610 = tpu.vector_load %arg18[%swap3A_608, %swap3A_609] {strides = array<i32>} : memref<80x16xf32, #tpu.memory_space<vmem>>, vector<16xf32>,
      tpu.vector_store %arg18[%swap3A_608, %swap3A_609], %mul3A_606 {strides = array<i32>} : memref<80x16xf32, #tpu.memory_space<vmem>>, vector<16xf32>,
      %get3A_611 = arith.constant 41 : i32
      %get3A_612 = arith.index_cast %get3A_611 : i32 to index
      %get3A_613 = arith.constant 0 : index
      %get3A_614 = tpu.vector_load %arg18[%get3A_612, %get3A_613] {strides = array<i32>} : memref<80x16xf32, #tpu.memory_space<vmem>>, vector<16xf32>,
      %slice3A_615 = vector.extract_strided_slice %get3A_502 {offsets = [9], sizes = [1], strides = [1]} : vector<16xf32> to vector<1xf32>
      %squeeze3A_616 = vector.extract %slice3A_615[0] : f32 from vector<1xf32>
      %mul3A_617 = vector.broadcast %squeeze3A_616 : f32 to vector<16xf32>
      %mul3A_618 = arith.mulf %get3A_614, %mul3A_617 : vector<16xf32>
      %swap3A_619 = arith.constant 41 : i32
      %swap3A_620 = arith.index_cast %swap3A_619 : i32 to index
      %swap3A_621 = arith.constant 0 : index
      %swap3A_622 = tpu.vector_load %arg18[%swap3A_620, %swap3A_621] {strides = array<i32>} : memref<80x16xf32, #tpu.memory_space<vmem>>, vector<16xf32>,
      tpu.vector_store %arg18[%swap3A_620, %swap3A_621], %mul3A_618 {strides = array<i32>} : memref<80x16xf32, #tpu.memory_space<vmem>>, vector<16xf32>,
      %get3A_623 = arith.constant 42 : i32
      %get3A_624 = arith.index_cast %get3A_623 : i32 to index
      %get3A_625 = arith.constant 0 : index
      %get3A_626 = tpu.vector_load %arg18[%get3A_624, %get3A_625] {strides = array<i32>} : memref<80x16xf32, #tpu.memory_space<vmem>>, vector<16xf32>,
      %slice3A_627 = vector.extract_strided_slice %get3A_502 {offsets = [10], sizes = [1], strides = [1]} : vector<16xf32> to vector<1xf32>
      %squeeze3A_628 = vector.extract %slice3A_627[0] : f32 from vector<1xf32>
      %mul3A_629 = vector.broadcast %squeeze3A_628 : f32 to vector<16xf32>
      %mul3A_630 = arith.mulf %get3A_626, %mul3A_629 : vector<16xf32>
      %swap3A_631 = arith.constant 42 : i32
      %swap3A_632 = arith.index_cast %swap3A_631 : i32 to index
      %swap3A_633 = arith.constant 0 : index
      %swap3A_634 = tpu.vector_load %arg18[%swap3A_632, %swap3A_633] {strides = array<i32>} : memref<80x16xf32, #tpu.memory_space<vmem>>, vector<16xf32>,
      tpu.vector_store %arg18[%swap3A_632, %swap3A_633], %mul3A_630 {strides = array<i32>} : memref<80x16xf32, #tpu.memory_space<vmem>>, vector<16xf32>,
      %get3A_635 = arith.constant 43 : i32
      %get3A_636 = arith.index_cast %get3A_635 : i32 to index
      %get3A_637 = arith.constant 0 : index
      %get3A_638 = tpu.vector_load %arg18[%get3A_636, %get3A_637] {strides = array<i32>} : memref<80x16xf32, #tpu.memory_space<vmem>>, vector<16xf32>,
      %slice3A_639 = vector.extract_strided_slice %get3A_502 {offsets = [11], sizes = [1], strides = [1]} : vector<16xf32> to vector<1xf32>
      %squeeze3A_640 = vector.extract %slice3A_639[0] : f32 from vector<1xf32>
      %mul3A_641 = vector.broadcast %squeeze3A_640 : f32 to vector<16xf32>
      %mul3A_642 = arith.mulf %get3A_638, %mul3A_641 : vector<16xf32>
      %swap3A_643 = arith.constant 43 : i32
      %swap3A_644 = arith.index_cast %swap3A_643 : i32 to index
      %swap3A_645 = arith.constant 0 : index
      %swap3A_646 = tpu.vector_load %arg18[%swap3A_644, %swap3A_645] {strides = array<i32>} : memref<80x16xf32, #tpu.memory_space<vmem>>, vector<16xf32>,
      tpu.vector_store %arg18[%swap3A_644, %swap3A_645], %mul3A_642 {strides = array<i32>} : memref<80x16xf32, #tpu.memory_space<vmem>>, vector<16xf32>,
      %get3A_647 = arith.constant 44 : i32
      %get3A_648 = arith.index_cast %get3A_647 : i32 to index
      %get3A_649 = arith.constant 0 : index
      %get3A_650 = tpu.vector_load %arg18[%get3A_648, %get3A_649] {strides = array<i32>} : memref<80x16xf32, #tpu.memory_space<vmem>>, vector<16xf32>,
      %slice3A_651 = vector.extract_strided_slice %get3A_502 {offsets = [12], sizes = [1], strides = [1]} : vector<16xf32> to vector<1xf32>
      %squeeze3A_652 = vector.extract %slice3A_651[0] : f32 from vector<1xf32>
      %mul3A_653 = vector.broadcast %squeeze3A_652 : f32 to vector<16xf32>
      %mul3A_654 = arith.mulf %get3A_650, %mul3A_653 : vector<16xf32>
      %swap3A_655 = arith.constant 44 : i32
      %swap3A_656 = arith.index_cast %swap3A_655 : i32 to index
      %swap3A_657 = arith.constant 0 : index
      %swap3A_658 = tpu.vector_load %arg18[%swap3A_656, %swap3A_657] {strides = array<i32>} : memref<80x16xf32, #tpu.memory_space<vmem>>, vector<16xf32>,
      tpu.vector_store %arg18[%swap3A_656, %swap3A_657], %mul3A_654 {strides = array<i32>} : memref<80x16xf32, #tpu.memory_space<vmem>>, vector<16xf32>,
      %get3A_659 = arith.constant 45 : i32
      %get3A_660 = arith.index_cast %get3A_659 : i32 to index
      %get3A_661 = arith.constant 0 : index
      %get3A_662 = tpu.vector_load %arg18[%get3A_660, %get3A_661] {strides = array<i32>} : memref<80x16xf32, #tpu.memory_space<vmem>>, vector<16xf32>,
      %slice3A_663 = vector.extract_strided_slice %get3A_502 {offsets = [13], sizes = [1], strides = [1]} : vector<16xf32> to vector<1xf32>
      %squeeze3A_664 = vector.extract %slice3A_663[0] : f32 from vector<1xf32>
      %mul3A_665 = vector.broadcast %squeeze3A_664 : f32 to vector<16xf32>
      %mul3A_666 = arith.mulf %get3A_662, %mul3A_665 : vector<16xf32>
      %swap3A_667 = arith.constant 45 : i32
      %swap3A_668 = arith.index_cast %swap3A_667 : i32 to index
      %swap3A_669 = arith.constant 0 : index
      %swap3A_670 = tpu.vector_load %arg18[%swap3A_668, %swap3A_669] {strides = array<i32>} : memref<80x16xf32, #tpu.memory_space<vmem>>, vector<16xf32>,
      tpu.vector_store %arg18[%swap3A_668, %swap3A_669], %mul3A_666 {strides = array<i32>} : memref<80x16xf32, #tpu.memory_space<vmem>>, vector<16xf32>,
      %get3A_671 = arith.constant 46 : i32
      %get3A_672 = arith.index_cast %get3A_671 : i32 to index
      %get3A_673 = arith.constant 0 : index
      %get3A_674 = tpu.vector_load %arg18[%get3A_672, %get3A_673] {strides = array<i32>} : memref<80x16xf32, #tpu.memory_space<vmem>>, vector<16xf32>,
      %slice3A_675 = vector.extract_strided_slice %get3A_502 {offsets = [14], sizes = [1], strides = [1]} : vector<16xf32> to vector<1xf32>
      %squeeze3A_676 = vector.extract %slice3A_675[0] : f32 from vector<1xf32>
      %mul3A_677 = vector.broadcast %squeeze3A_676 : f32 to vector<16xf32>
      %mul3A_678 = arith.mulf %get3A_674, %mul3A_677 : vector<16xf32>
      %swap3A_679 = arith.constant 46 : i32
      %swap3A_680 = arith.index_cast %swap3A_679 : i32 to index
      %swap3A_681 = arith.constant 0 : index
      %swap3A_682 = tpu.vector_load %arg18[%swap3A_680, %swap3A_681] {strides = array<i32>} : memref<80x16xf32, #tpu.memory_space<vmem>>, vector<16xf32>,
      tpu.vector_store %arg18[%swap3A_680, %swap3A_681], %mul3A_678 {strides = array<i32>} : memref<80x16xf32, #tpu.memory_space<vmem>>, vector<16xf32>,
      %get3A_683 = arith.constant 47 : i32
      %get3A_684 = arith.index_cast %get3A_683 : i32 to index
      %get3A_685 = arith.constant 0 : index
      %get3A_686 = tpu.vector_load %arg18[%get3A_684, %get3A_685] {strides = array<i32>} : memref<80x16xf32, #tpu.memory_space<vmem>>, vector<16xf32>,
      %slice3A_687 = vector.extract_strided_slice %get3A_502 {offsets = [15], sizes = [1], strides = [1]} : vector<16xf32> to vector<1xf32>
      %squeeze3A_688 = vector.extract %slice3A_687[0] : f32 from vector<1xf32>
      %mul3A_689 = vector.broadcast %squeeze3A_688 : f32 to vector<16xf32>
      %mul3A_690 = arith.mulf %get3A_686, %mul3A_689 : vector<16xf32>
      %swap3A_691 = arith.constant 47 : i32
      %swap3A_692 = arith.index_cast %swap3A_691 : i32 to index
      %swap3A_693 = arith.constant 0 : index
      %swap3A_694 = tpu.vector_load %arg18[%swap3A_692, %swap3A_693] {strides = array<i32>} : memref<80x16xf32, #tpu.memory_space<vmem>>, vector<16xf32>,
      tpu.vector_store %arg18[%swap3A_692, %swap3A_693], %mul3A_690 {strides = array<i32>} : memref<80x16xf32, #tpu.memory_space<vmem>>, vector<16xf32>,
      %get3A_695 = arith.constant 48 : index
      %get3A_696 = tpu.vector_load %arg17[%get3A_695] {strides = array<i32>} : memref<80xf32, #tpu.memory_space<vmem>>, vector<16xf32>,
      %get3A_697 = arith.constant 48 : i32
      %get3A_698 = arith.index_cast %get3A_697 : i32 to index
      %get3A_699 = arith.constant 0 : index
      %get3A_700 = tpu.vector_load %arg18[%get3A_698, %get3A_699] {strides = array<i32>} : memref<80x16xf32, #tpu.memory_space<vmem>>, vector<16xf32>,
      %slice3A_701 = vector.extract_strided_slice %get3A_696 {offsets = [0], sizes = [1], strides = [1]} : vector<16xf32> to vector<1xf32>
      %squeeze3A_702 = vector.extract %slice3A_701[0] : f32 from vector<1xf32>
      %mul3A_703 = vector.broadcast %squeeze3A_702 : f32 to vector<16xf32>
      %mul3A_704 = arith.mulf %get3A_700, %mul3A_703 : vector<16xf32>
      %swap3A_705 = arith.constant 48 : i32
      %swap3A_706 = arith.index_cast %swap3A_705 : i32 to index
      %swap3A_707 = arith.constant 0 : index
      %swap3A_708 = tpu.vector_load %arg18[%swap3A_706, %swap3A_707] {strides = array<i32>} : memref<80x16xf32, #tpu.memory_space<vmem>>, vector<16xf32>,
      tpu.vector_store %arg18[%swap3A_706, %swap3A_707], %mul3A_704 {strides = array<i32>} : memref<80x16xf32, #tpu.memory_space<vmem>>, vector<16xf32>,
      %get3A_709 = arith.constant 49 : i32
      %get3A_710 = arith.index_cast %get3A_709 : i32 to index
      %get3A_711 = arith.constant 0 : index
      %get3A_712 = tpu.vector_load %arg18[%get3A_710, %get3A_711] {strides = array<i32>} : memref<80x16xf32, #tpu.memory_space<vmem>>, vector<16xf32>,
      %slice3A_713 = vector.extract_strided_slice %get3A_696 {offsets = [1], sizes = [1], strides = [1]} : vector<16xf32> to vector<1xf32>
      %squeeze3A_714 = vector.extract %slice3A_713[0] : f32 from vector<1xf32>
      %mul3A_715 = vector.broadcast %squeeze3A_714 : f32 to vector<16xf32>
      %mul3A_716 = arith.mulf %get3A_712, %mul3A_715 : vector<16xf32>
      %swap3A_717 = arith.constant 49 : i32
      %swap3A_718 = arith.index_cast %swap3A_717 : i32 to index
      %swap3A_719 = arith.constant 0 : index
      %swap3A_720 = tpu.vector_load %arg18[%swap3A_718, %swap3A_719] {strides = array<i32>} : memref<80x16xf32, #tpu.memory_space<vmem>>, vector<16xf32>,
      tpu.vector_store %arg18[%swap3A_718, %swap3A_719], %mul3A_716 {strides = array<i32>} : memref<80x16xf32, #tpu.memory_space<vmem>>, vector<16xf32>,
      %get3A_721 = arith.constant 50 : i32
      %get3A_722 = arith.index_cast %get3A_721 : i32 to index
      %get3A_723 = arith.constant 0 : index
      %get3A_724 = tpu.vector_load %arg18[%get3A_722, %get3A_723] {strides = array<i32>} : memref<80x16xf32, #tpu.memory_space<vmem>>, vector<16xf32>,
      %slice3A_725 = vector.extract_strided_slice %get3A_696 {offsets = [2], sizes = [1], strides = [1]} : vector<16xf32> to vector<1xf32>
      %squeeze3A_726 = vector.extract %slice3A_725[0] : f32 from vector<1xf32>
      %mul3A_727 = vector.broadcast %squeeze3A_726 : f32 to vector<16xf32>
      %mul3A_728 = arith.mulf %get3A_724, %mul3A_727 : vector<16xf32>
      %swap3A_729 = arith.constant 50 : i32
      %swap3A_730 = arith.index_cast %swap3A_729 : i32 to index
      %swap3A_731 = arith.constant 0 : index
      %swap3A_732 = tpu.vector_load %arg18[%swap3A_730, %swap3A_731] {strides = array<i32>} : memref<80x16xf32, #tpu.memory_space<vmem>>, vector<16xf32>,
      tpu.vector_store %arg18[%swap3A_730, %swap3A_731], %mul3A_728 {strides = array<i32>} : memref<80x16xf32, #tpu.memory_space<vmem>>, vector<16xf32>,
      %get3A_733 = arith.constant 51 : i32
      %get3A_734 = arith.index_cast %get3A_733 : i32 to index
      %get3A_735 = arith.constant 0 : index
      %get3A_736 = tpu.vector_load %arg18[%get3A_734, %get3A_735] {strides = array<i32>} : memref<80x16xf32, #tpu.memory_space<vmem>>, vector<16xf32>,
      %slice3A_737 = vector.extract_strided_slice %get3A_696 {offsets = [3], sizes = [1], strides = [1]} : vector<16xf32> to vector<1xf32>
      %squeeze3A_738 = vector.extract %slice3A_737[0] : f32 from vector<1xf32>
      %mul3A_739 = vector.broadcast %squeeze3A_738 : f32 to vector<16xf32>
      %mul3A_740 = arith.mulf %get3A_736, %mul3A_739 : vector<16xf32>
      %swap3A_741 = arith.constant 51 : i32
      %swap3A_742 = arith.index_cast %swap3A_741 : i32 to index
      %swap3A_743 = arith.constant 0 : index
      %swap3A_744 = tpu.vector_load %arg18[%swap3A_742, %swap3A_743] {strides = array<i32>} : memref<80x16xf32, #tpu.memory_space<vmem>>, vector<16xf32>,
      tpu.vector_store %arg18[%swap3A_742, %swap3A_743], %mul3A_740 {strides = array<i32>} : memref<80x16xf32, #tpu.memory_space<vmem>>, vector<16xf32>,
      %get3A_745 = arith.constant 52 : i32
      %get3A_746 = arith.index_cast %get3A_745 : i32 to index
      %get3A_747 = arith.constant 0 : index
      %get3A_748 = tpu.vector_load %arg18[%get3A_746, %get3A_747] {strides = array<i32>} : memref<80x16xf32, #tpu.memory_space<vmem>>, vector<16xf32>,
      %slice3A_749 = vector.extract_strided_slice %get3A_696 {offsets = [4], sizes = [1], strides = [1]} : vector<16xf32> to vector<1xf32>
      %squeeze3A_750 = vector.extract %slice3A_749[0] : f32 from vector<1xf32>
      %mul3A_751 = vector.broadcast %squeeze3A_750 : f32 to vector<16xf32>
      %mul3A_752 = arith.mulf %get3A_748, %mul3A_751 : vector<16xf32>
      %swap3A_753 = arith.constant 52 : i32
      %swap3A_754 = arith.index_cast %swap3A_753 : i32 to index
      %swap3A_755 = arith.constant 0 : index
      %swap3A_756 = tpu.vector_load %arg18[%swap3A_754, %swap3A_755] {strides = array<i32>} : memref<80x16xf32, #tpu.memory_space<vmem>>, vector<16xf32>,
      tpu.vector_store %arg18[%swap3A_754, %swap3A_755], %mul3A_752 {strides = array<i32>} : memref<80x16xf32, #tpu.memory_space<vmem>>, vector<16xf32>,
      %get3A_757 = arith.constant 53 : i32
      %get3A_758 = arith.index_cast %get3A_757 : i32 to index
      %get3A_759 = arith.constant 0 : index
      %get3A_760 = tpu.vector_load %arg18[%get3A_758, %get3A_759] {strides = array<i32>} : memref<80x16xf32, #tpu.memory_space<vmem>>, vector<16xf32>,
      %slice3A_761 = vector.extract_strided_slice %get3A_696 {offsets = [5], sizes = [1], strides = [1]} : vector<16xf32> to vector<1xf32>
      %squeeze3A_762 = vector.extract %slice3A_761[0] : f32 from vector<1xf32>
      %mul3A_763 = vector.broadcast %squeeze3A_762 : f32 to vector<16xf32>
      %mul3A_764 = arith.mulf %get3A_760, %mul3A_763 : vector<16xf32>
      %swap3A_765 = arith.constant 53 : i32
      %swap3A_766 = arith.index_cast %swap3A_765 : i32 to index
      %swap3A_767 = arith.constant 0 : index
      %swap3A_768 = tpu.vector_load %arg18[%swap3A_766, %swap3A_767] {strides = array<i32>} : memref<80x16xf32, #tpu.memory_space<vmem>>, vector<16xf32>,
      tpu.vector_store %arg18[%swap3A_766, %swap3A_767], %mul3A_764 {strides = array<i32>} : memref<80x16xf32, #tpu.memory_space<vmem>>, vector<16xf32>,
      %get3A_769 = arith.constant 54 : i32
      %get3A_770 = arith.index_cast %get3A_769 : i32 to index
      %get3A_771 = arith.constant 0 : index
      %get3A_772 = tpu.vector_load %arg18[%get3A_770, %get3A_771] {strides = array<i32>} : memref<80x16xf32, #tpu.memory_space<vmem>>, vector<16xf32>,
      %slice3A_773 = vector.extract_strided_slice %get3A_696 {offsets = [6], sizes = [1], strides = [1]} : vector<16xf32> to vector<1xf32>
      %squeeze3A_774 = vector.extract %slice3A_773[0] : f32 from vector<1xf32>
      %mul3A_775 = vector.broadcast %squeeze3A_774 : f32 to vector<16xf32>
      %mul3A_776 = arith.mulf %get3A_772, %mul3A_775 : vector<16xf32>
      %swap3A_777 = arith.constant 54 : i32
      %swap3A_778 = arith.index_cast %swap3A_777 : i32 to index
      %swap3A_779 = arith.constant 0 : index
      %swap3A_780 = tpu.vector_load %arg18[%swap3A_778, %swap3A_779] {strides = array<i32>} : memref<80x16xf32, #tpu.memory_space<vmem>>, vector<16xf32>,
      tpu.vector_store %arg18[%swap3A_778, %swap3A_779], %mul3A_776 {strides = array<i32>} : memref<80x16xf32, #tpu.memory_space<vmem>>, vector<16xf32>,
      %get3A_781 = arith.constant 55 : i32
      %get3A_782 = arith.index_cast %get3A_781 : i32 to index
      %get3A_783 = arith.constant 0 : index
      %get3A_784 = tpu.vector_load %arg18[%get3A_782, %get3A_783] {strides = array<i32>} : memref<80x16xf32, #tpu.memory_space<vmem>>, vector<16xf32>,
      %slice3A_785 = vector.extract_strided_slice %get3A_696 {offsets = [7], sizes = [1], strides = [1]} : vector<16xf32> to vector<1xf32>
      %squeeze3A_786 = vector.extract %slice3A_785[0] : f32 from vector<1xf32>
      %mul3A_787 = vector.broadcast %squeeze3A_786 : f32 to vector<16xf32>
      %mul3A_788 = arith.mulf %get3A_784, %mul3A_787 : vector<16xf32>
      %swap3A_789 = arith.constant 55 : i32
      %swap3A_790 = arith.index_cast %swap3A_789 : i32 to index
      %swap3A_791 = arith.constant 0 : index
      %swap3A_792 = tpu.vector_load %arg18[%swap3A_790, %swap3A_791] {strides = array<i32>} : memref<80x16xf32, #tpu.memory_space<vmem>>, vector<16xf32>,
      tpu.vector_store %arg18[%swap3A_790, %swap3A_791], %mul3A_788 {strides = array<i32>} : memref<80x16xf32, #tpu.memory_space<vmem>>, vector<16xf32>,
      %get3A_793 = arith.constant 56 : i32
      %get3A_794 = arith.index_cast %get3A_793 : i32 to index
      %get3A_795 = arith.constant 0 : index
      %get3A_796 = tpu.vector_load %arg18[%get3A_794, %get3A_795] {strides = array<i32>} : memref<80x16xf32, #tpu.memory_space<vmem>>, vector<16xf32>,
      %slice3A_797 = vector.extract_strided_slice %get3A_696 {offsets = [8], sizes = [1], strides = [1]} : vector<16xf32> to vector<1xf32>
      %squeeze3A_798 = vector.extract %slice3A_797[0] : f32 from vector<1xf32>
      %mul3A_799 = vector.broadcast %squeeze3A_798 : f32 to vector<16xf32>
      %mul3A_800 = arith.mulf %get3A_796, %mul3A_799 : vector<16xf32>
      %swap3A_801 = arith.constant 56 : i32
      %swap3A_802 = arith.index_cast %swap3A_801 : i32 to index
      %swap3A_803 = arith.constant 0 : index
      %swap3A_804 = tpu.vector_load %arg18[%swap3A_802, %swap3A_803] {strides = array<i32>} : memref<80x16xf32, #tpu.memory_space<vmem>>, vector<16xf32>,
      tpu.vector_store %arg18[%swap3A_802, %swap3A_803], %mul3A_800 {strides = array<i32>} : memref<80x16xf32, #tpu.memory_space<vmem>>, vector<16xf32>,
      %get3A_805 = arith.constant 57 : i32
      %get3A_806 = arith.index_cast %get3A_805 : i32 to index
      %get3A_807 = arith.constant 0 : index
      %get3A_808 = tpu.vector_load %arg18[%get3A_806, %get3A_807] {strides = array<i32>} : memref<80x16xf32, #tpu.memory_space<vmem>>, vector<16xf32>,
      %slice3A_809 = vector.extract_strided_slice %get3A_696 {offsets = [9], sizes = [1], strides = [1]} : vector<16xf32> to vector<1xf32>
      %squeeze3A_810 = vector.extract %slice3A_809[0] : f32 from vector<1xf32>
      %mul3A_811 = vector.broadcast %squeeze3A_810 : f32 to vector<16xf32>
      %mul3A_812 = arith.mulf %get3A_808, %mul3A_811 : vector<16xf32>
      %swap3A_813 = arith.constant 57 : i32
      %swap3A_814 = arith.index_cast %swap3A_813 : i32 to index
      %swap3A_815 = arith.constant 0 : index
      %swap3A_816 = tpu.vector_load %arg18[%swap3A_814, %swap3A_815] {strides = array<i32>} : memref<80x16xf32, #tpu.memory_space<vmem>>, vector<16xf32>,
      tpu.vector_store %arg18[%swap3A_814, %swap3A_815], %mul3A_812 {strides = array<i32>} : memref<80x16xf32, #tpu.memory_space<vmem>>, vector<16xf32>,
      %get3A_817 = arith.constant 58 : i32
      %get3A_818 = arith.index_cast %get3A_817 : i32 to index
      %get3A_819 = arith.constant 0 : index
      %get3A_820 = tpu.vector_load %arg18[%get3A_818, %get3A_819] {strides = array<i32>} : memref<80x16xf32, #tpu.memory_space<vmem>>, vector<16xf32>,
      %slice3A_821 = vector.extract_strided_slice %get3A_696 {offsets = [10], sizes = [1], strides = [1]} : vector<16xf32> to vector<1xf32>
      %squeeze3A_822 = vector.extract %slice3A_821[0] : f32 from vector<1xf32>
      %mul3A_823 = vector.broadcast %squeeze3A_822 : f32 to vector<16xf32>
      %mul3A_824 = arith.mulf %get3A_820, %mul3A_823 : vector<16xf32>
      %swap3A_825 = arith.constant 58 : i32
      %swap3A_826 = arith.index_cast %swap3A_825 : i32 to index
      %swap3A_827 = arith.constant 0 : index
      %swap3A_828 = tpu.vector_load %arg18[%swap3A_826, %swap3A_827] {strides = array<i32>} : memref<80x16xf32, #tpu.memory_space<vmem>>, vector<16xf32>,
      tpu.vector_store %arg18[%swap3A_826, %swap3A_827], %mul3A_824 {strides = array<i32>} : memref<80x16xf32, #tpu.memory_space<vmem>>, vector<16xf32>,
      %get3A_829 = arith.constant 59 : i32
      %get3A_830 = arith.index_cast %get3A_829 : i32 to index
      %get3A_831 = arith.constant 0 : index
      %get3A_832 = tpu.vector_load %arg18[%get3A_830, %get3A_831] {strides = array<i32>} : memref<80x16xf32, #tpu.memory_space<vmem>>, vector<16xf32>,
      %slice3A_833 = vector.extract_strided_slice %get3A_696 {offsets = [11], sizes = [1], strides = [1]} : vector<16xf32> to vector<1xf32>
      %squeeze3A_834 = vector.extract %slice3A_833[0] : f32 from vector<1xf32>
      %mul3A_835 = vector.broadcast %squeeze3A_834 : f32 to vector<16xf32>
      %mul3A_836 = arith.mulf %get3A_832, %mul3A_835 : vector<16xf32>
      %swap3A_837 = arith.constant 59 : i32
      %swap3A_838 = arith.index_cast %swap3A_837 : i32 to index
      %swap3A_839 = arith.constant 0 : index
      %swap3A_840 = tpu.vector_load %arg18[%swap3A_838, %swap3A_839] {strides = array<i32>} : memref<80x16xf32, #tpu.memory_space<vmem>>, vector<16xf32>,
      tpu.vector_store %arg18[%swap3A_838, %swap3A_839], %mul3A_836 {strides = array<i32>} : memref<80x16xf32, #tpu.memory_space<vmem>>, vector<16xf32>,
      %get3A_841 = arith.constant 60 : i32
      %get3A_842 = arith.index_cast %get3A_841 : i32 to index
      %get3A_843 = arith.constant 0 : index
      %get3A_844 = tpu.vector_load %arg18[%get3A_842, %get3A_843] {strides = array<i32>} : memref<80x16xf32, #tpu.memory_space<vmem>>, vector<16xf32>,
      %slice3A_845 = vector.extract_strided_slice %get3A_696 {offsets = [12], sizes = [1], strides = [1]} : vector<16xf32> to vector<1xf32>
      %squeeze3A_846 = vector.extract %slice3A_845[0] : f32 from vector<1xf32>
      %mul3A_847 = vector.broadcast %squeeze3A_846 : f32 to vector<16xf32>
      %mul3A_848 = arith.mulf %get3A_844, %mul3A_847 : vector<16xf32>
      %swap3A_849 = arith.constant 60 : i32
      %swap3A_850 = arith.index_cast %swap3A_849 : i32 to index
      %swap3A_851 = arith.constant 0 : index
      %swap3A_852 = tpu.vector_load %arg18[%swap3A_850, %swap3A_851] {strides = array<i32>} : memref<80x16xf32, #tpu.memory_space<vmem>>, vector<16xf32>,
      tpu.vector_store %arg18[%swap3A_850, %swap3A_851], %mul3A_848 {strides = array<i32>} : memref<80x16xf32, #tpu.memory_space<vmem>>, vector<16xf32>,
      %get3A_853 = arith.constant 61 : i32
      %get3A_854 = arith.index_cast %get3A_853 : i32 to index
      %get3A_855 = arith.constant 0 : index
      %get3A_856 = tpu.vector_load %arg18[%get3A_854, %get3A_855] {strides = array<i32>} : memref<80x16xf32, #tpu.memory_space<vmem>>, vector<16xf32>,
      %slice3A_857 = vector.extract_strided_slice %get3A_696 {offsets = [13], sizes = [1], strides = [1]} : vector<16xf32> to vector<1xf32>
      %squeeze3A_858 = vector.extract %slice3A_857[0] : f32 from vector<1xf32>
      %mul3A_859 = vector.broadcast %squeeze3A_858 : f32 to vector<16xf32>
      %mul3A_860 = arith.mulf %get3A_856, %mul3A_859 : vector<16xf32>
      %swap3A_861 = arith.constant 61 : i32
      %swap3A_862 = arith.index_cast %swap3A_861 : i32 to index
      %swap3A_863 = arith.constant 0 : index
      %swap3A_864 = tpu.vector_load %arg18[%swap3A_862, %swap3A_863] {strides = array<i32>} : memref<80x16xf32, #tpu.memory_space<vmem>>, vector<16xf32>,
      tpu.vector_store %arg18[%swap3A_862, %swap3A_863], %mul3A_860 {strides = array<i32>} : memref<80x16xf32, #tpu.memory_space<vmem>>, vector<16xf32>,
      %get3A_865 = arith.constant 62 : i32
      %get3A_866 = arith.index_cast %get3A_865 : i32 to index
      %get3A_867 = arith.constant 0 : index
      %get3A_868 = tpu.vector_load %arg18[%get3A_866, %get3A_867] {strides = array<i32>} : memref<80x16xf32, #tpu.memory_space<vmem>>, vector<16xf32>,
      %slice3A_869 = vector.extract_strided_slice %get3A_696 {offsets = [14], sizes = [1], strides = [1]} : vector<16xf32> to vector<1xf32>
      %squeeze3A_870 = vector.extract %slice3A_869[0] : f32 from vector<1xf32>
      %mul3A_871 = vector.broadcast %squeeze3A_870 : f32 to vector<16xf32>
      %mul3A_872 = arith.mulf %get3A_868, %mul3A_871 : vector<16xf32>
      %swap3A_873 = arith.constant 62 : i32
      %swap3A_874 = arith.index_cast %swap3A_873 : i32 to index
      %swap3A_875 = arith.constant 0 : index
      %swap3A_876 = tpu.vector_load %arg18[%swap3A_874, %swap3A_875] {strides = array<i32>} : memref<80x16xf32, #tpu.memory_space<vmem>>, vector<16xf32>,
      tpu.vector_store %arg18[%swap3A_874, %swap3A_875], %mul3A_872 {strides = array<i32>} : memref<80x16xf32, #tpu.memory_space<vmem>>, vector<16xf32>,
      %get3A_877 = arith.constant 63 : i32
      %get3A_878 = arith.index_cast %get3A_877 : i32 to index
      %get3A_879 = arith.constant 0 : index
      %get3A_880 = tpu.vector_load %arg18[%get3A_878, %get3A_879] {strides = array<i32>} : memref<80x16xf32, #tpu.memory_space<vmem>>, vector<16xf32>,
      %slice3A_881 = vector.extract_strided_slice %get3A_696 {offsets = [15], sizes = [1], strides = [1]} : vector<16xf32> to vector<1xf32>
      %squeeze3A_882 = vector.extract %slice3A_881[0] : f32 from vector<1xf32>
      %mul3A_883 = vector.broadcast %squeeze3A_882 : f32 to vector<16xf32>
      %mul3A_884 = arith.mulf %get3A_880, %mul3A_883 : vector<16xf32>
      %swap3A_885 = arith.constant 63 : i32
      %swap3A_886 = arith.index_cast %swap3A_885 : i32 to index
      %swap3A_887 = arith.constant 0 : index
      %swap3A_888 = tpu.vector_load %arg18[%swap3A_886, %swap3A_887] {strides = array<i32>} : memref<80x16xf32, #tpu.memory_space<vmem>>, vector<16xf32>,
      tpu.vector_store %arg18[%swap3A_886, %swap3A_887], %mul3A_884 {strides = array<i32>} : memref<80x16xf32, #tpu.memory_space<vmem>>, vector<16xf32>,
      %get3A_889 = arith.constant 64 : index
      %get3A_890 = tpu.vector_load %arg17[%get3A_889] {strides = array<i32>} : memref<80xf32, #tpu.memory_space<vmem>>, vector<16xf32>,
      %get3A_891 = arith.constant 64 : i32
      %get3A_892 = arith.index_cast %get3A_891 : i32 to index
      %get3A_893 = arith.constant 0 : index
      %get3A_894 = tpu.vector_load %arg18[%get3A_892, %get3A_893] {strides = array<i32>} : memref<80x16xf32, #tpu.memory_space<vmem>>, vector<16xf32>,
      %slice3A_895 = vector.extract_strided_slice %get3A_890 {offsets = [0], sizes = [1], strides = [1]} : vector<16xf32> to vector<1xf32>
      %squeeze3A_896 = vector.extract %slice3A_895[0] : f32 from vector<1xf32>
      %mul3A_897 = vector.broadcast %squeeze3A_896 : f32 to vector<16xf32>
      %mul3A_898 = arith.mulf %get3A_894, %mul3A_897 : vector<16xf32>
      %swap3A_899 = arith.constant 64 : i32
      %swap3A_900 = arith.index_cast %swap3A_899 : i32 to index
      %swap3A_901 = arith.constant 0 : index
      %swap3A_902 = tpu.vector_load %arg18[%swap3A_900, %swap3A_901] {strides = array<i32>} : memref<80x16xf32, #tpu.memory_space<vmem>>, vector<16xf32>,
      tpu.vector_store %arg18[%swap3A_900, %swap3A_901], %mul3A_898 {strides = array<i32>} : memref<80x16xf32, #tpu.memory_space<vmem>>, vector<16xf32>,
      %get3A_903 = arith.constant 65 : i32
      %get3A_904 = arith.index_cast %get3A_903 : i32 to index
      %get3A_905 = arith.constant 0 : index
      %get3A_906 = tpu.vector_load %arg18[%get3A_904, %get3A_905] {strides = array<i32>} : memref<80x16xf32, #tpu.memory_space<vmem>>, vector<16xf32>,
      %slice3A_907 = vector.extract_strided_slice %get3A_890 {offsets = [1], sizes = [1], strides = [1]} : vector<16xf32> to vector<1xf32>
      %squeeze3A_908 = vector.extract %slice3A_907[0] : f32 from vector<1xf32>
      %mul3A_909 = vector.broadcast %squeeze3A_908 : f32 to vector<16xf32>
      %mul3A_910 = arith.mulf %get3A_906, %mul3A_909 : vector<16xf32>
      %swap3A_911 = arith.constant 65 : i32
      %swap3A_912 = arith.index_cast %swap3A_911 : i32 to index
      %swap3A_913 = arith.constant 0 : index
      %swap3A_914 = tpu.vector_load %arg18[%swap3A_912, %swap3A_913] {strides = array<i32>} : memref<80x16xf32, #tpu.memory_space<vmem>>, vector<16xf32>,
      tpu.vector_store %arg18[%swap3A_912, %swap3A_913], %mul3A_910 {strides = array<i32>} : memref<80x16xf32, #tpu.memory_space<vmem>>, vector<16xf32>,
      %get3A_915 = arith.constant 66 : i32
      %get3A_916 = arith.index_cast %get3A_915 : i32 to index
      %get3A_917 = arith.constant 0 : index
      %get3A_918 = tpu.vector_load %arg18[%get3A_916, %get3A_917] {strides = array<i32>} : memref<80x16xf32, #tpu.memory_space<vmem>>, vector<16xf32>,
      %slice3A_919 = vector.extract_strided_slice %get3A_890 {offsets = [2], sizes = [1], strides = [1]} : vector<16xf32> to vector<1xf32>
      %squeeze3A_920 = vector.extract %slice3A_919[0] : f32 from vector<1xf32>
      %mul3A_921 = vector.broadcast %squeeze3A_920 : f32 to vector<16xf32>
      %mul3A_922 = arith.mulf %get3A_918, %mul3A_921 : vector<16xf32>
      %swap3A_923 = arith.constant 66 : i32
      %swap3A_924 = arith.index_cast %swap3A_923 : i32 to index
      %swap3A_925 = arith.constant 0 : index
      %swap3A_926 = tpu.vector_load %arg18[%swap3A_924, %swap3A_925] {strides = array<i32>} : memref<80x16xf32, #tpu.memory_space<vmem>>, vector<16xf32>,
      tpu.vector_store %arg18[%swap3A_924, %swap3A_925], %mul3A_922 {strides = array<i32>} : memref<80x16xf32, #tpu.memory_space<vmem>>, vector<16xf32>,
      %get3A_927 = arith.constant 67 : i32
      %get3A_928 = arith.index_cast %get3A_927 : i32 to index
      %get3A_929 = arith.constant 0 : index
      %get3A_930 = tpu.vector_load %arg18[%get3A_928, %get3A_929] {strides = array<i32>} : memref<80x16xf32, #tpu.memory_space<vmem>>, vector<16xf32>,
      %slice3A_931 = vector.extract_strided_slice %get3A_890 {offsets = [3], sizes = [1], strides = [1]} : vector<16xf32> to vector<1xf32>
      %squeeze3A_932 = vector.extract %slice3A_931[0] : f32 from vector<1xf32>
      %mul3A_933 = vector.broadcast %squeeze3A_932 : f32 to vector<16xf32>
      %mul3A_934 = arith.mulf %get3A_930, %mul3A_933 : vector<16xf32>
      %swap3A_935 = arith.constant 67 : i32
      %swap3A_936 = arith.index_cast %swap3A_935 : i32 to index
      %swap3A_937 = arith.constant 0 : index
      %swap3A_938 = tpu.vector_load %arg18[%swap3A_936, %swap3A_937] {strides = array<i32>} : memref<80x16xf32, #tpu.memory_space<vmem>>, vector<16xf32>,
      tpu.vector_store %arg18[%swap3A_936, %swap3A_937], %mul3A_934 {strides = array<i32>} : memref<80x16xf32, #tpu.memory_space<vmem>>, vector<16xf32>,
      %get3A_939 = arith.constant 68 : i32
      %get3A_940 = arith.index_cast %get3A_939 : i32 to index
      %get3A_941 = arith.constant 0 : index
      %get3A_942 = tpu.vector_load %arg18[%get3A_940, %get3A_941] {strides = array<i32>} : memref<80x16xf32, #tpu.memory_space<vmem>>, vector<16xf32>,
      %slice3A_943 = vector.extract_strided_slice %get3A_890 {offsets = [4], sizes = [1], strides = [1]} : vector<16xf32> to vector<1xf32>
      %squeeze3A_944 = vector.extract %slice3A_943[0] : f32 from vector<1xf32>
      %mul3A_945 = vector.broadcast %squeeze3A_944 : f32 to vector<16xf32>
      %mul3A_946 = arith.mulf %get3A_942, %mul3A_945 : vector<16xf32>
      %swap3A_947 = arith.constant 68 : i32
      %swap3A_948 = arith.index_cast %swap3A_947 : i32 to index
      %swap3A_949 = arith.constant 0 : index
      %swap3A_950 = tpu.vector_load %arg18[%swap3A_948, %swap3A_949] {strides = array<i32>} : memref<80x16xf32, #tpu.memory_space<vmem>>, vector<16xf32>,
      tpu.vector_store %arg18[%swap3A_948, %swap3A_949], %mul3A_946 {strides = array<i32>} : memref<80x16xf32, #tpu.memory_space<vmem>>, vector<16xf32>,
      %get3A_951 = arith.constant 69 : i32
      %get3A_952 = arith.index_cast %get3A_951 : i32 to index
      %get3A_953 = arith.constant 0 : index
      %get3A_954 = tpu.vector_load %arg18[%get3A_952, %get3A_953] {strides = array<i32>} : memref<80x16xf32, #tpu.memory_space<vmem>>, vector<16xf32>,
      %slice3A_955 = vector.extract_strided_slice %get3A_890 {offsets = [5], sizes = [1], strides = [1]} : vector<16xf32> to vector<1xf32>
      %squeeze3A_956 = vector.extract %slice3A_955[0] : f32 from vector<1xf32>
      %mul3A_957 = vector.broadcast %squeeze3A_956 : f32 to vector<16xf32>
      %mul3A_958 = arith.mulf %get3A_954, %mul3A_957 : vector<16xf32>
      %swap3A_959 = arith.constant 69 : i32
      %swap3A_960 = arith.index_cast %swap3A_959 : i32 to index
      %swap3A_961 = arith.constant 0 : index
      %swap3A_962 = tpu.vector_load %arg18[%swap3A_960, %swap3A_961] {strides = array<i32>} : memref<80x16xf32, #tpu.memory_space<vmem>>, vector<16xf32>,
      tpu.vector_store %arg18[%swap3A_960, %swap3A_961], %mul3A_958 {strides = array<i32>} : memref<80x16xf32, #tpu.memory_space<vmem>>, vector<16xf32>,
      %get3A_963 = arith.constant 70 : i32
      %get3A_964 = arith.index_cast %get3A_963 : i32 to index
      %get3A_965 = arith.constant 0 : index
      %get3A_966 = tpu.vector_load %arg18[%get3A_964, %get3A_965] {strides = array<i32>} : memref<80x16xf32, #tpu.memory_space<vmem>>, vector<16xf32>,
      %slice3A_967 = vector.extract_strided_slice %get3A_890 {offsets = [6], sizes = [1], strides = [1]} : vector<16xf32> to vector<1xf32>
      %squeeze3A_968 = vector.extract %slice3A_967[0] : f32 from vector<1xf32>
      %mul3A_969 = vector.broadcast %squeeze3A_968 : f32 to vector<16xf32>
      %mul3A_970 = arith.mulf %get3A_966, %mul3A_969 : vector<16xf32>
      %swap3A_971 = arith.constant 70 : i32
      %swap3A_972 = arith.index_cast %swap3A_971 : i32 to index
      %swap3A_973 = arith.constant 0 : index
      %swap3A_974 = tpu.vector_load %arg18[%swap3A_972, %swap3A_973] {strides = array<i32>} : memref<80x16xf32, #tpu.memory_space<vmem>>, vector<16xf32>,
      tpu.vector_store %arg18[%swap3A_972, %swap3A_973], %mul3A_970 {strides = array<i32>} : memref<80x16xf32, #tpu.memory_space<vmem>>, vector<16xf32>,
      %get3A_975 = arith.constant 71 : i32
      %get3A_976 = arith.index_cast %get3A_975 : i32 to index
      %get3A_977 = arith.constant 0 : index
      %get3A_978 = tpu.vector_load %arg18[%get3A_976, %get3A_977] {strides = array<i32>} : memref<80x16xf32, #tpu.memory_space<vmem>>, vector<16xf32>,
      %slice3A_979 = vector.extract_strided_slice %get3A_890 {offsets = [7], sizes = [1], strides = [1]} : vector<16xf32> to vector<1xf32>
      %squeeze3A_980 = vector.extract %slice3A_979[0] : f32 from vector<1xf32>
      %mul3A_981 = vector.broadcast %squeeze3A_980 : f32 to vector<16xf32>
      %mul3A_982 = arith.mulf %get3A_978, %mul3A_981 : vector<16xf32>
      %swap3A_983 = arith.constant 71 : i32
      %swap3A_984 = arith.index_cast %swap3A_983 : i32 to index
      %swap3A_985 = arith.constant 0 : index
      %swap3A_986 = tpu.vector_load %arg18[%swap3A_984, %swap3A_985] {strides = array<i32>} : memref<80x16xf32, #tpu.memory_space<vmem>>, vector<16xf32>,
      tpu.vector_store %arg18[%swap3A_984, %swap3A_985], %mul3A_982 {strides = array<i32>} : memref<80x16xf32, #tpu.memory_space<vmem>>, vector<16xf32>,
      %get3A_987 = arith.constant 72 : i32
      %get3A_988 = arith.index_cast %get3A_987 : i32 to index
      %get3A_989 = arith.constant 0 : index
      %get3A_990 = tpu.vector_load %arg18[%get3A_988, %get3A_989] {strides = array<i32>} : memref<80x16xf32, #tpu.memory_space<vmem>>, vector<16xf32>,
      %slice3A_991 = vector.extract_strided_slice %get3A_890 {offsets = [8], sizes = [1], strides = [1]} : vector<16xf32> to vector<1xf32>
      %squeeze3A_992 = vector.extract %slice3A_991[0] : f32 from vector<1xf32>
      %mul3A_993 = vector.broadcast %squeeze3A_992 : f32 to vector<16xf32>
      %mul3A_994 = arith.mulf %get3A_990, %mul3A_993 : vector<16xf32>
      %swap3A_995 = arith.constant 72 : i32
      %swap3A_996 = arith.index_cast %swap3A_995 : i32 to index
      %swap3A_997 = arith.constant 0 : index
      %swap3A_998 = tpu.vector_load %arg18[%swap3A_996, %swap3A_997] {strides = array<i32>} : memref<80x16xf32, #tpu.memory_space<vmem>>, vector<16xf32>,
      tpu.vector_store %arg18[%swap3A_996, %swap3A_997], %mul3A_994 {strides = array<i32>} : memref<80x16xf32, #tpu.memory_space<vmem>>, vector<16xf32>,
      %get3A_999 = arith.constant 73 : i32
      %get3A_1000 = arith.index_cast %get3A_999 : i32 to index
      %get3A_1001 = arith.constant 0 : index
      %get3A_1002 = tpu.vector_load %arg18[%get3A_1000, %get3A_1001] {strides = array<i32>} : memref<80x16xf32, #tpu.memory_space<vmem>>, vector<16xf32>,
      %slice3A_1003 = vector.extract_strided_slice %get3A_890 {offsets = [9], sizes = [1], strides = [1]} : vector<16xf32> to vector<1xf32>
      %squeeze3A_1004 = vector.extract %slice3A_1003[0] : f32 from vector<1xf32>
      %mul3A_1005 = vector.broadcast %squeeze3A_1004 : f32 to vector<16xf32>
      %mul3A_1006 = arith.mulf %get3A_1002, %mul3A_1005 : vector<16xf32>
      %swap3A_1007 = arith.constant 73 : i32
      %swap3A_1008 = arith.index_cast %swap3A_1007 : i32 to index
      %swap3A_1009 = arith.constant 0 : index
      %swap3A_1010 = tpu.vector_load %arg18[%swap3A_1008, %swap3A_1009] {strides = array<i32>} : memref<80x16xf32, #tpu.memory_space<vmem>>, vector<16xf32>,
      tpu.vector_store %arg18[%swap3A_1008, %swap3A_1009], %mul3A_1006 {strides = array<i32>} : memref<80x16xf32, #tpu.memory_space<vmem>>, vector<16xf32>,
      %get3A_1011 = arith.constant 74 : i32
      %get3A_1012 = arith.index_cast %get3A_1011 : i32 to index
      %get3A_1013 = arith.constant 0 : index
      %get3A_1014 = tpu.vector_load %arg18[%get3A_1012, %get3A_1013] {strides = array<i32>} : memref<80x16xf32, #tpu.memory_space<vmem>>, vector<16xf32>,
      %slice3A_1015 = vector.extract_strided_slice %get3A_890 {offsets = [10], sizes = [1], strides = [1]} : vector<16xf32> to vector<1xf32>
      %squeeze3A_1016 = vector.extract %slice3A_1015[0] : f32 from vector<1xf32>
      %mul3A_1017 = vector.broadcast %squeeze3A_1016 : f32 to vector<16xf32>
      %mul3A_1018 = arith.mulf %get3A_1014, %mul3A_1017 : vector<16xf32>
      %swap3A_1019 = arith.constant 74 : i32
      %swap3A_1020 = arith.index_cast %swap3A_1019 : i32 to index
      %swap3A_1021 = arith.constant 0 : index
      %swap3A_1022 = tpu.vector_load %arg18[%swap3A_1020, %swap3A_1021] {strides = array<i32>} : memref<80x16xf32, #tpu.memory_space<vmem>>, vector<16xf32>,
      tpu.vector_store %arg18[%swap3A_1020, %swap3A_1021], %mul3A_1018 {strides = array<i32>} : memref<80x16xf32, #tpu.memory_space<vmem>>, vector<16xf32>,
      %get3A_1023 = arith.constant 75 : i32
      %get3A_1024 = arith.index_cast %get3A_1023 : i32 to index
      %get3A_1025 = arith.constant 0 : index
      %get3A_1026 = tpu.vector_load %arg18[%get3A_1024, %get3A_1025] {strides = array<i32>} : memref<80x16xf32, #tpu.memory_space<vmem>>, vector<16xf32>,
      %slice3A_1027 = vector.extract_strided_slice %get3A_890 {offsets = [11], sizes = [1], strides = [1]} : vector<16xf32> to vector<1xf32>
      %squeeze3A_1028 = vector.extract %slice3A_1027[0] : f32 from vector<1xf32>
      %mul3A_1029 = vector.broadcast %squeeze3A_1028 : f32 to vector<16xf32>
      %mul3A_1030 = arith.mulf %get3A_1026, %mul3A_1029 : vector<16xf32>
      %swap3A_1031 = arith.constant 75 : i32
      %swap3A_1032 = arith.index_cast %swap3A_1031 : i32 to index
      %swap3A_1033 = arith.constant 0 : index
      %swap3A_1034 = tpu.vector_load %arg18[%swap3A_1032, %swap3A_1033] {strides = array<i32>} : memref<80x16xf32, #tpu.memory_space<vmem>>, vector<16xf32>,
      tpu.vector_store %arg18[%swap3A_1032, %swap3A_1033], %mul3A_1030 {strides = array<i32>} : memref<80x16xf32, #tpu.memory_space<vmem>>, vector<16xf32>,
      %get3A_1035 = arith.constant 76 : i32
      %get3A_1036 = arith.index_cast %get3A_1035 : i32 to index
      %get3A_1037 = arith.constant 0 : index
      %get3A_1038 = tpu.vector_load %arg18[%get3A_1036, %get3A_1037] {strides = array<i32>} : memref<80x16xf32, #tpu.memory_space<vmem>>, vector<16xf32>,
      %slice3A_1039 = vector.extract_strided_slice %get3A_890 {offsets = [12], sizes = [1], strides = [1]} : vector<16xf32> to vector<1xf32>
      %squeeze3A_1040 = vector.extract %slice3A_1039[0] : f32 from vector<1xf32>
      %mul3A_1041 = vector.broadcast %squeeze3A_1040 : f32 to vector<16xf32>
      %mul3A_1042 = arith.mulf %get3A_1038, %mul3A_1041 : vector<16xf32>
      %swap3A_1043 = arith.constant 76 : i32
      %swap3A_1044 = arith.index_cast %swap3A_1043 : i32 to index
      %swap3A_1045 = arith.constant 0 : index
      %swap3A_1046 = tpu.vector_load %arg18[%swap3A_1044, %swap3A_1045] {strides = array<i32>} : memref<80x16xf32, #tpu.memory_space<vmem>>, vector<16xf32>,
      tpu.vector_store %arg18[%swap3A_1044, %swap3A_1045], %mul3A_1042 {strides = array<i32>} : memref<80x16xf32, #tpu.memory_space<vmem>>, vector<16xf32>,
      %get3A_1047 = arith.constant 77 : i32
      %get3A_1048 = arith.index_cast %get3A_1047 : i32 to index
      %get3A_1049 = arith.constant 0 : index
      %get3A_1050 = tpu.vector_load %arg18[%get3A_1048, %get3A_1049] {strides = array<i32>} : memref<80x16xf32, #tpu.memory_space<vmem>>, vector<16xf32>,
      %slice3A_1051 = vector.extract_strided_slice %get3A_890 {offsets = [13], sizes = [1], strides = [1]} : vector<16xf32> to vector<1xf32>
      %squeeze3A_1052 = vector.extract %slice3A_1051[0] : f32 from vector<1xf32>
      %mul3A_1053 = vector.broadcast %squeeze3A_1052 : f32 to vector<16xf32>
      %mul3A_1054 = arith.mulf %get3A_1050, %mul3A_1053 : vector<16xf32>
      %swap3A_1055 = arith.constant 77 : i32
      %swap3A_1056 = arith.index_cast %swap3A_1055 : i32 to index
      %swap3A_1057 = arith.constant 0 : index
      %swap3A_1058 = tpu.vector_load %arg18[%swap3A_1056, %swap3A_1057] {strides = array<i32>} : memref<80x16xf32, #tpu.memory_space<vmem>>, vector<16xf32>,
      tpu.vector_store %arg18[%swap3A_1056, %swap3A_1057], %mul3A_1054 {strides = array<i32>} : memref<80x16xf32, #tpu.memory_space<vmem>>, vector<16xf32>,
      %get3A_1059 = arith.constant 78 : i32
      %get3A_1060 = arith.index_cast %get3A_1059 : i32 to index
      %get3A_1061 = arith.constant 0 : index
      %get3A_1062 = tpu.vector_load %arg18[%get3A_1060, %get3A_1061] {strides = array<i32>} : memref<80x16xf32, #tpu.memory_space<vmem>>, vector<16xf32>,
      %slice3A_1063 = vector.extract_strided_slice %get3A_890 {offsets = [14], sizes = [1], strides = [1]} : vector<16xf32> to vector<1xf32>
      %squeeze3A_1064 = vector.extract %slice3A_1063[0] : f32 from vector<1xf32>
      %mul3A_1065 = vector.broadcast %squeeze3A_1064 : f32 to vector<16xf32>
      %mul3A_1066 = arith.mulf %get3A_1062, %mul3A_1065 : vector<16xf32>
      %swap3A_1067 = arith.constant 78 : i32
      %swap3A_1068 = arith.index_cast %swap3A_1067 : i32 to index
      %swap3A_1069 = arith.constant 0 : index
      %swap3A_1070 = tpu.vector_load %arg18[%swap3A_1068, %swap3A_1069] {strides = array<i32>} : memref<80x16xf32, #tpu.memory_space<vmem>>, vector<16xf32>,
      tpu.vector_store %arg18[%swap3A_1068, %swap3A_1069], %mul3A_1066 {strides = array<i32>} : memref<80x16xf32, #tpu.memory_space<vmem>>, vector<16xf32>,
      %get3A_1071 = arith.constant 79 : i32
      %get3A_1072 = arith.index_cast %get3A_1071 : i32 to index
      %get3A_1073 = arith.constant 0 : index
      %get3A_1074 = tpu.vector_load %arg18[%get3A_1072, %get3A_1073] {strides = array<i32>} : memref<80x16xf32, #tpu.memory_space<vmem>>, vector<16xf32>,
      %slice3A_1075 = vector.extract_strided_slice %get3A_890 {offsets = [15], sizes = [1], strides = [1]} : vector<16xf32> to vector<1xf32>
      %squeeze3A_1076 = vector.extract %slice3A_1075[0] : f32 from vector<1xf32>
      %mul3A_1077 = vector.broadcast %squeeze3A_1076 : f32 to vector<16xf32>
      %mul3A_1078 = arith.mulf %get3A_1074, %mul3A_1077 : vector<16xf32>
      %swap3A_1079 = arith.constant 79 : i32
      %swap3A_1080 = arith.index_cast %swap3A_1079 : i32 to index
      %swap3A_1081 = arith.constant 0 : index
      %swap3A_1082 = tpu.vector_load %arg18[%swap3A_1080, %swap3A_1081] {strides = array<i32>} : memref<80x16xf32, #tpu.memory_space<vmem>>, vector<16xf32>,
      tpu.vector_store %arg18[%swap3A_1080, %swap3A_1081], %mul3A_1078 {strides = array<i32>} : memref<80x16xf32, #tpu.memory_space<vmem>>, vector<16xf32>,
      "tpu.region"() ({
        %run_scoped3A = tpu.sem_alloc : memref<!tpu.dma_semaphore, #tpu.memory_space<semaphore_mem>>
        %dma_start3A_1083 = arith.constant 0 : i32
        %dma_start3A_1084 = tpu.memref_slice %arg20[%dma_start3A_1083] : memref<10240xf32, #tpu.memory_space<vmem_shared>> -> memref<10240xf32, #tpu.memory_space<vmem_shared>>
        tpu.enqueue_indirect_dma source(%arg17 : memref<80xf32, #tpu.memory_space<vmem>>) target(%dma_start3A_1084 : memref<10240xf32, #tpu.memory_space<vmem_shared>>) offsets(%arg15 : memref<80xi32, #tpu.memory_space<vmem>>) semaphore(%run_scoped3A : memref<!tpu.dma_semaphore, #tpu.memory_space<semaphore_mem>>) {add = true}
        %dma_wait3A_1085 = arith.constant 0 : i32
        %dma_wait3A_1086 = tpu.memref_slice %arg20[%dma_wait3A_1085] : memref<10240xf32, #tpu.memory_space<vmem_shared>> -> memref<10240xf32, #tpu.memory_space<vmem_shared>>
        tpu.wait_indirect_dma semaphore(%run_scoped3A : memref<!tpu.dma_semaphore, #tpu.memory_space<semaphore_mem>>) src(%arg17 : memref<80xf32, #tpu.memory_space<vmem>>) dst(%dma_wait3A_1086 : memref<10240xf32, #tpu.memory_space<vmem_shared>>)
        tpu.yield
      }) : () -> ()
      "tpu.region"() ({
        %run_scoped3A = tpu.sem_alloc : memref<!tpu.dma_semaphore, #tpu.memory_space<semaphore_mem>>
        %dma_start3A_1083 = arith.constant 0 : i32
        %dma_start3A_1084 = arith.constant 0 : i32
        %dma_start3A_1085 = tpu.memref_slice %arg19[%dma_start3A_1083, %dma_start3A_1084] : memref<10240x16xf32, #tpu.memory_space<vmem_shared>> -> memref<10240x16xf32, #tpu.memory_space<vmem_shared>>
        tpu.enqueue_indirect_dma source(%arg18 : memref<80x16xf32, #tpu.memory_space<vmem>>) target(%dma_start3A_1085 : memref<10240x16xf32, #tpu.memory_space<vmem_shared>>) offsets(%arg15 : memref<80xi32, #tpu.memory_space<vmem>>) semaphore(%run_scoped3A : memref<!tpu.dma_semaphore, #tpu.memory_space<semaphore_mem>>) {add = true}
        %dma_wait3A_1086 = arith.constant 0 : i32
        %dma_wait3A_1087 = arith.constant 0 : i32
        %dma_wait3A_1088 = tpu.memref_slice %arg19[%dma_wait3A_1086, %dma_wait3A_1087] : memref<10240x16xf32, #tpu.memory_space<vmem_shared>> -> memref<10240x16xf32, #tpu.memory_space<vmem_shared>>
        tpu.wait_indirect_dma semaphore(%run_scoped3A : memref<!tpu.dma_semaphore, #tpu.memory_space<semaphore_mem>>) src(%arg18 : memref<80x16xf32, #tpu.memory_space<vmem>>) dst(%dma_wait3A_1088 : memref<10240x16xf32, #tpu.memory_space<vmem_shared>>)
        tpu.yield
      }) : () -> ()
    }
    %scan3A_9 = arith.constant 125 : i32
    %barrier3A_10 = arith.constant 0 : index
    tpu.barrier barrier_id(%barrier3A_10)
    %eq3A = arith.constant 0 : i32
    %eq3A_11 = arith.cmpi eq, %arg1, %eq3A : i32
    %convert_element_type3A = arith.extui %eq3A_11 : i1 to i32
    %cond3A = arith.constant 0 : i32
    %cond3A_12 = arith.cmpi ne, %convert_element_type3A, %cond3A : i32
    scf.if %cond3A_12 {
      %mul3A_13 = arith.constant 10240 : i32
      %mul3A_14 = arith.muli %arg0, %mul3A_13 : i32
      "tpu.region"() ({
        %run_scoped3A = tpu.sem_alloc : memref<!tpu.dma_semaphore, #tpu.memory_space<semaphore_mem>>
        %dma_start3A = arith.constant 0 : i32
        %dma_start3A_17 = tpu.memref_slice %arg10[%mul3A_14, %dma_start3A] : memref<20480x16xf32, #tpu.memory_space<hbm>> -> memref<10240x16xf32, #tpu.memory_space<hbm>>
        tpu.enqueue_dma source(%arg19 : memref<10240x16xf32, #tpu.memory_space<vmem_shared>>) target(%dma_start3A_17 : memref<10240x16xf32, #tpu.memory_space<hbm>>) target_semaphore(%run_scoped3A : memref<!tpu.dma_semaphore, #tpu.memory_space<semaphore_mem>>)
        %dma_wait3A = arith.constant 0 : i32
        %dma_wait3A_18 = tpu.memref_slice %arg10[%mul3A_14, %dma_wait3A] : memref<20480x16xf32, #tpu.memory_space<hbm>> -> memref<10240x16xf32, #tpu.memory_space<hbm>>
        tpu.wait_dma2 semaphore(%run_scoped3A : memref<!tpu.dma_semaphore, #tpu.memory_space<semaphore_mem>>) src(%arg19 : memref<10240x16xf32, #tpu.memory_space<vmem_shared>>) dst(%dma_wait3A_18 : memref<10240x16xf32, #tpu.memory_space<hbm>>)
        tpu.yield
      }) : () -> ()
      %mul3A_15 = arith.constant 10240 : i32
      %mul3A_16 = arith.muli %arg0, %mul3A_15 : i32
      "tpu.region"() ({
        %run_scoped3A = tpu.sem_alloc : memref<!tpu.dma_semaphore, #tpu.memory_space<semaphore_mem>>
        %dma_start3A = tpu.memref_slice %arg11[%mul3A_16] : memref<20480xf32, #tpu.memory_space<hbm>> -> memref<10240xf32, #tpu.memory_space<hbm>>
        tpu.enqueue_dma source(%arg20 : memref<10240xf32, #tpu.memory_space<vmem_shared>>) target(%dma_start3A : memref<10240xf32, #tpu.memory_space<hbm>>) target_semaphore(%run_scoped3A : memref<!tpu.dma_semaphore, #tpu.memory_space<semaphore_mem>>)
        %dma_wait3A = tpu.memref_slice %arg11[%mul3A_16] : memref<20480xf32, #tpu.memory_space<hbm>> -> memref<10240xf32, #tpu.memory_space<hbm>>
        tpu.wait_dma2 semaphore(%run_scoped3A : memref<!tpu.dma_semaphore, #tpu.memory_space<semaphore_mem>>) src(%arg20 : memref<10240xf32, #tpu.memory_space<vmem_shared>>) dst(%dma_wait3A : memref<10240xf32, #tpu.memory_space<hbm>>)
        tpu.yield
      }) : () -> ()
    } else {
    }
    return
  }
}

module attributes {stable_mosaic.version = 14 : i64} {
  func.func @_prep1_body(%arg0: memref<10240x128xf32, #tpu.memory_space<vmem>>, %arg1: memref<128x16xf32, #tpu.memory_space<vmem>>, %arg2: memref<16x1xf32, #tpu.memory_space<vmem>>, %arg3: memref<16x1xf32, #tpu.memory_space<vmem>>, %arg4: memref<2500x128xf32, #tpu.memory_space<vmem>>, %arg5: memref<10240x16xf32, #tpu.memory_space<vmem>>, %arg6: memref<10240x1xf32, #tpu.memory_space<vmem>>, %arg7: memref<10240x1xf32, #tpu.memory_space<vmem>>, %arg8: memref<2500x128xf32, #tpu.memory_space<vmem>>) attributes {dimension_semantics = [], scalar_prefetch = 0 : i64, scratch_operands = 0 : i64, tpu.core_type = #tpu.core_type<tc>} {
    %get3A = arith.constant 0 : index
    %get3A_0 = arith.constant 0 : index
    %get3A_1 = vector.load %arg0[%get3A, %get3A_0] : memref<10240x128xf32, #tpu.memory_space<vmem>>, vector<10240x128xf32>
    %get3A_2 = arith.constant 0 : index
    %get3A_3 = arith.constant 0 : index
    %get3A_4 = vector.load %arg1[%get3A_2, %get3A_3] : memref<128x16xf32, #tpu.memory_space<vmem>>, vector<128x16xf32>
    %dot_general3A = arith.constant dense<0.000000e+00> : vector<10240x16xf32>
    %dot_general3A_5 = tpu.matmul %get3A_1, %get3A_4, %dot_general3A {dimension_numbers = #tpu.dot_dimension_numbers<[1], [0], [0], [1], [0, 0, 1, 1], [], []>, transpose_lhs_hint = false} : vector<10240x128xf32>, vector<128x16xf32>, vector<10240x16xf32> -> vector<10240x16xf32>
    %swap3A = arith.constant 0 : index
    %swap3A_6 = arith.constant 0 : index
    %swap3A_7 = vector.load %arg5[%swap3A, %swap3A_6] : memref<10240x16xf32, #tpu.memory_space<vmem>>, vector<10240x16xf32>
    tpu.vector_store %arg5[%swap3A, %swap3A_6], %dot_general3A_5 {strides = array<i32>} : memref<10240x16xf32, #tpu.memory_space<vmem>>, vector<10240x16xf32>,
    %get3A_8 = arith.constant 0 : index
    %get3A_9 = arith.constant 0 : index
    %get3A_10 = vector.load %arg2[%get3A_8, %get3A_9] : memref<16x1xf32, #tpu.memory_space<vmem>>, vector<16x1xf32>
    %dot_general3A_11 = arith.constant dense<0.000000e+00> : vector<10240x1xf32>
    %dot_general3A_12 = tpu.matmul %dot_general3A_5, %get3A_10, %dot_general3A_11 {dimension_numbers = #tpu.dot_dimension_numbers<[1], [0], [0], [1], [0, 0, 1, 1], [], []>, transpose_lhs_hint = false} : vector<10240x16xf32>, vector<16x1xf32>, vector<10240x1xf32> -> vector<10240x1xf32>
    %swap3A_13 = arith.constant 0 : index
    %swap3A_14 = arith.constant 0 : index
    %swap3A_15 = vector.load %arg6[%swap3A_13, %swap3A_14] : memref<10240x1xf32, #tpu.memory_space<vmem>>, vector<10240x1xf32>
    tpu.vector_store %arg6[%swap3A_13, %swap3A_14], %dot_general3A_12 {strides = array<i32>} : memref<10240x1xf32, #tpu.memory_space<vmem>>, vector<10240x1xf32>,
    %get3A_16 = arith.constant 0 : index
    %get3A_17 = arith.constant 0 : index
    %get3A_18 = vector.load %arg3[%get3A_16, %get3A_17] : memref<16x1xf32, #tpu.memory_space<vmem>>, vector<16x1xf32>
    %dot_general3A_19 = arith.constant dense<0.000000e+00> : vector<10240x1xf32>
    %dot_general3A_20 = tpu.matmul %dot_general3A_5, %get3A_18, %dot_general3A_19 {dimension_numbers = #tpu.dot_dimension_numbers<[1], [0], [0], [1], [0, 0, 1, 1], [], []>, transpose_lhs_hint = false} : vector<10240x16xf32>, vector<16x1xf32>, vector<10240x1xf32> -> vector<10240x1xf32>
    %swap3A_21 = arith.constant 0 : index
    %swap3A_22 = arith.constant 0 : index
    %swap3A_23 = vector.load %arg7[%swap3A_21, %swap3A_22] : memref<10240x1xf32, #tpu.memory_space<vmem>>, vector<10240x1xf32>
    tpu.vector_store %arg7[%swap3A_21, %swap3A_22], %dot_general3A_20 {strides = array<i32>} : memref<10240x1xf32, #tpu.memory_space<vmem>>, vector<10240x1xf32>,
    %get3A_24 = arith.constant 0 : index
    %get3A_25 = arith.constant 0 : index
    %get3A_26 = vector.load %arg4[%get3A_24, %get3A_25] : memref<2500x128xf32, #tpu.memory_space<vmem>>, vector<2500x128xf32>
    %log3A = math.log %get3A_26 : vector<2500x128xf32>
    %log3A_27 = arith.constant 2.000000e+00 : f32
    %log3A_28 = math.log %log3A_27 : f32
    %div3A = vector.broadcast %log3A_28 : f32 to vector<2500x128xf32>
    %div3A_29 = arith.divf %log3A, %div3A : vector<2500x128xf32>
    %swap3A_30 = arith.constant 0 : index
    %swap3A_31 = arith.constant 0 : index
    %swap3A_32 = vector.load %arg8[%swap3A_30, %swap3A_31] : memref<2500x128xf32, #tpu.memory_space<vmem>>, vector<2500x128xf32>
    tpu.vector_store %arg8[%swap3A_30, %swap3A_31], %div3A_29 {strides = array<i32>} : memref<2500x128xf32, #tpu.memory_space<vmem>>, vector<2500x128xf32>,
    return
  }
}

module attributes {stable_mosaic.version = 14 : i64} {
  func.func @_comb1_body(%arg0: memref<20480x16xf32, #tpu.memory_space<vmem>>, %arg1: memref<2x10240xf32, #tpu.memory_space<vmem>>, %arg2: memref<10240x1xf32, #tpu.memory_space<vmem>>, %arg3: memref<10240x1xf32, #tpu.memory_space<vmem>>, %arg4: memref<10240x16xf32, #tpu.memory_space<vmem>>, %arg5: memref<1x16xf32, #tpu.memory_space<vmem>>, %arg6: memref<16x16xf32, #tpu.memory_space<vmem>>, %arg7: memref<16x1xf32, #tpu.memory_space<vmem>>, %arg8: memref<16x1xf32, #tpu.memory_space<vmem>>, %arg9: memref<10240x16xf32, #tpu.memory_space<vmem>>, %arg10: memref<10240x1xf32, #tpu.memory_space<vmem>>, %arg11: memref<10240x1xf32, #tpu.memory_space<vmem>>) attributes {dimension_semantics = [], scalar_prefetch = 0 : i64, scratch_operands = 0 : i64, tpu.core_type = #tpu.core_type<tc>} {
    %get3A = arith.constant 0 : index
    %get3A_0 = arith.constant 0 : index
    %get3A_1 = vector.load %arg2[%get3A, %get3A_0] : memref<10240x1xf32, #tpu.memory_space<vmem>>, vector<10240x1xf32>
    %get3A_2 = arith.constant 0 : index
    %get3A_3 = arith.constant 0 : index
    %get3A_4 = vector.load %arg3[%get3A_2, %get3A_3] : memref<10240x1xf32, #tpu.memory_space<vmem>>, vector<10240x1xf32>
    %add3A = arith.addf %get3A_1, %get3A_4 : vector<10240x1xf32>
    %ge3A = arith.constant 0.000000e+00 : f32
    %ge3A_5 = vector.broadcast %ge3A : f32 to vector<10240x1xf32>
    %ge3A_6 = arith.cmpf oge, %add3A, %ge3A_5 : vector<10240x1xf32>
    %mul3A = arith.constant 2.000000e-01 : f32
    %mul3A_7 = vector.broadcast %mul3A : f32 to vector<10240x1xf32>
    %mul3A_8 = arith.mulf %add3A, %mul3A_7 : vector<10240x1xf32>
    %select_n3A = arith.select %ge3A_6, %add3A, %mul3A_8 : vector<10240x1xi1>, vector<10240x1xf32>
    %exp3A = math.exp %select_n3A : vector<10240x1xf32>
    %get3A_9 = arith.constant 0 : index
    %get3A_10 = arith.constant 0 : index
    %get3A_11 = vector.load %arg1[%get3A_9, %get3A_10] : memref<2x10240xf32, #tpu.memory_space<vmem>>, vector<1x10240xf32>
    %get3A_12 = vector.shape_cast %get3A_11 : vector<1x10240xf32> to vector<10240xf32>
    %get3A_13 = arith.constant 1 : index
    %get3A_14 = arith.constant 0 : index
    %get3A_15 = vector.load %arg1[%get3A_13, %get3A_14] : memref<2x10240xf32, #tpu.memory_space<vmem>>, vector<1x10240xf32>
    %get3A_16 = vector.shape_cast %get3A_15 : vector<1x10240xf32> to vector<10240xf32>
    %add3A_17 = arith.addf %get3A_12, %get3A_16 : vector<10240xf32>
    %reshape3A = vector.shape_cast %add3A_17 : vector<10240xf32> to vector<10240x1xf32>
    %add3A_18 = arith.addf %reshape3A, %exp3A : vector<10240x1xf32>
    %get3A_19 = arith.constant 0 : index
    %get3A_20 = arith.constant 0 : index
    %get3A_21 = vector.load %arg0[%get3A_19, %get3A_20] : memref<20480x16xf32, #tpu.memory_space<vmem>>, vector<20480x16xf32>
    %slice3A = vector.extract_strided_slice %get3A_21 {offsets = [0, 0], sizes = [10240, 16], strides = [1, 1]} : vector<20480x16xf32> to vector<10240x16xf32>
    %slice3A_22 = vector.extract_strided_slice %get3A_21 {offsets = [10240, 0], sizes = [10240, 16], strides = [1, 1]} : vector<20480x16xf32> to vector<10240x16xf32>
    %add3A_23 = arith.addf %slice3A, %slice3A_22 : vector<10240x16xf32>
    %get3A_24 = arith.constant 0 : index
    %get3A_25 = arith.constant 0 : index
    %get3A_26 = vector.load %arg4[%get3A_24, %get3A_25] : memref<10240x16xf32, #tpu.memory_space<vmem>>, vector<10240x16xf32>
    %mul3A_27 = vector.broadcast %exp3A : vector<10240x1xf32> to vector<10240x16xf32>
    %mul3A_28 = arith.mulf %mul3A_27, %get3A_26 : vector<10240x16xf32>
    %add3A_29 = arith.addf %add3A_23, %mul3A_28 : vector<10240x16xf32>
    %div3A = vector.broadcast %add3A_18 : vector<10240x1xf32> to vector<10240x16xf32>
    %div3A_30 = arith.divf %add3A_29, %div3A : vector<10240x16xf32>
    %get3A_31 = arith.constant 0 : index
    %get3A_32 = arith.constant 0 : index
    %get3A_33 = vector.load %arg5[%get3A_31, %get3A_32] : memref<1x16xf32, #tpu.memory_space<vmem>>, vector<1x16xf32>
    %add3A_34 = vector.broadcast %get3A_33 : vector<1x16xf32> to vector<10240x16xf32>
    %add3A_35 = arith.addf %div3A_30, %add3A_34 : vector<10240x16xf32>
    %max3A = arith.constant 0.000000e+00 : f32
    %max3A_36 = vector.broadcast %max3A : f32 to vector<10240x16xf32>
    %max3A_37 = arith.maximumf %add3A_35, %max3A_36 : vector<10240x16xf32>
    %get3A_38 = arith.constant 0 : index
    %get3A_39 = arith.constant 0 : index
    %get3A_40 = vector.load %arg6[%get3A_38, %get3A_39] : memref<16x16xf32, #tpu.memory_space<vmem>>, vector<16x16xf32>
    %dot_general3A = arith.constant dense<0.000000e+00> : vector<10240x16xf32>
    %dot_general3A_41 = tpu.matmul %max3A_37, %get3A_40, %dot_general3A {dimension_numbers = #tpu.dot_dimension_numbers<[1], [0], [0], [1], [0, 0, 1, 1], [], []>, transpose_lhs_hint = false} : vector<10240x16xf32>, vector<16x16xf32>, vector<10240x16xf32> -> vector<10240x16xf32>
    %swap3A = arith.constant 0 : index
    %swap3A_42 = arith.constant 0 : index
    %swap3A_43 = vector.load %arg9[%swap3A, %swap3A_42] : memref<10240x16xf32, #tpu.memory_space<vmem>>, vector<10240x16xf32>
    tpu.vector_store %arg9[%swap3A, %swap3A_42], %dot_general3A_41 {strides = array<i32>} : memref<10240x16xf32, #tpu.memory_space<vmem>>, vector<10240x16xf32>,
    %get3A_44 = arith.constant 0 : index
    %get3A_45 = arith.constant 0 : index
    %get3A_46 = vector.load %arg7[%get3A_44, %get3A_45] : memref<16x1xf32, #tpu.memory_space<vmem>>, vector<16x1xf32>
    %dot_general3A_47 = arith.constant dense<0.000000e+00> : vector<10240x1xf32>
    %dot_general3A_48 = tpu.matmul %dot_general3A_41, %get3A_46, %dot_general3A_47 {dimension_numbers = #tpu.dot_dimension_numbers<[1], [0], [0], [1], [0, 0, 1, 1], [], []>, transpose_lhs_hint = false} : vector<10240x16xf32>, vector<16x1xf32>, vector<10240x1xf32> -> vector<10240x1xf32>
    %swap3A_49 = arith.constant 0 : index
    %swap3A_50 = arith.constant 0 : index
    %swap3A_51 = vector.load %arg10[%swap3A_49, %swap3A_50] : memref<10240x1xf32, #tpu.memory_space<vmem>>, vector<10240x1xf32>
    tpu.vector_store %arg10[%swap3A_49, %swap3A_50], %dot_general3A_48 {strides = array<i32>} : memref<10240x1xf32, #tpu.memory_space<vmem>>, vector<10240x1xf32>,
    %get3A_52 = arith.constant 0 : index
    %get3A_53 = arith.constant 0 : index
    %get3A_54 = vector.load %arg8[%get3A_52, %get3A_53] : memref<16x1xf32, #tpu.memory_space<vmem>>, vector<16x1xf32>
    %dot_general3A_55 = arith.constant dense<0.000000e+00> : vector<10240x1xf32>
    %dot_general3A_56 = tpu.matmul %dot_general3A_41, %get3A_54, %dot_general3A_55 {dimension_numbers = #tpu.dot_dimension_numbers<[1], [0], [0], [1], [0, 0, 1, 1], [], []>, transpose_lhs_hint = false} : vector<10240x16xf32>, vector<16x1xf32>, vector<10240x1xf32> -> vector<10240x1xf32>
    %swap3A_57 = arith.constant 0 : index
    %swap3A_58 = arith.constant 0 : index
    %swap3A_59 = vector.load %arg11[%swap3A_57, %swap3A_58] : memref<10240x1xf32, #tpu.memory_space<vmem>>, vector<10240x1xf32>
    tpu.vector_store %arg11[%swap3A_57, %swap3A_58], %dot_general3A_56 {strides = array<i32>} : memref<10240x1xf32, #tpu.memory_space<vmem>>, vector<10240x1xf32>,
    return
  }
}

module attributes {stable_mosaic.version = 14 : i64} {
  func.func @_comb2_body(%arg0: memref<20480x16xf32, #tpu.memory_space<vmem>>, %arg1: memref<2x10240xf32, #tpu.memory_space<vmem>>, %arg2: memref<10240x1xf32, #tpu.memory_space<vmem>>, %arg3: memref<10240x1xf32, #tpu.memory_space<vmem>>, %arg4: memref<10240x16xf32, #tpu.memory_space<vmem>>, %arg5: memref<1x16xf32, #tpu.memory_space<vmem>>, %arg6: memref<10240x16xf32, #tpu.memory_space<vmem>>) attributes {dimension_semantics = [], scalar_prefetch = 0 : i64, scratch_operands = 0 : i64, tpu.core_type = #tpu.core_type<tc>} {
    %get3A = arith.constant 0 : index
    %get3A_0 = arith.constant 0 : index
    %get3A_1 = vector.load %arg2[%get3A, %get3A_0] : memref<10240x1xf32, #tpu.memory_space<vmem>>, vector<10240x1xf32>
    %get3A_2 = arith.constant 0 : index
    %get3A_3 = arith.constant 0 : index
    %get3A_4 = vector.load %arg3[%get3A_2, %get3A_3] : memref<10240x1xf32, #tpu.memory_space<vmem>>, vector<10240x1xf32>
    %add3A = arith.addf %get3A_1, %get3A_4 : vector<10240x1xf32>
    %ge3A = arith.constant 0.000000e+00 : f32
    %ge3A_5 = vector.broadcast %ge3A : f32 to vector<10240x1xf32>
    %ge3A_6 = arith.cmpf oge, %add3A, %ge3A_5 : vector<10240x1xf32>
    %mul3A = arith.constant 2.000000e-01 : f32
    %mul3A_7 = vector.broadcast %mul3A : f32 to vector<10240x1xf32>
    %mul3A_8 = arith.mulf %add3A, %mul3A_7 : vector<10240x1xf32>
    %select_n3A = arith.select %ge3A_6, %add3A, %mul3A_8 : vector<10240x1xi1>, vector<10240x1xf32>
    %exp3A = math.exp %select_n3A : vector<10240x1xf32>
    %get3A_9 = arith.constant 0 : index
    %get3A_10 = arith.constant 0 : index
    %get3A_11 = vector.load %arg1[%get3A_9, %get3A_10] : memref<2x10240xf32, #tpu.memory_space<vmem>>, vector<1x10240xf32>
    %get3A_12 = vector.shape_cast %get3A_11 : vector<1x10240xf32> to vector<10240xf32>
    %get3A_13 = arith.constant 1 : index
    %get3A_14 = arith.constant 0 : index
    %get3A_15 = vector.load %arg1[%get3A_13, %get3A_14] : memref<2x10240xf32, #tpu.memory_space<vmem>>, vector<1x10240xf32>
    %get3A_16 = vector.shape_cast %get3A_15 : vector<1x10240xf32> to vector<10240xf32>
    %add3A_17 = arith.addf %get3A_12, %get3A_16 : vector<10240xf32>
    %reshape3A = vector.shape_cast %add3A_17 : vector<10240xf32> to vector<10240x1xf32>
    %add3A_18 = arith.addf %reshape3A, %exp3A : vector<10240x1xf32>
    %get3A_19 = arith.constant 0 : index
    %get3A_20 = arith.constant 0 : index
    %get3A_21 = vector.load %arg0[%get3A_19, %get3A_20] : memref<20480x16xf32, #tpu.memory_space<vmem>>, vector<20480x16xf32>
    %slice3A = vector.extract_strided_slice %get3A_21 {offsets = [0, 0], sizes = [10240, 16], strides = [1, 1]} : vector<20480x16xf32> to vector<10240x16xf32>
    %slice3A_22 = vector.extract_strided_slice %get3A_21 {offsets = [10240, 0], sizes = [10240, 16], strides = [1, 1]} : vector<20480x16xf32> to vector<10240x16xf32>
    %add3A_23 = arith.addf %slice3A, %slice3A_22 : vector<10240x16xf32>
    %get3A_24 = arith.constant 0 : index
    %get3A_25 = arith.constant 0 : index
    %get3A_26 = vector.load %arg4[%get3A_24, %get3A_25] : memref<10240x16xf32, #tpu.memory_space<vmem>>, vector<10240x16xf32>
    %mul3A_27 = vector.broadcast %exp3A : vector<10240x1xf32> to vector<10240x16xf32>
    %mul3A_28 = arith.mulf %mul3A_27, %get3A_26 : vector<10240x16xf32>
    %add3A_29 = arith.addf %add3A_23, %mul3A_28 : vector<10240x16xf32>
    %div3A = vector.broadcast %add3A_18 : vector<10240x1xf32> to vector<10240x16xf32>
    %div3A_30 = arith.divf %add3A_29, %div3A : vector<10240x16xf32>
    %get3A_31 = arith.constant 0 : index
    %get3A_32 = arith.constant 0 : index
    %get3A_33 = vector.load %arg5[%get3A_31, %get3A_32] : memref<1x16xf32, #tpu.memory_space<vmem>>, vector<1x16xf32>
    %add3A_34 = vector.broadcast %get3A_33 : vector<1x16xf32> to vector<10240x16xf32>
    %add3A_35 = arith.addf %div3A_30, %add3A_34 : vector<10240x16xf32>
    %swap3A = arith.constant 0 : index
    %swap3A_36 = arith.constant 0 : index
    %swap3A_37 = vector.load %arg6[%swap3A, %swap3A_36] : memref<10240x16xf32, #tpu.memory_space<vmem>>, vector<10240x16xf32>
    tpu.vector_store %arg6[%swap3A, %swap3A_36], %add3A_35 {strides = array<i32>} : memref<10240x16xf32, #tpu.memory_space<vmem>>, vector<10240x16xf32>,
    return
  }
}

</mosaic_0001>

<sc_bundles>
// kernel: kernel.10.cloned.1.call-start
scs
__scs_entry_jumppad:
0x0: {  	(pc) =	sbr.rel $0x88, $3  }
0x1: {  	(tag) =	ssettag $0x0;
	lr =	simm.s32 $0x1  }
0x2: {  	[smem:$0x3F96] =	sst lr;
	_ =	strace $0xD0000000  }
0x3: {  	_ = 	snop  }
0x4: {  	_ = 	snop  }
0x5: {  	_ = 	snop  }
0x6: {  	_ = 	snop  }
0x7: {  	_ = 	snop  }
__scs_overlays_trampoline_lowered:
0x8: {  	[smem:$0x3FA5] =	sst s0  }
0x9: {  	[smem:$0x3FA6] =	sst s1  }
0xa: {  	[smem:$0x3FA7] =	sst s2  }
0xb: {  	[smem:$0x3FA8] =	sst s3  }
0xc: {  	[smem:$0x3FA9] =	sst s4  }
0xd: {  	[smem:$0x3FAA] =	sst s5  }
0xe: {  	[smem:$0x3FAB] =	sst s6  }
0xf: {  	[smem:$0x3FAC] =	sst s7  }
0x10: {  	[smem:$0x3FAD] =	sst s8  }
0x11: {  	[smem:$0x3FAE] =	sst s9;
	s0 =	simm.s32 @!p0 $0x0  }
0x12: {  	s1 =	sld [smem:$0x3F94];
	s0 =	simm.s32 @p0 $0x1  }
0x13: {  	[smem:$0x3FAF] =	sst s0;
	s0 =	simm.s32 @!p1 $0x0  }
0x14: {  	s2 =	sld [smem:$0x3F93];
	s0 =	simm.s32 @p1 $0x1  }
0x15: {  	[smem:$0x3FB0] =	sst s0;
	s0 =	simm.s32 @!p2 $0x0  }
0x16: {  	s3 =	sld [smem:$0x3FDB];
	s0 =	simm.s32 @p2 $0x1  }
0x17: {  	s4 =	simm.s32 $0x1BF5;
	[smem:$0x3FB2] =	sst s0  }
0x18: {  	s0 =	sld [smem:$0x3F95];
	_ =	swait.ge [sflag:s4], $0x0  }
0x19: {  	s7 =	sld [smem:$0x3F96]  }
0x1a: {  	s8 =	sadd.s32 $0xFFFFE003, lr  }
0x1b: {  	s9 =	sadd.s32 $0xFFFFFEF7, lr;
	s5 =	simm.s32 $0xFFFFFFFF;
	p2 =	slt.u32 s8, $0xFFFFF086  }
0x1c: {  	p1 =	slt.u32 s9, $0xF7A;
	s5 =	simm.s32 @!p2 $0x0  }
0x1d: {  	s5 =	simm.s32 @p1 $0x1;
	p0 =	seq.s32 s7, s2  }
0x1e: {  	s7 =	smul.u32 @!p0 $0xF7A, s2;
	p2 =	seq.s32 @!p0 s5, $0x0  }
0x1f: {  	s9 =	smul.u32 $0xF7A, s1;
	s8 =	simm.s32 @!p0 $0x1BF5;
	p2 =	por !p2, p0  }
0x20: {  	[sflag:s8] =	ssyncset.s32 @!p0 $0xFFFFF086;
	s6 =	sadd.s32 @!p0 s3, s7;
	s7 =	simm.s32 @!p0 $0x108  }
0x21: {  	s3 =	sadd.s32 s3, s9;
	s6 =	sadd.s32 @!p0 $0x88, s6;
	s7 =	simm.s32 @p2 $0x1082  }
0x22: {  	[simem:s7], [sflag:s8] =	dma.local @!p0 [hbm:s6], $0xF7A  }
0x23: {  	s9 =	sor.u32 $0xD0000000, s2;
	s6 =	simm.s32 $0x108;
	_ =	swait.ge @!p0 [sflag:s8], $0x0  }
0x24: {  	s3 =	sadd.s32 $0x88, s3;
	s6 =	simm.s32 @!p1 $0x1082;
	[sflag:s4] =	ssyncset.s32 $0xFFFFF086  }
0x25: {  	[simem:s6], [sflag:s4] =	dma.local [hbm:s3], $0xF7A  }
0x26: {  	[smem:$0x3F96] =	sst s1;
	(tag) =	ssettag s2;
	_ =	strace s9  }
0x27: {  	s1 =	sld [smem:$0x3FA6]  }
0x28: {  	s2 =	sld [smem:$0x3FA7]  }
0x29: {  	s4 =	sld [smem:$0x3FA9]  }
0x2a: {  	p0 =	seq.s32 s5, $0x0;
	s5 =	sld [smem:$0x3FAA]  }
0x2b: {  	s6 =	sld [smem:$0x3FAB]  }
0x2c: {  	s7 =	sld [smem:$0x3FAC]  }
0x2d: {  	s3 =	simm.s32 $0x108;
	s8 =	sld [smem:$0x3FAD]  }
0x2e: {  	s3 =	simm.s32 @!p0 $0x1082;
	s9 =	sld [smem:$0x3FAE]  }
0x2f: {  	lr =	sadd.s32 s0, s3;
	s0 =	sld [smem:$0x3FA5]  }
0x30: {  	s3 =	sld [smem:$0x3FA8]  }
0x31: {  	[smem:$0x3FB1] =	sst s10  }
0x32: {  	s10 =	sld [smem:$0x3FAF];
	_ =	sdelay $0x3  }
0x33: {  	p0 =	seq.s32 s10, $0x1;
	s10 =	sld [smem:$0x3FB1];
	_ =	sdelay $0x3  }
0x34: {  	[smem:$0x3FB1] =	sst s10  }
0x35: {  	s10 =	sld [smem:$0x3FB0];
	_ =	sdelay $0x3  }
0x36: {  	p1 =	seq.s32 s10, $0x1;
	s10 =	sld [smem:$0x3FB1];
	_ =	sdelay $0x3  }
0x37: {  	[smem:$0x3FB1] =	sst s10  }
0x38: {  	s10 =	sld [smem:$0x3FB2]  }
0x39: {  	_ = 	snop;
	(pc) =	sbr.ind lr, $3  }
0x3a: {  	_ = 	snop  }
0x3b: {  	_ = 	snop  }
0x3c: {  	p2 =	seq.s32 s10, $0x1;
	s10 =	sld [smem:$0x3FB1]  }
0x3d: {  	_ =	shalt  }
0x3e: {  	_ =	shalt  }
0x3f: {  	_ =	shalt  }
0x40: {  	_ =	shalt  }
0x41: {  	_ =	shalt  }
0x42: {  	_ =	shalt  }
0x43: {  	_ =	shalt  }
0x44: {  	_ =	shalt  }
0x45: {  	_ =	shalt  }
0x46: {  	_ =	shalt  }
0x47: {  	_ =	shalt  }
0x48: {  	_ =	shalt  }
0x49: {  	_ =	shalt  }
0x4a: {  	_ =	shalt  }
0x4b: {  	_ =	shalt  }
0x4c: {  	_ =	shalt  }
0x4d: {  	_ =	shalt  }
0x4e: {  	_ =	shalt  }
0x4f: {  	_ =	shalt  }
0x50: {  	_ =	shalt  }
0x51: {  	_ =	shalt  }
0x52: {  	_ =	shalt  }
0x53: {  	_ =	shalt  }
0x54: {  	_ =	shalt  }
0x55: {  	_ =	shalt  }
0x56: {  	_ =	shalt  }
0x57: {  	_ =	shalt  }
0x58: {  	_ =	shalt  }
0x59: {  	_ =	shalt  }
0x5a: {  	_ =	shalt  }
0x5b: {  	_ =	shalt  }
0x5c: {  	_ =	shalt  }
0x5d: {  	_ =	shalt  }
0x5e: {  	_ =	shalt  }
0x5f: {  	_ =	shalt  }
0x60: {  	_ =	shalt  }
0x61: {  	_ =	shalt  }
0x62: {  	_ =	shalt  }
0x63: {  	_ =	shalt  }
0x64: {  	_ =	shalt  }
0x65: {  	_ =	shalt  }
0x66: {  	_ =	shalt  }
0x67: {  	_ =	shalt  }
0x68: {  	_ =	shalt  }
0x69: {  	_ =	shalt  }
0x6a: {  	_ =	shalt  }
0x6b: {  	_ =	shalt  }
0x6c: {  	_ =	shalt  }
0x6d: {  	_ =	shalt  }
0x6e: {  	_ =	shalt  }
0x6f: {  	_ =	shalt  }
0x70: {  	_ =	shalt  }
0x71: {  	_ =	shalt  }
0x72: {  	_ =	shalt  }
0x73: {  	_ =	shalt  }
0x74: {  	_ =	shalt  }
0x75: {  	_ =	shalt  }
0x76: {  	_ =	shalt  }
0x77: {  	_ =	shalt  }
0x78: {  	_ =	shalt  }
0x79: {  	_ =	shalt  }
0x7a: {  	_ =	shalt  }
0x7b: {  	_ =	shalt  }
0x7c: {  	_ =	shalt  }
0x7d: {  	_ =	shalt  }
0x7e: {  	_ =	shalt  }
0x7f: {  	_ =	shalt  }
0x80: {  	_ =	shalt  }
0x81: {  	_ =	shalt  }
0x82: {  	_ =	shalt  }
0x83: {  	_ =	shalt  }
0x84: {  	_ =	shalt  }
0x85: {  	_ =	shalt  }
0x86: {  	_ =	shalt  }
0x87: {  	_ =	shalt  }
.Lfunc_end0:
.L_simem_size_0:
called_computation.1_lowered:
.L_overlay_start_0:
0x88: {  	s2 =	sld [smem:$0x3FD9]  }
0x89: {  	s3 =	sld [smem:$0x3FFE];
	_ =	sdelay $0x1  }
0x8a: {  	s1 =	srdreg.scid  }
0x8b: {  	s0 =	sand.u32 $0x1, s1  }
0x8c: {  	s17 =	sshll.u32 s0, $0xA;
	s2 =	sadd.s32 s3, s2  }
0x8d: {  	s2 =	sadd.s32 s2, s17  }
0x8e: {  	[smem:$0x3FBD] =	sst s2  }
0x8f: {  	_ = 	snop  }
0x90: {  	s2 =	sld [smem:$0x3FD0];
	(tm) =	ssettm $0x1  }
0x91: {  	s18 =	sld [smem:$0x3FFB];
	_ =	sdelay $0x3  }
0x92: {  	_ =	strace s18  }
0x93: {  	s3 =	sld [smem:$0x3FFC];
	_ =	sdelay $0x3  }
0x94: {  	_ =	strace s3  }
0x95: {  	s3 =	sld [smem:$0x3FFD];
	_ =	sdelay $0x3  }
0x96: {  	_ =	strace s3  }
0x97: {  	_ =	strace $0x8FFFFFFF  }
0x98: {  	s19 =	sld [smem:$0x3FDB];
	_ =	sdelay $0x1  }
0x99: {  	s4 =	simm.s32 $_scs_section_size  }
0x9a: {  	s5 =	simm.s32 $_size__tile_overlayer_lowered;
	s6 =	simm.s32 $_tile_overlayer_lowered  }
0x9b: {  	s22 =	simm.s32 $0x1BFF;
	s21 =	sshll.u32 s6, $0x1;
	s3 =	sadd.s32 s4, s19  }
0x9c: {  	s7 =	simm.s32 $0x0;
	s20 =	sshll.u32 s5, $0x1;
	s5 =	sadd.s32 s21, s3  }
0x9d: {  	[timem:s7], [sflag:s22] =	dma.local [hbm:s5], s20  }
0x9e: {  	_ =	swait.ge [sflag:s22], s20  }
0x9f: {  	s4 =	ssub.s32 $0x0, s20;
	[sflag:s22] =	ssyncset.done $0x0  }
0xa0: {  	[sflag:s22] =	ssyncadd.s32 s4;
	_ =	sdelay $0x1  }
0xa1: {  	s23 =	simm.s32 $0x1B8B  }
0xa2: {  	_ =	swait.ge [sflag:s23], $0x1  }
0xa3: {  	[sflag:s23] =	ssyncset.done $0x0  }
0xa4: {  	s25 =	simm.s32 $0x1B8E;
	s24 =	sld [smem:$0x3FFE];
	[sflag:s23] =	ssyncadd.s32 $0xFFFFFFFF  }
0xa5: {  	s26 =	simm.s32 $execute0_lowered;
	[smem:$0x3FD2] =	sst s25  }
0xa6: {  	s5 =	sshll.u32 s26, $0x1;
	_ =	strace $0x80000049;
	[dreg:$0x1] =	wrdreg $0xFFFFFFFF  }
0xa7: {  	s28 =	simm.s32 $_size_execute0_lowered;
	s3 =	sadd.s32 s3, s5;
	[dreg:$0x0] =	wrdreg $0x0  }
0xa8: {  	s5 =	sshll.u32 s28, $0x1;
	[dreg:$0x2] =	wrdreg s3  }
0xa9: {  	[dreg:$0x3] =	wrdreg s5  }
0xaa: {  	[dreg:$0x4] =	wrdreg $0xC0  }
0xab: {  	_ =	task [dreg:s7], $0x5FFFF  }
0xac: {  	[dreg:$0x1] =	wrdreg $0xFFFFFFFF  }
0xad: {  	[dreg:$0x0] =	wrdreg $0x60  }
0xae: {  	[dreg:$0x2] =	wrdreg s24  }
0xaf: {  	[dreg:$0x3] =	wrdreg s2  }
0xb0: {  	[dreg:$0x4] =	wrdreg $0x56400  }
0xb1: {  	[dreg:$0x5] =	wrdreg $0x7E400  }
0xb2: {  	[dreg:$0x6] =	wrdreg $0x9  }
0xb3: {  	_ =	task.clear_ibuf [dreg:s7], $0x7FFFF;
	_ =	strace $0x90000049  }
0xb4: {  	s29 =	simm.s32 $0x9;
	_ =	strace $0x8000004B  }
0xb5: {  	_ =	swait.ge [sflag:s29], $0x1  }
0xb6: {  	[sflag:s29] =	ssyncadd.s32 $0xFFFFFFFF  }
0xb7: {  	_ =	strace $0x9000004B  }
0xb8: {  	_ =	sfence  }
0xb9: {  	s30 =	sld [smem:$0x0];
	_ =	sdelay $0x2  }
0xba: {  	s31 =	sshll.u32 s1, $0xD;
	s1 =	sshrl.u32 s1, $0x2  }
0xbb: {  	s3 =	sand.u32 $0x4000, s31;
	s1 =	sadd.s32 s1, s30  }
0xbc: {  	s0 =	sor.u32 s3, s0;
	s1 =	sshll.u32 s1, $0x11  }
0xbd: {  	s0 =	sor.u32 s1, s0  }
0xbe: {  	s0 =	sadd.s32 $0x8F2B, s0  }
0xbf: {  	[sflag:s0] =	ssyncadd.remote.s32 $0x1  }
0xc0: {  	_ =	sfence.sel $0xFFFF  }
0xc1: {  	[dreg:$0x0] =	wrdreg $0xFFFFFFFF;
	(pc) =	sbr.abs _section_cstart, $3  }
0xc2: {  	[dreg:$0x1] =	wrdreg $0xFFFFFFFF  }
0xc3: {  	_ =	task.clear_ibuf [dreg:s7], $0x2FFFF;
	_ =	strace $0x9FFFFFFF  }
0xc4: {  	(tm) =	ssettm $0x7FFFFFFF  }
0xc5: {  	_ =	shalt  }
tec
execute0_lowered:
.L_overlay_start_1:
0x0: {  	(tag) =	ssettag $0x1  }
0x1: {  	s7 =	rddreg [dreg:$0x0]  }
0x2: {  	s0 =	srdreg.scid;
	s10 =	rddreg [dreg:$0x1]  }
0x3: {  	s25 =	stileid.u32;
	s1 =	rddreg [dreg:$0x2]  }
0x4: {  	s2 =	rddreg [dreg:$0x3];
	s3 =	simm.s32 $0x0;
	s20 =	simm.s32 $0x5000  }
0x5: {  	s21 =	simm.s32 $0x5050;
	s22 =	simm.s32 $0x50A0;
	s23 =	simm.s32 $0x50  }
0x6: {  	s24 =	simm.s32 $0x5140;
	s26 =	simm.s32 $0x50F0;
	s4 =	smul.u32 $0x4E20, s25  }
0x7: {  	s8 =	sand.u32 $0x1, s0;
	s0 =	rddreg [dreg:$0x4];
	s9 =	smul.u32 $0x2800, s25  }
0x8: {  	s28 =	simm.s32 $0x0;
	[smem:$0x7FF] =	sst s3;
	s11 =	smul.u32 $0x280, s25  }
0x9: {  	s6 =	sadd.s32 $0xA2000, s7;
	s31 =	sshll.u32 s25, $0x6;
	s5 =	smul.u32 $0x2710, s8  }
0xa: {  	p0 =	sne.s32 s25, $0x0;
	s25 =	simm.s32 $0x1;
	s13 =	smul.u32 $0x5000, s8  }
0xb: {  	_ =	strace $0x8000004A;
	s16 =	ssub.s32 $0x2, s8;
	s17 =	smul.u32 $0x500, s8  }
0xc: {  	s12 =	sshrl.u32 s9, $0x3;
	s15 =	sshrl.u32 s11, $0x3;
	s30 =	sshrl.u32 s16, $0x1  }
0xd: {  	s18 =	sadd.s32 s9, s1;
	s19 =	sadd.s32 s11, s2;
	s4 =	sadd.s32 s5, s4  }
0xe: {  	s5 =	sadd.s32 $0xA7000, s7;
	s12 =	sadd.s32 s12, s7;
	s15 =	sadd.s32 s15, s7  }
0xf: {  	s13 =	sadd.s32 s13, s7;
	s16 =	ssub.s32 s16, s30;
	s10 =	sadd.s32 s10, s17  }
0x10: {  	s17 =	sor.u32 $0x1C02, s31;
	s18 =	sshrl.u32 s18, $0x3;
	s19 =	sshrl.u32 s19, $0x3  }
0x11: {  	s4 =	sshrl.u32 s4, $0x3;
	s8 =	sadd.s32 $0xA1A00, s15;
	s9 =	sadd.s32 $0xA7C00, s13  }
0x12: {  	s11 =	smax.u32 s16, $0x1;
	s15 =	simm.s32 $0x2;
	s16 =	simm.s32 $0x2800  }
0x13: {  	s14 =	sadd.s32 s4, s7;
	s4 =	sadd.s32 $0xA7600, s7;
	s7 =	sadd.s32 $0x9CA00, s12  }
0x14: {  	s12 =	sadd.s32 $0x1400, s14;
	s13 =	sadd.s32 $0x88E00, s14;
	s14 =	sadd.s32 $0x92C00, s14  }
.LBB2_1:
0x15: {  	[tilespmem:s3], [sflag:$0x2] =	stream.linear.gather [hbm4b:s4+s3], $0x2800, $0x38;
	[tilespmem:$0x80C0] =	vst v63  }
0x16: {  	_ =	swait.ge [sflag:s15], $0x2800  }
0x17: {  	[sflag:s15] =	ssyncset.done $0x0  }
0x18: {  	[sflag:s15] =	ssyncadd.s32 $0xFFFFD800  }
0x19: {  	[tilespmem:s16], [sflag:$0x2] =	stream.linear.gather [hbm4b:s5+s3], $0x2800, $0x38;
	[tilespmem:$0x80C0] =	vst v63  }
0x1a: {  	_ =	swait.ge [sflag:s15], $0x2800  }
0x1b: {  	[sflag:s15] =	ssyncset.done $0x0  }
0x1c: {  	[sflag:s15] =	ssyncadd.s32 $0xFFFFD800  }
0x1d: {  	[spmem:s18], [sflag:s17] =	dma.local [hbm:s7], $0x500  }
0x1e: {  	_ =	swait.ge [sflag:s15], $0x500  }
0x1f: {  	[sflag:s15] =	ssyncset.done $0x0  }
0x20: {  	[sflag:s15] =	ssyncadd.s32 $0xFFFFFB00  }
0x21: {  	[spmem:s19], [sflag:s17] =	dma.local [hbm:s8], $0x50  }
0x22: {  	_ =	swait.ge [sflag:s15], $0x50  }
0x23: {  	[sflag:s15] =	ssyncset.done $0x0  }
0x24: {  	[sflag:s15] =	ssyncadd.s32 $0xFFFFFFB0  }
0x25: {  	s29 =	simm.s32 $0x0;
	[bflag:$0x0] =	sbarrier.arrive $0xFFFF  }
.LBB2_2:
0x26: {  	s30 =	sadd.s32 s29, s14  }
0x27: {  	[tilespmem:s20], [sflag:$0x2] =	stream.linear.gather [hbm4b:s30+s3], $0x50, $0x38;
	[tilespmem:$0x80C0] =	vst v63  }
0x28: {  	_ =	swait.ge [sflag:s15], $0x50  }
0x29: {  	[sflag:s15] =	ssyncset.done $0x0  }
0x2a: {  	s31 =	sadd.s32 s29, s13;
	[sflag:s15] =	ssyncadd.s32 $0xFFFFFFB0  }
0x2b: {  	[tilespmem:s21], [sflag:$0x2] =	stream.linear.gather [hbm4b:s31+s3], $0x50, $0x38;
	[tilespmem:$0x80C0] =	vst v63  }
0x2c: {  	_ =	swait.ge [sflag:s15], $0x50  }
0x2d: {  	[sflag:s15] =	ssyncset.done $0x0  }
0x2e: {  	s31 =	sadd.s32 s29, s12;
	[sflag:s15] =	ssyncadd.s32 $0xFFFFFFB0  }
0x2f: {  	[tilespmem:s22], [sflag:$0x2] =	stream.linear.gather [hbm4b:s31+s3], $0x50, $0x38;
	[tilespmem:$0x80C0] =	vst v63  }
0x30: {  	_ =	swait.ge [sflag:s15], $0x50  }
0x31: {  	[sflag:s15] =	ssyncset.done $0x0  }
0x32: {  	[sflag:s15] =	ssyncadd.s32 $0xFFFFFFB0  }
0x33: {  	[tilespmem:s24], [sflag:$0x1] =	stream.indirect.gather [hbm4b:s6+s23], $0x10, s20, s23, $0xb8;
	[tilespmem:$0x80C0] =	vst v63  }
0x34: {  	v0 =	vld [tilespmem:$0x5000]  }
0x35: {  	v1 =	vld [tilespmem:$0x5050];
	_ =	sdelay $0x6  }
0x36: {  	v0 =	vld.idx.msk [tilespmem:v0+s3+$0x0], $0xffff  }
0x37: {  	v1 =	vld.idx.msk [tilespmem:v1+s16+$0x0], $0xffff;
	_ =	sdelay $0x4  }
0x38: {  	v18 =	vld [tilespmem:$0x50A0];
	v0 =	vadd.f32 v1, v0;
	_ =	sdelay $0x1  }
0x39: {  	v2 =	vmul.f32 $2.000000030e-01, v0  }
0x3a: {  	vm0 =	vge.f32 v0, $0.0e+00  }
0x3b: {  	v0 =	vsel vm0, v0, v2  }
0x3c: {  	v0 =	vadd.f32 v0, v18;
	_ =	sdelay $0x1  }
0x3d: {  	v0 =	vmul.f32 $1.442695020e+00, v0;
	_ =	sdelay $0x1  }
0x3e: {  	(erf) = vpow2.f32 v0;
	_ =	sdelay $0x2  }
0x3f: {  	v19 =	vld [tilespmem:$0x5010]  }
0x40: {  	v20 =	vld [tilespmem:$0x5060];
	_ =	sdelay $0x4  }
0x41: {  	v2 =	vpop (erf)  }
0x42: {  	[tilespmem:$0x50F0] =	vst v2  }
0x43: {  	v0 =	vld.idx.msk [tilespmem:v19+s3+$0x0], $0xffff  }
0x44: {  	v1 =	vld.idx.msk [tilespmem:v20+s16+$0x0], $0xffff;
	_ =	sdelay $0x4  }
0x45: {  	v21 =	vld [tilespmem:$0x50B0];
	v0 =	vadd.f32 v1, v0;
	_ =	sdelay $0x1  }
0x46: {  	v3 =	vmul.f32 $2.000000030e-01, v0  }
0x47: {  	vm12 =	vge.f32 v0, $0.0e+00  }
0x48: {  	v0 =	vsel vm12, v0, v3  }
0x49: {  	v0 =	vadd.f32 v0, v21;
	_ =	sdelay $0x1  }
0x4a: {  	v0 =	vmul.f32 $1.442695020e+00, v0;
	_ =	sdelay $0x1  }
0x4b: {  	(erf) = vpow2.f32 v0;
	_ =	sdelay $0x2  }
0x4c: {  	v22 =	vld [tilespmem:$0x5020]  }
0x4d: {  	v23 =	vld [tilespmem:$0x5070];
	_ =	sdelay $0x4  }
0x4e: {  	v24 =	vpop (erf)  }
0x4f: {  	[tilespmem:$0x5100] =	vst v24  }
0x50: {  	v0 =	vld.idx.msk [tilespmem:v22+s3+$0x0], $0xffff  }
0x51: {  	v1 =	vld.idx.msk [tilespmem:v23+s16+$0x0], $0xffff;
	_ =	sdelay $0x4  }
0x52: {  	v25 =	vld [tilespmem:$0x50C0];
	v0 =	vadd.f32 v1, v0;
	_ =	sdelay $0x1  }
0x53: {  	v26 =	vmul.f32 $2.000000030e-01, v0  }
0x54: {  	vm13 =	vge.f32 v0, $0.0e+00  }
0x55: {  	v0 =	vsel vm13, v0, v26  }
0x56: {  	v0 =	vadd.f32 v0, v25;
	_ =	sdelay $0x1  }
0x57: {  	v0 =	vmul.f32 $1.442695020e+00, v0;
	_ =	sdelay $0x1  }
0x58: {  	(erf) = vpow2.f32 v0;
	_ =	sdelay $0x2  }
0x59: {  	v27 =	vld [tilespmem:$0x5030]  }
0x5a: {  	v28 =	vld [tilespmem:$0x5080];
	_ =	sdelay $0x4  }
0x5b: {  	v29 =	vpop (erf)  }
0x5c: {  	[tilespmem:$0x5110] =	vst v29  }
0x5d: {  	v0 =	vld.idx.msk [tilespmem:v27+s3+$0x0], $0xffff  }
0x5e: {  	v1 =	vld.idx.msk [tilespmem:v28+s16+$0x0], $0xffff;
	_ =	sdelay $0x4  }
0x5f: {  	v30 =	vld [tilespmem:$0x50D0];
	v0 =	vadd.f32 v1, v0;
	_ =	sdelay $0x1  }
0x60: {  	v31 =	vmul.f32 $2.000000030e-01, v0  }
0x61: {  	vm14 =	vge.f32 v0, $0.0e+00  }
0x62: {  	v0 =	vsel vm14, v0, v31  }
0x63: {  	v0 =	vadd.f32 v0, v30;
	_ =	sdelay $0x1  }
0x64: {  	v0 =	vmul.f32 $1.442695020e+00, v0;
	_ =	sdelay $0x1  }
0x65: {  	(erf) = vpow2.f32 v0;
	_ =	sdelay $0x2  }
0x66: {  	v32 =	vld [tilespmem:$0x5040]  }
0x67: {  	v33 =	vld [tilespmem:$0x5090];
	_ =	sdelay $0x4  }
0x68: {  	v34 =	vpop (erf)  }
0x69: {  	[tilespmem:$0x5120] =	vst v34  }
0x6a: {  	v0 =	vld.idx.msk [tilespmem:v32+s3+$0x0], $0xffff  }
0x6b: {  	v1 =	vld.idx.msk [tilespmem:v33+s16+$0x0], $0xffff;
	_ =	sdelay $0x4  }
0x6c: {  	v35 =	vld [tilespmem:$0x50E0];
	v0 =	vadd.f32 v1, v0;
	_ =	sdelay $0x1  }
0x6d: {  	v36 =	vmul.f32 $2.000000030e-01, v0  }
0x6e: {  	vm15 =	vge.f32 v0, $0.0e+00  }
0x6f: {  	v0 =	vsel vm15, v0, v36  }
0x70: {  	v0 =	vadd.f32 v0, v35;
	_ =	sdelay $0x1  }
0x71: {  	v0 =	vmul.f32 $1.442695020e+00, v0;
	_ =	sdelay $0x1  }
0x72: {  	(erf) = vpow2.f32 v0;
	_ =	sdelay $0x8  }
0x73: {  	v0 =	vpop (erf)  }
0x74: {  	[tilespmem:$0x5130] =	vst v0  }
0x75: {  	_ =	swait.ge [sflag:s25], $0x500  }
0x76: {  	[sflag:s25] =	ssyncset.done $0x0  }
0x77: {  	[sflag:s25] =	ssyncadd.s32 $0xFFFFFB00  }
0x78: {  	v37 =	vld [tilespmem:$0x5140]  }
0x79: {  	v38 =	vld [tilespmem:$0x5150]  }
0x7a: {  	v39 =	vld [tilespmem:$0x5160]  }
0x7b: {  	v4 =	vld [tilespmem:$0x5170]  }
0x7c: {  	v5 =	vld [tilespmem:$0x5180]  }
0x7d: {  	v6 =	vld [tilespmem:$0x5190]  }
0x7e: {  	v7 =	vld [tilespmem:$0x51A0]  }
0x7f: {  	v8 =	vbroadcast v2, $0x0;
	v9 =	vld [tilespmem:$0x51B0]  }
0x80: {  	v10 =	vbroadcast v2, $0x1;
	v11 =	vld [tilespmem:$0x51C0]  }
0x81: {  	v40 =	vbroadcast v2, $0x2;
	v12 =	vld [tilespmem:$0x51D0];
	v0 =	vmul.f32 v37, v8  }
0x82: {  	v41 =	vbroadcast v2, $0x3;
	v13 =	vld [tilespmem:$0x51E0];
	v1 =	vmul.f32 v38, v10  }
0x83: {  	v43 =	vbroadcast v2, $0x4;
	v44 =	vld [tilespmem:$0x51F0];
	v42 =	vmul.f32 v39, v40;
	[tilespmem:$0x5140] =	vst v0  }
0x84: {  	v46 =	vbroadcast v2, $0x5;
	v47 =	vld [tilespmem:$0x5200];
	v45 =	vmul.f32 v4, v41;
	[tilespmem:$0x5150] =	vst v1  }
0x85: {  	v49 =	vbroadcast v2, $0x6;
	v50 =	vld [tilespmem:$0x5210];
	v48 =	vmul.f32 v5, v43;
	[tilespmem:$0x5160] =	vst v42  }
0x86: {  	v52 =	vbroadcast v2, $0x7;
	v53 =	vld [tilespmem:$0x5220];
	v51 =	vmul.f32 v6, v46;
	[tilespmem:$0x5170] =	vst v45  }
0x87: {  	v55 =	vbroadcast v2, $0x8;
	v56 =	vld [tilespmem:$0x5230];
	v54 =	vmul.f32 v7, v49;
	[tilespmem:$0x5180] =	vst v48  }
0x88: {  	v58 =	vbroadcast v2, $0x9;
	v61 =	vld [tilespmem:$0x5240];
	v57 =	vmul.f32 v9, v52;
	[tilespmem:$0x5190] =	vst v51  }
0x89: {  	v60 =	vbroadcast v2, $0xA;
	v16 =	vld [tilespmem:$0x5250];
	v59 =	vmul.f32 v11, v55;
	[tilespmem:$0x51A0] =	vst v54  }
0x8a: {  	v63 =	vbroadcast v2, $0xB;
	v9 =	vld [tilespmem:$0x5100];
	v62 =	vmul.f32 v12, v58;
	[tilespmem:$0x51B0] =	vst v57  }
0x8b: {  	v18 =	vbroadcast v2, $0xC;
	v19 =	vld [tilespmem:$0x5260];
	v17 =	vmul.f32 v13, v60;
	[tilespmem:$0x51C0] =	vst v59  }
0x8c: {  	v21 =	vbroadcast v2, $0xD;
	v22 =	vld [tilespmem:$0x5270];
	v20 =	vmul.f32 v44, v63;
	[tilespmem:$0x51D0] =	vst v62  }
0x8d: {  	v24 =	vbroadcast v2, $0xE;
	v25 =	vld [tilespmem:$0x5280];
	v23 =	vmul.f32 v47, v18;
	[tilespmem:$0x51E0] =	vst v17  }
0x8e: {  	v2 =	vbroadcast v2, $0xF;
	v27 =	vld [tilespmem:$0x5290];
	v26 =	vmul.f32 v50, v21;
	[tilespmem:$0x51F0] =	vst v20  }
0x8f: {  	v30 =	vld [tilespmem:$0x52A0];
	v28 =	vmul.f32 v53, v24;
	[tilespmem:$0x5200] =	vst v23;
	v29 =	vbroadcast v9, $0x0  }
0x90: {  	v33 =	vld [tilespmem:$0x52B0];
	v31 =	vmul.f32 v56, v2;
	[tilespmem:$0x5210] =	vst v26;
	v32 =	vbroadcast v9, $0x1  }
0x91: {  	v36 =	vld [tilespmem:$0x52C0];
	[tilespmem:$0x5220] =	vst v28;
	v35 =	vbroadcast v9, $0x2;
	v34 =	vmul.f32 v29, v61  }
0x92: {  	v15 =	vld [tilespmem:$0x5450];
	[tilespmem:$0x5230] =	vst v31;
	v38 =	vbroadcast v9, $0x3;
	v37 =	vmul.f32 v16, v32  }
0x93: {  	v39 =	vld [tilespmem:$0x52D0];
	v41 =	vbroadcast v9, $0x4;
	v40 =	vmul.f32 v19, v35;
	[tilespmem:$0x5240] =	vst v34  }
0x94: {  	v7 =	vld [tilespmem:$0x5110];
	v44 =	vbroadcast v9, $0x5;
	v43 =	vmul.f32 v22, v38;
	[tilespmem:$0x5250] =	vst v37  }
0x95: {  	v8 =	vld [tilespmem:$0x5120];
	v47 =	vbroadcast v9, $0x6;
	v46 =	vmul.f32 v25, v41;
	[tilespmem:$0x5260] =	vst v40  }
0x96: {  	v42 =	vld [tilespmem:$0x52E0];
	v50 =	vbroadcast v9, $0x7;
	v49 =	vmul.f32 v27, v44;
	[tilespmem:$0x5270] =	vst v43  }
0x97: {  	v62 =	vld [tilespmem:$0x5340];
	v53 =	vbroadcast v9, $0x8;
	v52 =	vmul.f32 v30, v47;
	[tilespmem:$0x5280] =	vst v46  }
0x98: {  	v17 =	vld [tilespmem:$0x5350];
	v56 =	vbroadcast v9, $0x9;
	v55 =	vmul.f32 v33, v50;
	[tilespmem:$0x5290] =	vst v49  }
0x99: {  	v45 =	vld [tilespmem:$0x52F0];
	v59 =	vbroadcast v9, $0xA;
	v58 =	vmul.f32 v36, v53;
	[tilespmem:$0x52A0] =	vst v52  }
0x9a: {  	v48 =	vld [tilespmem:$0x5300];
	v28 =	vbroadcast v7, $0x0;
	v60 =	vmul.f32 v39, v56;
	[tilespmem:$0x52B0] =	vst v55  }
0x9b: {  	v51 =	vld [tilespmem:$0x5310];
	v31 =	vbroadcast v7, $0x1;
	v63 =	vmul.f32 v42, v59;
	[tilespmem:$0x52C0] =	vst v58  }
0x9c: {  	v54 =	vld [tilespmem:$0x5320];
	v61 =	vbroadcast v9, $0xB;
	v33 =	vmul.f32 v28, v62;
	[tilespmem:$0x52D0] =	vst v60  }
0x9d: {  	v57 =	vld [tilespmem:$0x5330];
	v16 =	vbroadcast v9, $0xC;
	v36 =	vmul.f32 v17, v31;
	[tilespmem:$0x52E0] =	vst v63  }
0x9e: {  	v20 =	vld [tilespmem:$0x5360];
	v19 =	vbroadcast v9, $0xD;
	v18 =	vmul.f32 v45, v61;
	[tilespmem:$0x5340] =	vst v33  }
0x9f: {  	v23 =	vld [tilespmem:$0x5370];
	v22 =	vbroadcast v9, $0xE;
	v21 =	vmul.f32 v48, v16;
	[tilespmem:$0x5350] =	vst v36  }
0xa0: {  	v26 =	vld [tilespmem:$0x5380];
	v25 =	vbroadcast v9, $0xF;
	v24 =	vmul.f32 v51, v19;
	[tilespmem:$0x52F0] =	vst v18  }
0xa1: {  	v29 =	vld [tilespmem:$0x5390];
	v27 =	vmul.f32 v54, v22;
	v34 =	vbroadcast v7, $0x2;
	[tilespmem:$0x5300] =	vst v21  }
0xa2: {  	v32 =	vld [tilespmem:$0x53A0];
	v30 =	vmul.f32 v57, v25;
	v37 =	vbroadcast v7, $0x3;
	[tilespmem:$0x5310] =	vst v24  }
0xa3: {  	v35 =	vld [tilespmem:$0x53B0];
	v40 =	vbroadcast v7, $0x4;
	[tilespmem:$0x5320] =	vst v27;
	v39 =	vmul.f32 v20, v34  }
0xa4: {  	v38 =	vld [tilespmem:$0x53C0];
	v43 =	vbroadcast v7, $0x5;
	[tilespmem:$0x5330] =	vst v30;
	v42 =	vmul.f32 v23, v37  }
0xa5: {  	v41 =	vld [tilespmem:$0x53D0];
	v46 =	vbroadcast v7, $0x6;
	v45 =	vmul.f32 v26, v40;
	[tilespmem:$0x5360] =	vst v39  }
0xa6: {  	v44 =	vld [tilespmem:$0x53E0];
	v49 =	vbroadcast v7, $0x7;
	v48 =	vmul.f32 v29, v43;
	[tilespmem:$0x5370] =	vst v42  }
0xa7: {  	v47 =	vld [tilespmem:$0x53F0];
	v52 =	vbroadcast v7, $0x8;
	v51 =	vmul.f32 v32, v46;
	[tilespmem:$0x5380] =	vst v45  }
0xa8: {  	v50 =	vld [tilespmem:$0x5400];
	v55 =	vbroadcast v7, $0x9;
	v54 =	vmul.f32 v35, v49;
	[tilespmem:$0x5390] =	vst v48  }
0xa9: {  	v53 =	vld [tilespmem:$0x5410];
	v58 =	vbroadcast v7, $0xA;
	v57 =	vmul.f32 v38, v52;
	[tilespmem:$0x53A0] =	vst v51  }
0xaa: {  	v56 =	vld [tilespmem:$0x5420];
	v61 =	vbroadcast v7, $0xB;
	v60 =	vmul.f32 v41, v55;
	[tilespmem:$0x53B0] =	vst v54  }
0xab: {  	v59 =	vld [tilespmem:$0x5430];
	v63 =	vbroadcast v7, $0xC;
	v62 =	vmul.f32 v44, v58;
	[tilespmem:$0x53C0] =	vst v57  }
0xac: {  	v12 =	vld [tilespmem:$0x5440];
	v14 =	vbroadcast v7, $0xD;
	v13 =	vmul.f32 v47, v61;
	[tilespmem:$0x53D0] =	vst v60  }
0xad: {  	v6 =	vld [tilespmem:$0x5130];
	v17 =	vbroadcast v7, $0xE;
	v16 =	vmul.f32 v50, v63;
	[tilespmem:$0x53E0] =	vst v62  }
0xae: {  	v33 =	vld [tilespmem:$0x54B0];
	v20 =	vbroadcast v7, $0xF;
	v19 =	vmul.f32 v53, v14;
	[tilespmem:$0x53F0] =	vst v13  }
0xaf: {  	v36 =	vld [tilespmem:$0x54C0];
	v23 =	vbroadcast v8, $0x0;
	v22 =	vmul.f32 v56, v17;
	[tilespmem:$0x5400] =	vst v16  }
0xb0: {  	v18 =	vld [tilespmem:$0x5460];
	v26 =	vbroadcast v8, $0x1;
	v25 =	vmul.f32 v59, v20;
	[tilespmem:$0x5410] =	vst v19  }
0xb1: {  	v21 =	vld [tilespmem:$0x5470];
	v44 =	vbroadcast v8, $0x7;
	v28 =	vmul.f32 v23, v12;
	[tilespmem:$0x5420] =	vst v22  }
0xb2: {  	v24 =	vld [tilespmem:$0x5480];
	v47 =	vbroadcast v8, $0x8;
	v31 =	vmul.f32 v15, v26;
	[tilespmem:$0x5430] =	vst v25  }
0xb3: {  	v27 =	vld [tilespmem:$0x5490];
	v29 =	vbroadcast v8, $0x2;
	v49 =	vmul.f32 v33, v44;
	[tilespmem:$0x5440] =	vst v28  }
0xb4: {  	v30 =	vld [tilespmem:$0x54A0];
	v32 =	vbroadcast v8, $0x3;
	v52 =	vmul.f32 v36, v47;
	[tilespmem:$0x5450] =	vst v31  }
0xb5: {  	v35 =	vbroadcast v8, $0x4;
	v39 =	vld [tilespmem:$0x54D0];
	v34 =	vmul.f32 v18, v29;
	[tilespmem:$0x54B0] =	vst v49  }
0xb6: {  	v38 =	vbroadcast v8, $0x5;
	v42 =	vld [tilespmem:$0x54E0];
	v37 =	vmul.f32 v21, v32;
	[tilespmem:$0x54C0] =	vst v52  }
0xb7: {  	v41 =	vbroadcast v8, $0x6;
	v45 =	vld [tilespmem:$0x54F0];
	v40 =	vmul.f32 v24, v35;
	[tilespmem:$0x5460] =	vst v34  }
0xb8: {  	v50 =	vbroadcast v8, $0x9;
	v59 =	vld [tilespmem:$0x5530];
	v43 =	vmul.f32 v27, v38;
	[tilespmem:$0x5470] =	vst v37  }
0xb9: {  	v53 =	vbroadcast v8, $0xA;
	v48 =	vld [tilespmem:$0x5500];
	v46 =	vmul.f32 v30, v41;
	[tilespmem:$0x5480] =	vst v40  }
0xba: {  	v56 =	vbroadcast v8, $0xB;
	v51 =	vld [tilespmem:$0x5510];
	[tilespmem:$0x5490] =	vst v43;
	v55 =	vmul.f32 v39, v50  }
0xbb: {  	v15 =	vbroadcast v8, $0xF;
	v54 =	vld [tilespmem:$0x5520];
	[tilespmem:$0x54A0] =	vst v46;
	v57 =	vmul.f32 v42, v53  }
0xbc: {  	v58 =	vbroadcast v8, $0xC;
	v62 =	vld [tilespmem:$0x5540];
	v60 =	vmul.f32 v45, v56;
	[tilespmem:$0x54D0] =	vst v55  }
0xbd: {  	v61 =	vbroadcast v8, $0xD;
	v13 =	vld [tilespmem:$0x5550];
	v20 =	vmul.f32 v59, v15;
	[tilespmem:$0x54E0] =	vst v57  }
0xbe: {  	v12 =	vbroadcast v8, $0xE;
	v16 =	vld [tilespmem:$0x5560];
	v63 =	vmul.f32 v48, v58;
	[tilespmem:$0x54F0] =	vst v60  }
0xbf: {  	v19 =	vld [tilespmem:$0x5570];
	v18 =	vbroadcast v6, $0x0;
	v14 =	vmul.f32 v51, v61;
	[tilespmem:$0x5530] =	vst v20  }
0xc0: {  	v22 =	vld [tilespmem:$0x5580];
	v21 =	vbroadcast v6, $0x1;
	v17 =	vmul.f32 v54, v12;
	[tilespmem:$0x5500] =	vst v63  }
0xc1: {  	v25 =	vld [tilespmem:$0x5590];
	v24 =	vbroadcast v6, $0x2;
	v23 =	vmul.f32 v18, v62;
	[tilespmem:$0x5510] =	vst v14  }
0xc2: {  	v28 =	vld [tilespmem:$0x55A0];
	v27 =	vbroadcast v6, $0x3;
	v26 =	vmul.f32 v13, v21;
	[tilespmem:$0x5520] =	vst v17  }
0xc3: {  	v31 =	vld [tilespmem:$0x55B0];
	v30 =	vbroadcast v6, $0x4;
	v29 =	vmul.f32 v16, v24;
	[tilespmem:$0x5540] =	vst v23  }
0xc4: {  	v33 =	vbroadcast v6, $0x5;
	v52 =	vld [tilespmem:$0x5620];
	v32 =	vmul.f32 v19, v27;
	[tilespmem:$0x5550] =	vst v26  }
0xc5: {  	v36 =	vbroadcast v6, $0x6;
	v49 =	vld [tilespmem:$0x5610];
	v35 =	vmul.f32 v22, v30;
	[tilespmem:$0x5560] =	vst v29  }
0xc6: {  	v34 =	vld [tilespmem:$0x55C0];
	v39 =	vbroadcast v6, $0x7;
	v38 =	vmul.f32 v25, v33;
	[tilespmem:$0x5570] =	vst v32  }
0xc7: {  	v37 =	vld [tilespmem:$0x55D0];
	v59 =	vbroadcast v6, $0xE;
	v41 =	vmul.f32 v28, v36;
	[tilespmem:$0x5580] =	vst v35  }
0xc8: {  	v40 =	vld [tilespmem:$0x55E0];
	v44 =	vmul.f32 v31, v39;
	v57 =	vbroadcast v6, $0xD;
	[tilespmem:$0x5590] =	vst v38  }
0xc9: {  	v42 =	vbroadcast v6, $0x8;
	v43 =	vld [tilespmem:$0x55F0];
	v62 =	vmul.f32 v52, v59;
	[tilespmem:$0x55A0] =	vst v41  }
0xca: {  	v45 =	vbroadcast v6, $0x9;
	v46 =	vld [tilespmem:$0x5600];
	[tilespmem:$0x55B0] =	vst v44;
	v60 =	vmul.f32 v49, v57  }
0xcb: {  	v48 =	vbroadcast v6, $0xA;
	v55 =	vld [tilespmem:$0x5630];
	v47 =	vmul.f32 v34, v42;
	[tilespmem:$0x5620] =	vst v62  }
0xcc: {  	v51 =	vbroadcast v6, $0xB;
	v50 =	vmul.f32 v37, v45;
	[tilespmem:$0x5610] =	vst v60  }
0xcd: {  	v54 =	vbroadcast v6, $0xC;
	v53 =	vmul.f32 v40, v48;
	[tilespmem:$0x55C0] =	vst v47  }
0xce: {  	v61 =	vbroadcast v6, $0xF;
	v56 =	vmul.f32 v43, v51;
	[tilespmem:$0x55D0] =	vst v50  }
0xcf: {  	v58 =	vmul.f32 v46, v54;
	[tilespmem:$0x55E0] =	vst v53  }
0xd0: {  	[tilespmem:$0x55F0] =	vst v56;
	v63 =	vmul.f32 v55, v61  }
0xd1: {  	[tilespmem:$0x5600] =	vst v58  }
0xd2: {  	[tilespmem:$0x5630] =	vst v63  }
0xd3: {  	[spmem:s2] =	stream.indirect.scatter.add.f32 [tilespmem:s26], [sflag:$0x2], $0x1, s21, s23, $0xb8;
	[tilespmem:$0x80C0] =	vst v63  }
0xd4: {  	_ =	swait.ge [sflag:s15], $0x50  }
0xd5: {  	p1 =	sne.s32 s29, $0x4D8;
	[sflag:s15] =	ssyncset.done $0x0  }
.Ltmp0:
0xd6: {  	[sflag:s15] =	ssyncadd.s32 $0xFFFFFFB0;
	(pc) =	sbr.rel @p1 .LBB2_2-.Ltmp0, $4  }
0xd7: {  	[spmem:s1] =	stream.indirect.scatter.add.f32 [tilespmem:s24], [sflag:$0x2], $0x10, s21, s23, $0xb8;
	[tilespmem:$0x80C0] =	vst v63  }
0xd8: {  	_ =	swait.ge [sflag:s15], $0x500  }
0xd9: {  	[sflag:s15] =	ssyncset.done $0x0  }
0xda: {  	s29 =	sadd.s32 $0xA, s29;
	[sflag:s15] =	ssyncadd.s32 $0xFFFFFB00  }
0xdb: {  	[bflag:$0x0] =	sbarrier.arrive $0xFFFF;
	s29 =	sshrl.u32 @!p0 s1, $0x3  }
0xdc: {  	[hbm:s9], [sflag:s17] =	dma.local @!p0 [spmem:s29], $0x5000  }
0xdd: {  	s29 =	simm.s32 @!p0 $0x2  }
0xde: {  	s28 =	sadd.s32 $0x1, s28;
	_ =	swait.ge @!p0 [sflag:s29], $0x5000  }
0xdf: {  	p1 =	sne.s32 s28, s11;
	[sflag:s29] =	ssyncset.done @!p0 $0x0  }
.Ltmp1:
0xe0: {  	s30 =	sshrl.u32 @!p0 s2, $0x3;
	[sflag:s29] =	ssyncadd.s32 @!p0 $0xFFFFB000;
	(pc) =	sbr.rel @p1 .LBB2_1-.Ltmp1, $4  }
0xe1: {  	[hbm:s10], [sflag:s17] =	dma.local @!p0 [spmem:s30], $0x500  }
0xe2: {  	_ =	swait.ge @!p0 [sflag:s29], $0x500  }
0xe3: {  	[sflag:s29] =	ssyncset.done @!p0 $0x0  }
0xe4: {  	[sflag:s29] =	ssyncadd.s32 @!p0 $0xFFFFFB00  }
0xe5: {  	_ =	sfence.sel $0x180000  }
0xe6: {  	[bflag:$0x0] =	sbarrier.arrive $0xFFFF  }
0xe7: {  	_ =	strace $0x9000004A  }
0xe8: {  	s0 =	sadd.s32 @!p0 $0x100000, s0;
	[bflag:$0x2] =	sbarrier.arrive $0xFFFF  }
0xe9: {  	[sflag:s0] =	ssyncadd.tile.s32 @!p0 $0x1;
	_ =	shalt  }
.Lfunc_end2:
_tile_overlayer_lowered:
.L_overlay_start_2:
0xea: {  	(tag) =	ssettag $0x2  }
0xeb: {  	s0 =	rddreg [dreg:$0x0];
	s2 =	stileid.u32  }
0xec: {  	s1 =	rddreg [dreg:$0x1];
	p0 =	sne.s32 s2, $0x0  }
0xed: {  	s3 =	rddreg [dreg:$0x2];
	[bflag:$0x3] =	sbarrier.arrive $0xFFFF;
	s2 =	simm.s32 @!p0 $0x1C02  }
0xee: {  	[timem:s3], [sflag:s2] =	dma.local @!p0 [hbm:s0], s1  }
0xef: {  	s0 =	simm.s32 @!p0 $0x2  }
0xf0: {  	_ =	swait.ge @!p0 [sflag:s0], s1  }
0xf1: {  	s1 =	ssub.s32 @!p0 $0x0, s1;
	[sflag:s0] =	ssyncset.done @!p0 $0x0  }
0xf2: {  	[sflag:s0] =	ssyncadd.s32 @!p0 s1  }
0xf3: {  	[bflag:$0x3] =	sbarrier.arrive $0xFFFF  }
0xf4: {  	_ =	shalt  }

// kernel: kernel.7.cloned.1.call-start
scs
__scs_entry_jumppad:
0x0: {  	(pc) =	sbr.rel $0x88, $3  }
0x1: {  	(tag) =	ssettag $0x0;
	lr =	simm.s32 $0x1  }
0x2: {  	[smem:$0x3F96] =	sst lr;
	_ =	strace $0xD0000000  }
0x3: {  	_ = 	snop  }
0x4: {  	_ = 	snop  }
0x5: {  	_ = 	snop  }
0x6: {  	_ = 	snop  }
0x7: {  	_ = 	snop  }
__scs_overlays_trampoline_lowered:
0x8: {  	[smem:$0x3FA5] =	sst s0  }
0x9: {  	[smem:$0x3FA6] =	sst s1  }
0xa: {  	[smem:$0x3FA7] =	sst s2  }
0xb: {  	[smem:$0x3FA8] =	sst s3  }
0xc: {  	[smem:$0x3FA9] =	sst s4  }
0xd: {  	[smem:$0x3FAA] =	sst s5  }
0xe: {  	[smem:$0x3FAB] =	sst s6  }
0xf: {  	[smem:$0x3FAC] =	sst s7  }
0x10: {  	[smem:$0x3FAD] =	sst s8  }
0x11: {  	[smem:$0x3FAE] =	sst s9;
	s0 =	simm.s32 @!p0 $0x0  }
0x12: {  	s1 =	sld [smem:$0x3F94];
	s0 =	simm.s32 @p0 $0x1  }
0x13: {  	[smem:$0x3FAF] =	sst s0;
	s0 =	simm.s32 @!p1 $0x0  }
0x14: {  	s2 =	sld [smem:$0x3F93];
	s0 =	simm.s32 @p1 $0x1  }
0x15: {  	[smem:$0x3FB0] =	sst s0;
	s0 =	simm.s32 @!p2 $0x0  }
0x16: {  	s3 =	sld [smem:$0x3FDB];
	s0 =	simm.s32 @p2 $0x1  }
0x17: {  	s4 =	simm.s32 $0x1BF5;
	[smem:$0x3FB2] =	sst s0  }
0x18: {  	s0 =	sld [smem:$0x3F95];
	_ =	swait.ge [sflag:s4], $0x0  }
0x19: {  	s7 =	sld [smem:$0x3F96]  }
0x1a: {  	s8 =	sadd.s32 $0xFFFFE003, lr  }
0x1b: {  	s9 =	sadd.s32 $0xFFFFFEF7, lr;
	s5 =	simm.s32 $0xFFFFFFFF;
	p2 =	slt.u32 s8, $0xFFFFF086  }
0x1c: {  	p1 =	slt.u32 s9, $0xF7A;
	s5 =	simm.s32 @!p2 $0x0  }
0x1d: {  	s5 =	simm.s32 @p1 $0x1;
	p0 =	seq.s32 s7, s2  }
0x1e: {  	s7 =	smul.u32 @!p0 $0xF7A, s2;
	p2 =	seq.s32 @!p0 s5, $0x0  }
0x1f: {  	s9 =	smul.u32 $0xF7A, s1;
	s8 =	simm.s32 @!p0 $0x1BF5;
	p2 =	por !p2, p0  }
0x20: {  	[sflag:s8] =	ssyncset.s32 @!p0 $0xFFFFF086;
	s6 =	sadd.s32 @!p0 s3, s7;
	s7 =	simm.s32 @!p0 $0x108  }
0x21: {  	s3 =	sadd.s32 s3, s9;
	s6 =	sadd.s32 @!p0 $0x88, s6;
	s7 =	simm.s32 @p2 $0x1082  }
0x22: {  	[simem:s7], [sflag:s8] =	dma.local @!p0 [hbm:s6], $0xF7A  }
0x23: {  	s9 =	sor.u32 $0xD0000000, s2;
	s6 =	simm.s32 $0x108;
	_ =	swait.ge @!p0 [sflag:s8], $0x0  }
0x24: {  	s3 =	sadd.s32 $0x88, s3;
	s6 =	simm.s32 @!p1 $0x1082;
	[sflag:s4] =	ssyncset.s32 $0xFFFFF086  }
0x25: {  	[simem:s6], [sflag:s4] =	dma.local [hbm:s3], $0xF7A  }
0x26: {  	[smem:$0x3F96] =	sst s1;
	(tag) =	ssettag s2;
	_ =	strace s9  }
0x27: {  	s1 =	sld [smem:$0x3FA6]  }
0x28: {  	s2 =	sld [smem:$0x3FA7]  }
0x29: {  	s4 =	sld [smem:$0x3FA9]  }
0x2a: {  	p0 =	seq.s32 s5, $0x0;
	s5 =	sld [smem:$0x3FAA]  }
0x2b: {  	s6 =	sld [smem:$0x3FAB]  }
0x2c: {  	s7 =	sld [smem:$0x3FAC]  }
0x2d: {  	s3 =	simm.s32 $0x108;
	s8 =	sld [smem:$0x3FAD]  }
0x2e: {  	s3 =	simm.s32 @!p0 $0x1082;
	s9 =	sld [smem:$0x3FAE]  }
0x2f: {  	lr =	sadd.s32 s0, s3;
	s0 =	sld [smem:$0x3FA5]  }
0x30: {  	s3 =	sld [smem:$0x3FA8]  }
0x31: {  	[smem:$0x3FB1] =	sst s10  }
0x32: {  	s10 =	sld [smem:$0x3FAF];
	_ =	sdelay $0x3  }
0x33: {  	p0 =	seq.s32 s10, $0x1;
	s10 =	sld [smem:$0x3FB1];
	_ =	sdelay $0x3  }
0x34: {  	[smem:$0x3FB1] =	sst s10  }
0x35: {  	s10 =	sld [smem:$0x3FB0];
	_ =	sdelay $0x3  }
0x36: {  	p1 =	seq.s32 s10, $0x1;
	s10 =	sld [smem:$0x3FB1];
	_ =	sdelay $0x3  }
0x37: {  	[smem:$0x3FB1] =	sst s10  }
0x38: {  	s10 =	sld [smem:$0x3FB2]  }
0x39: {  	_ = 	snop;
	(pc) =	sbr.ind lr, $3  }
0x3a: {  	_ = 	snop  }
0x3b: {  	_ = 	snop  }
0x3c: {  	p2 =	seq.s32 s10, $0x1;
	s10 =	sld [smem:$0x3FB1]  }
0x3d: {  	_ =	shalt  }
0x3e: {  	_ =	shalt  }
0x3f: {  	_ =	shalt  }
0x40: {  	_ =	shalt  }
0x41: {  	_ =	shalt  }
0x42: {  	_ =	shalt  }
0x43: {  	_ =	shalt  }
0x44: {  	_ =	shalt  }
0x45: {  	_ =	shalt  }
0x46: {  	_ =	shalt  }
0x47: {  	_ =	shalt  }
0x48: {  	_ =	shalt  }
0x49: {  	_ =	shalt  }
0x4a: {  	_ =	shalt  }
0x4b: {  	_ =	shalt  }
0x4c: {  	_ =	shalt  }
0x4d: {  	_ =	shalt  }
0x4e: {  	_ =	shalt  }
0x4f: {  	_ =	shalt  }
0x50: {  	_ =	shalt  }
0x51: {  	_ =	shalt  }
0x52: {  	_ =	shalt  }
0x53: {  	_ =	shalt  }
0x54: {  	_ =	shalt  }
0x55: {  	_ =	shalt  }
0x56: {  	_ =	shalt  }
0x57: {  	_ =	shalt  }
0x58: {  	_ =	shalt  }
0x59: {  	_ =	shalt  }
0x5a: {  	_ =	shalt  }
0x5b: {  	_ =	shalt  }
0x5c: {  	_ =	shalt  }
0x5d: {  	_ =	shalt  }
0x5e: {  	_ =	shalt  }
0x5f: {  	_ =	shalt  }
0x60: {  	_ =	shalt  }
0x61: {  	_ =	shalt  }
0x62: {  	_ =	shalt  }
0x63: {  	_ =	shalt  }
0x64: {  	_ =	shalt  }
0x65: {  	_ =	shalt  }
0x66: {  	_ =	shalt  }
0x67: {  	_ =	shalt  }
0x68: {  	_ =	shalt  }
0x69: {  	_ =	shalt  }
0x6a: {  	_ =	shalt  }
0x6b: {  	_ =	shalt  }
0x6c: {  	_ =	shalt  }
0x6d: {  	_ =	shalt  }
0x6e: {  	_ =	shalt  }
0x6f: {  	_ =	shalt  }
0x70: {  	_ =	shalt  }
0x71: {  	_ =	shalt  }
0x72: {  	_ =	shalt  }
0x73: {  	_ =	shalt  }
0x74: {  	_ =	shalt  }
0x75: {  	_ =	shalt  }
0x76: {  	_ =	shalt  }
0x77: {  	_ =	shalt  }
0x78: {  	_ =	shalt  }
0x79: {  	_ =	shalt  }
0x7a: {  	_ =	shalt  }
0x7b: {  	_ =	shalt  }
0x7c: {  	_ =	shalt  }
0x7d: {  	_ =	shalt  }
0x7e: {  	_ =	shalt  }
0x7f: {  	_ =	shalt  }
0x80: {  	_ =	shalt  }
0x81: {  	_ =	shalt  }
0x82: {  	_ =	shalt  }
0x83: {  	_ =	shalt  }
0x84: {  	_ =	shalt  }
0x85: {  	_ =	shalt  }
0x86: {  	_ =	shalt  }
0x87: {  	_ =	shalt  }
.Lfunc_end0:
.L_simem_size_0:
called_computation_lowered:
.L_overlay_start_0:
0x88: {  	s2 =	sld [smem:$0x3FD9]  }
0x89: {  	s3 =	sld [smem:$0x3FFE];
	_ =	sdelay $0x1  }
0x8a: {  	s1 =	srdreg.scid  }
0x8b: {  	s0 =	sand.u32 $0x1, s1  }
0x8c: {  	s17 =	sshll.u32 s0, $0xA;
	s2 =	sadd.s32 s3, s2  }
0x8d: {  	s2 =	sadd.s32 s2, s17  }
0x8e: {  	[smem:$0x3FBD] =	sst s2  }
0x8f: {  	_ = 	snop  }
0x90: {  	s2 =	sld [smem:$0x3FD0];
	(tm) =	ssettm $0x1  }
0x91: {  	s18 =	sld [smem:$0x3FFB];
	_ =	sdelay $0x3  }
0x92: {  	_ =	strace s18  }
0x93: {  	s3 =	sld [smem:$0x3FFC];
	_ =	sdelay $0x3  }
0x94: {  	_ =	strace s3  }
0x95: {  	s3 =	sld [smem:$0x3FFD];
	_ =	sdelay $0x3  }
0x96: {  	_ =	strace s3  }
0x97: {  	_ =	strace $0x8FFFFFFF  }
0x98: {  	s19 =	sld [smem:$0x3FDB];
	_ =	sdelay $0x1  }
0x99: {  	s4 =	simm.s32 $_scs_section_size  }
0x9a: {  	s5 =	simm.s32 $_size__tile_overlayer_lowered;
	s6 =	simm.s32 $_tile_overlayer_lowered  }
0x9b: {  	s22 =	simm.s32 $0x1BFF;
	s21 =	sshll.u32 s6, $0x1;
	s3 =	sadd.s32 s4, s19  }
0x9c: {  	s7 =	simm.s32 $0x0;
	s20 =	sshll.u32 s5, $0x1;
	s5 =	sadd.s32 s21, s3  }
0x9d: {  	[timem:s7], [sflag:s22] =	dma.local [hbm:s5], s20  }
0x9e: {  	_ =	swait.ge [sflag:s22], s20  }
0x9f: {  	s4 =	ssub.s32 $0x0, s20;
	[sflag:s22] =	ssyncset.done $0x0  }
0xa0: {  	[sflag:s22] =	ssyncadd.s32 s4;
	_ =	sdelay $0x1  }
0xa1: {  	s23 =	simm.s32 $0x1B8B  }
0xa2: {  	_ =	swait.ge [sflag:s23], $0x1  }
0xa3: {  	[sflag:s23] =	ssyncset.done $0x0  }
0xa4: {  	s25 =	simm.s32 $0x1B8E;
	s24 =	sld [smem:$0x3FFE];
	[sflag:s23] =	ssyncadd.s32 $0xFFFFFFFF  }
0xa5: {  	s26 =	simm.s32 $execute0_lowered;
	[smem:$0x3FD2] =	sst s25  }
0xa6: {  	s5 =	sshll.u32 s26, $0x1;
	_ =	strace $0x80000046;
	[dreg:$0x1] =	wrdreg $0xFFFFFFFF  }
0xa7: {  	s28 =	simm.s32 $_size_execute0_lowered;
	s3 =	sadd.s32 s3, s5;
	[dreg:$0x0] =	wrdreg $0x0  }
0xa8: {  	s5 =	sshll.u32 s28, $0x1;
	[dreg:$0x2] =	wrdreg s3  }
0xa9: {  	[dreg:$0x3] =	wrdreg s5  }
0xaa: {  	[dreg:$0x4] =	wrdreg $0xC0  }
0xab: {  	_ =	task [dreg:s7], $0x5FFFF  }
0xac: {  	[dreg:$0x1] =	wrdreg $0xFFFFFFFF  }
0xad: {  	[dreg:$0x0] =	wrdreg $0x60  }
0xae: {  	[dreg:$0x2] =	wrdreg s24  }
0xaf: {  	[dreg:$0x3] =	wrdreg s2  }
0xb0: {  	[dreg:$0x4] =	wrdreg $0x56400  }
0xb1: {  	[dreg:$0x5] =	wrdreg $0x7E400  }
0xb2: {  	[dreg:$0x6] =	wrdreg $0x9  }
0xb3: {  	_ =	task.clear_ibuf [dreg:s7], $0x7FFFF;
	_ =	strace $0x90000046  }
0xb4: {  	s29 =	simm.s32 $0x9;
	_ =	strace $0x80000048  }
0xb5: {  	_ =	swait.ge [sflag:s29], $0x1  }
0xb6: {  	[sflag:s29] =	ssyncadd.s32 $0xFFFFFFFF  }
0xb7: {  	_ =	strace $0x90000048  }
0xb8: {  	_ =	sfence  }
0xb9: {  	s30 =	sld [smem:$0x0];
	_ =	sdelay $0x2  }
0xba: {  	s31 =	sshll.u32 s1, $0xD;
	s1 =	sshrl.u32 s1, $0x2  }
0xbb: {  	s3 =	sand.u32 $0x4000, s31;
	s1 =	sadd.s32 s1, s30  }
0xbc: {  	s0 =	sor.u32 s3, s0;
	s1 =	sshll.u32 s1, $0x11  }
0xbd: {  	s0 =	sor.u32 s1, s0  }
0xbe: {  	s0 =	sadd.s32 $0x8F2B, s0  }
0xbf: {  	[sflag:s0] =	ssyncadd.remote.s32 $0x1  }
0xc0: {  	_ =	sfence.sel $0xFFFF  }
0xc1: {  	[dreg:$0x0] =	wrdreg $0xFFFFFFFF;
	(pc) =	sbr.abs _section_cstart, $3  }
0xc2: {  	[dreg:$0x1] =	wrdreg $0xFFFFFFFF  }
0xc3: {  	_ =	task.clear_ibuf [dreg:s7], $0x2FFFF;
	_ =	strace $0x9FFFFFFF  }
0xc4: {  	(tm) =	ssettm $0x7FFFFFFF  }
0xc5: {  	_ =	shalt  }
tec
execute0_lowered:
.L_overlay_start_1:
0x0: {  	(tag) =	ssettag $0x1  }
0x1: {  	s7 =	rddreg [dreg:$0x0]  }
0x2: {  	s0 =	srdreg.scid;
	s10 =	rddreg [dreg:$0x1]  }
0x3: {  	s25 =	stileid.u32;
	s1 =	rddreg [dreg:$0x2]  }
0x4: {  	s2 =	rddreg [dreg:$0x3];
	s3 =	simm.s32 $0x0;
	s20 =	simm.s32 $0x5000  }
0x5: {  	s21 =	simm.s32 $0x5050;
	s22 =	simm.s32 $0x50A0;
	s23 =	simm.s32 $0x50  }
0x6: {  	s24 =	simm.s32 $0x5140;
	s26 =	simm.s32 $0x50F0;
	s4 =	smul.u32 $0x4E20, s25  }
0x7: {  	s8 =	sand.u32 $0x1, s0;
	s0 =	rddreg [dreg:$0x4];
	s9 =	smul.u32 $0x2800, s25  }
0x8: {  	s28 =	simm.s32 $0x0;
	[smem:$0x7FF] =	sst s3;
	s11 =	smul.u32 $0x280, s25  }
0x9: {  	s6 =	sadd.s32 $0x83200, s7;
	s31 =	sshll.u32 s25, $0x6;
	s5 =	smul.u32 $0x2710, s8  }
0xa: {  	p0 =	sne.s32 s25, $0x0;
	s25 =	simm.s32 $0x1;
	s13 =	smul.u32 $0x5000, s8  }
0xb: {  	_ =	strace $0x80000047;
	s16 =	ssub.s32 $0x2, s8;
	s17 =	smul.u32 $0x500, s8  }
0xc: {  	s12 =	sshrl.u32 s9, $0x3;
	s15 =	sshrl.u32 s11, $0x3;
	s30 =	sshrl.u32 s16, $0x1  }
0xd: {  	s18 =	sadd.s32 s9, s1;
	s19 =	sadd.s32 s11, s2;
	s4 =	sadd.s32 s5, s4  }
0xe: {  	s5 =	sadd.s32 $0x88200, s7;
	s12 =	sadd.s32 s12, s7;
	s15 =	sadd.s32 s15, s7  }
0xf: {  	s13 =	sadd.s32 s13, s7;
	s16 =	ssub.s32 s16, s30;
	s10 =	sadd.s32 s10, s17  }
0x10: {  	s17 =	sor.u32 $0x1C02, s31;
	s18 =	sshrl.u32 s18, $0x3;
	s19 =	sshrl.u32 s19, $0x3  }
0x11: {  	s4 =	sshrl.u32 s4, $0x3;
	s8 =	sadd.s32 $0xA1A00, s15;
	s9 =	sadd.s32 $0xA2000, s13  }
0x12: {  	s11 =	smax.u32 s16, $0x1;
	s15 =	simm.s32 $0x2;
	s16 =	simm.s32 $0x2800  }
0x13: {  	s14 =	sadd.s32 s4, s7;
	s4 =	sadd.s32 $0x88800, s7;
	s7 =	sadd.s32 $0x9CA00, s12  }
0x14: {  	s12 =	sadd.s32 $0x1400, s14;
	s13 =	sadd.s32 $0x88E00, s14;
	s14 =	sadd.s32 $0x92C00, s14  }
.LBB2_1:
0x15: {  	[tilespmem:s3], [sflag:$0x2] =	stream.linear.gather [hbm4b:s4+s3], $0x2800, $0x38;
	[tilespmem:$0x80C0] =	vst v63  }
0x16: {  	_ =	swait.ge [sflag:s15], $0x2800  }
0x17: {  	[sflag:s15] =	ssyncset.done $0x0  }
0x18: {  	[sflag:s15] =	ssyncadd.s32 $0xFFFFD800  }
0x19: {  	[tilespmem:s16], [sflag:$0x2] =	stream.linear.gather [hbm4b:s5+s3], $0x2800, $0x38;
	[tilespmem:$0x80C0] =	vst v63  }
0x1a: {  	_ =	swait.ge [sflag:s15], $0x2800  }
0x1b: {  	[sflag:s15] =	ssyncset.done $0x0  }
0x1c: {  	[sflag:s15] =	ssyncadd.s32 $0xFFFFD800  }
0x1d: {  	[spmem:s18], [sflag:s17] =	dma.local [hbm:s7], $0x500  }
0x1e: {  	_ =	swait.ge [sflag:s15], $0x500  }
0x1f: {  	[sflag:s15] =	ssyncset.done $0x0  }
0x20: {  	[sflag:s15] =	ssyncadd.s32 $0xFFFFFB00  }
0x21: {  	[spmem:s19], [sflag:s17] =	dma.local [hbm:s8], $0x50  }
0x22: {  	_ =	swait.ge [sflag:s15], $0x50  }
0x23: {  	[sflag:s15] =	ssyncset.done $0x0  }
0x24: {  	[sflag:s15] =	ssyncadd.s32 $0xFFFFFFB0  }
0x25: {  	s29 =	simm.s32 $0x0;
	[bflag:$0x0] =	sbarrier.arrive $0xFFFF  }
.LBB2_2:
0x26: {  	s30 =	sadd.s32 s29, s14  }
0x27: {  	[tilespmem:s20], [sflag:$0x2] =	stream.linear.gather [hbm4b:s30+s3], $0x50, $0x38;
	[tilespmem:$0x80C0] =	vst v63  }
0x28: {  	_ =	swait.ge [sflag:s15], $0x50  }
0x29: {  	[sflag:s15] =	ssyncset.done $0x0  }
0x2a: {  	s31 =	sadd.s32 s29, s13;
	[sflag:s15] =	ssyncadd.s32 $0xFFFFFFB0  }
0x2b: {  	[tilespmem:s21], [sflag:$0x2] =	stream.linear.gather [hbm4b:s31+s3], $0x50, $0x38;
	[tilespmem:$0x80C0] =	vst v63  }
0x2c: {  	_ =	swait.ge [sflag:s15], $0x50  }
0x2d: {  	[sflag:s15] =	ssyncset.done $0x0  }
0x2e: {  	s31 =	sadd.s32 s29, s12;
	[sflag:s15] =	ssyncadd.s32 $0xFFFFFFB0  }
0x2f: {  	[tilespmem:s22], [sflag:$0x2] =	stream.linear.gather [hbm4b:s31+s3], $0x50, $0x38;
	[tilespmem:$0x80C0] =	vst v63  }
0x30: {  	_ =	swait.ge [sflag:s15], $0x50  }
0x31: {  	[sflag:s15] =	ssyncset.done $0x0  }
0x32: {  	[sflag:s15] =	ssyncadd.s32 $0xFFFFFFB0  }
0x33: {  	[tilespmem:s24], [sflag:$0x1] =	stream.indirect.gather [hbm4b:s6+s23], $0x10, s20, s23, $0xb8;
	[tilespmem:$0x80C0] =	vst v63  }
0x34: {  	v0 =	vld [tilespmem:$0x5000]  }
0x35: {  	v1 =	vld [tilespmem:$0x5050];
	_ =	sdelay $0x6  }
0x36: {  	v0 =	vld.idx.msk [tilespmem:v0+s3+$0x0], $0xffff  }
0x37: {  	v1 =	vld.idx.msk [tilespmem:v1+s16+$0x0], $0xffff;
	_ =	sdelay $0x4  }
0x38: {  	v18 =	vld [tilespmem:$0x50A0];
	v0 =	vadd.f32 v1, v0;
	_ =	sdelay $0x1  }
0x39: {  	v2 =	vmul.f32 $2.000000030e-01, v0  }
0x3a: {  	vm0 =	vge.f32 v0, $0.0e+00  }
0x3b: {  	v0 =	vsel vm0, v0, v2  }
0x3c: {  	v0 =	vadd.f32 v0, v18;
	_ =	sdelay $0x1  }
0x3d: {  	v0 =	vmul.f32 $1.442695020e+00, v0;
	_ =	sdelay $0x1  }
0x3e: {  	(erf) = vpow2.f32 v0;
	_ =	sdelay $0x2  }
0x3f: {  	v19 =	vld [tilespmem:$0x5010]  }
0x40: {  	v20 =	vld [tilespmem:$0x5060];
	_ =	sdelay $0x4  }
0x41: {  	v2 =	vpop (erf)  }
0x42: {  	[tilespmem:$0x50F0] =	vst v2  }
0x43: {  	v0 =	vld.idx.msk [tilespmem:v19+s3+$0x0], $0xffff  }
0x44: {  	v1 =	vld.idx.msk [tilespmem:v20+s16+$0x0], $0xffff;
	_ =	sdelay $0x4  }
0x45: {  	v21 =	vld [tilespmem:$0x50B0];
	v0 =	vadd.f32 v1, v0;
	_ =	sdelay $0x1  }
0x46: {  	v3 =	vmul.f32 $2.000000030e-01, v0  }
0x47: {  	vm12 =	vge.f32 v0, $0.0e+00  }
0x48: {  	v0 =	vsel vm12, v0, v3  }
0x49: {  	v0 =	vadd.f32 v0, v21;
	_ =	sdelay $0x1  }
0x4a: {  	v0 =	vmul.f32 $1.442695020e+00, v0;
	_ =	sdelay $0x1  }
0x4b: {  	(erf) = vpow2.f32 v0;
	_ =	sdelay $0x2  }
0x4c: {  	v22 =	vld [tilespmem:$0x5020]  }
0x4d: {  	v23 =	vld [tilespmem:$0x5070];
	_ =	sdelay $0x4  }
0x4e: {  	v24 =	vpop (erf)  }
0x4f: {  	[tilespmem:$0x5100] =	vst v24  }
0x50: {  	v0 =	vld.idx.msk [tilespmem:v22+s3+$0x0], $0xffff  }
0x51: {  	v1 =	vld.idx.msk [tilespmem:v23+s16+$0x0], $0xffff;
	_ =	sdelay $0x4  }
0x52: {  	v25 =	vld [tilespmem:$0x50C0];
	v0 =	vadd.f32 v1, v0;
	_ =	sdelay $0x1  }
0x53: {  	v26 =	vmul.f32 $2.000000030e-01, v0  }
0x54: {  	vm13 =	vge.f32 v0, $0.0e+00  }
0x55: {  	v0 =	vsel vm13, v0, v26  }
0x56: {  	v0 =	vadd.f32 v0, v25;
	_ =	sdelay $0x1  }
0x57: {  	v0 =	vmul.f32 $1.442695020e+00, v0;
	_ =	sdelay $0x1  }
0x58: {  	(erf) = vpow2.f32 v0;
	_ =	sdelay $0x2  }
0x59: {  	v27 =	vld [tilespmem:$0x5030]  }
0x5a: {  	v28 =	vld [tilespmem:$0x5080];
	_ =	sdelay $0x4  }
0x5b: {  	v29 =	vpop (erf)  }
0x5c: {  	[tilespmem:$0x5110] =	vst v29  }
0x5d: {  	v0 =	vld.idx.msk [tilespmem:v27+s3+$0x0], $0xffff  }
0x5e: {  	v1 =	vld.idx.msk [tilespmem:v28+s16+$0x0], $0xffff;
	_ =	sdelay $0x4  }
0x5f: {  	v30 =	vld [tilespmem:$0x50D0];
	v0 =	vadd.f32 v1, v0;
	_ =	sdelay $0x1  }
0x60: {  	v31 =	vmul.f32 $2.000000030e-01, v0  }
0x61: {  	vm14 =	vge.f32 v0, $0.0e+00  }
0x62: {  	v0 =	vsel vm14, v0, v31  }
0x63: {  	v0 =	vadd.f32 v0, v30;
	_ =	sdelay $0x1  }
0x64: {  	v0 =	vmul.f32 $1.442695020e+00, v0;
	_ =	sdelay $0x1  }
0x65: {  	(erf) = vpow2.f32 v0;
	_ =	sdelay $0x2  }
0x66: {  	v32 =	vld [tilespmem:$0x5040]  }
0x67: {  	v33 =	vld [tilespmem:$0x5090];
	_ =	sdelay $0x4  }
0x68: {  	v34 =	vpop (erf)  }
0x69: {  	[tilespmem:$0x5120] =	vst v34  }
0x6a: {  	v0 =	vld.idx.msk [tilespmem:v32+s3+$0x0], $0xffff  }
0x6b: {  	v1 =	vld.idx.msk [tilespmem:v33+s16+$0x0], $0xffff;
	_ =	sdelay $0x4  }
0x6c: {  	v35 =	vld [tilespmem:$0x50E0];
	v0 =	vadd.f32 v1, v0;
	_ =	sdelay $0x1  }
0x6d: {  	v36 =	vmul.f32 $2.000000030e-01, v0  }
0x6e: {  	vm15 =	vge.f32 v0, $0.0e+00  }
0x6f: {  	v0 =	vsel vm15, v0, v36  }
0x70: {  	v0 =	vadd.f32 v0, v35;
	_ =	sdelay $0x1  }
0x71: {  	v0 =	vmul.f32 $1.442695020e+00, v0;
	_ =	sdelay $0x1  }
0x72: {  	(erf) = vpow2.f32 v0;
	_ =	sdelay $0x8  }
0x73: {  	v0 =	vpop (erf)  }
0x74: {  	[tilespmem:$0x5130] =	vst v0  }
0x75: {  	_ =	swait.ge [sflag:s25], $0x500  }
0x76: {  	[sflag:s25] =	ssyncset.done $0x0  }
0x77: {  	[sflag:s25] =	ssyncadd.s32 $0xFFFFFB00  }
0x78: {  	v37 =	vld [tilespmem:$0x5140]  }
0x79: {  	v38 =	vld [tilespmem:$0x5150]  }
0x7a: {  	v39 =	vld [tilespmem:$0x5160]  }
0x7b: {  	v4 =	vld [tilespmem:$0x5170]  }
0x7c: {  	v5 =	vld [tilespmem:$0x5180]  }
0x7d: {  	v6 =	vld [tilespmem:$0x5190]  }
0x7e: {  	v7 =	vld [tilespmem:$0x51A0]  }
0x7f: {  	v8 =	vbroadcast v2, $0x0;
	v9 =	vld [tilespmem:$0x51B0]  }
0x80: {  	v10 =	vbroadcast v2, $0x1;
	v11 =	vld [tilespmem:$0x51C0]  }
0x81: {  	v40 =	vbroadcast v2, $0x2;
	v12 =	vld [tilespmem:$0x51D0];
	v0 =	vmul.f32 v37, v8  }
0x82: {  	v41 =	vbroadcast v2, $0x3;
	v13 =	vld [tilespmem:$0x51E0];
	v1 =	vmul.f32 v38, v10  }
0x83: {  	v43 =	vbroadcast v2, $0x4;
	v44 =	vld [tilespmem:$0x51F0];
	v42 =	vmul.f32 v39, v40;
	[tilespmem:$0x5140] =	vst v0  }
0x84: {  	v46 =	vbroadcast v2, $0x5;
	v47 =	vld [tilespmem:$0x5200];
	v45 =	vmul.f32 v4, v41;
	[tilespmem:$0x5150] =	vst v1  }
0x85: {  	v49 =	vbroadcast v2, $0x6;
	v50 =	vld [tilespmem:$0x5210];
	v48 =	vmul.f32 v5, v43;
	[tilespmem:$0x5160] =	vst v42  }
0x86: {  	v52 =	vbroadcast v2, $0x7;
	v53 =	vld [tilespmem:$0x5220];
	v51 =	vmul.f32 v6, v46;
	[tilespmem:$0x5170] =	vst v45  }
0x87: {  	v55 =	vbroadcast v2, $0x8;
	v56 =	vld [tilespmem:$0x5230];
	v54 =	vmul.f32 v7, v49;
	[tilespmem:$0x5180] =	vst v48  }
0x88: {  	v58 =	vbroadcast v2, $0x9;
	v61 =	vld [tilespmem:$0x5240];
	v57 =	vmul.f32 v9, v52;
	[tilespmem:$0x5190] =	vst v51  }
0x89: {  	v60 =	vbroadcast v2, $0xA;
	v16 =	vld [tilespmem:$0x5250];
	v59 =	vmul.f32 v11, v55;
	[tilespmem:$0x51A0] =	vst v54  }
0x8a: {  	v63 =	vbroadcast v2, $0xB;
	v9 =	vld [tilespmem:$0x5100];
	v62 =	vmul.f32 v12, v58;
	[tilespmem:$0x51B0] =	vst v57  }
0x8b: {  	v18 =	vbroadcast v2, $0xC;
	v19 =	vld [tilespmem:$0x5260];
	v17 =	vmul.f32 v13, v60;
	[tilespmem:$0x51C0] =	vst v59  }
0x8c: {  	v21 =	vbroadcast v2, $0xD;
	v22 =	vld [tilespmem:$0x5270];
	v20 =	vmul.f32 v44, v63;
	[tilespmem:$0x51D0] =	vst v62  }
0x8d: {  	v24 =	vbroadcast v2, $0xE;
	v25 =	vld [tilespmem:$0x5280];
	v23 =	vmul.f32 v47, v18;
	[tilespmem:$0x51E0] =	vst v17  }
0x8e: {  	v2 =	vbroadcast v2, $0xF;
	v27 =	vld [tilespmem:$0x5290];
	v26 =	vmul.f32 v50, v21;
	[tilespmem:$0x51F0] =	vst v20  }
0x8f: {  	v30 =	vld [tilespmem:$0x52A0];
	v28 =	vmul.f32 v53, v24;
	[tilespmem:$0x5200] =	vst v23;
	v29 =	vbroadcast v9, $0x0  }
0x90: {  	v33 =	vld [tilespmem:$0x52B0];
	v31 =	vmul.f32 v56, v2;
	[tilespmem:$0x5210] =	vst v26;
	v32 =	vbroadcast v9, $0x1  }
0x91: {  	v36 =	vld [tilespmem:$0x52C0];
	[tilespmem:$0x5220] =	vst v28;
	v35 =	vbroadcast v9, $0x2;
	v34 =	vmul.f32 v29, v61  }
0x92: {  	v15 =	vld [tilespmem:$0x5450];
	[tilespmem:$0x5230] =	vst v31;
	v38 =	vbroadcast v9, $0x3;
	v37 =	vmul.f32 v16, v32  }
0x93: {  	v39 =	vld [tilespmem:$0x52D0];
	v41 =	vbroadcast v9, $0x4;
	v40 =	vmul.f32 v19, v35;
	[tilespmem:$0x5240] =	vst v34  }
0x94: {  	v7 =	vld [tilespmem:$0x5110];
	v44 =	vbroadcast v9, $0x5;
	v43 =	vmul.f32 v22, v38;
	[tilespmem:$0x5250] =	vst v37  }
0x95: {  	v8 =	vld [tilespmem:$0x5120];
	v47 =	vbroadcast v9, $0x6;
	v46 =	vmul.f32 v25, v41;
	[tilespmem:$0x5260] =	vst v40  }
0x96: {  	v42 =	vld [tilespmem:$0x52E0];
	v50 =	vbroadcast v9, $0x7;
	v49 =	vmul.f32 v27, v44;
	[tilespmem:$0x5270] =	vst v43  }
0x97: {  	v62 =	vld [tilespmem:$0x5340];
	v53 =	vbroadcast v9, $0x8;
	v52 =	vmul.f32 v30, v47;
	[tilespmem:$0x5280] =	vst v46  }
0x98: {  	v17 =	vld [tilespmem:$0x5350];
	v56 =	vbroadcast v9, $0x9;
	v55 =	vmul.f32 v33, v50;
	[tilespmem:$0x5290] =	vst v49  }
0x99: {  	v45 =	vld [tilespmem:$0x52F0];
	v59 =	vbroadcast v9, $0xA;
	v58 =	vmul.f32 v36, v53;
	[tilespmem:$0x52A0] =	vst v52  }
0x9a: {  	v48 =	vld [tilespmem:$0x5300];
	v28 =	vbroadcast v7, $0x0;
	v60 =	vmul.f32 v39, v56;
	[tilespmem:$0x52B0] =	vst v55  }
0x9b: {  	v51 =	vld [tilespmem:$0x5310];
	v31 =	vbroadcast v7, $0x1;
	v63 =	vmul.f32 v42, v59;
	[tilespmem:$0x52C0] =	vst v58  }
0x9c: {  	v54 =	vld [tilespmem:$0x5320];
	v61 =	vbroadcast v9, $0xB;
	v33 =	vmul.f32 v28, v62;
	[tilespmem:$0x52D0] =	vst v60  }
0x9d: {  	v57 =	vld [tilespmem:$0x5330];
	v16 =	vbroadcast v9, $0xC;
	v36 =	vmul.f32 v17, v31;
	[tilespmem:$0x52E0] =	vst v63  }
0x9e: {  	v20 =	vld [tilespmem:$0x5360];
	v19 =	vbroadcast v9, $0xD;
	v18 =	vmul.f32 v45, v61;
	[tilespmem:$0x5340] =	vst v33  }
0x9f: {  	v23 =	vld [tilespmem:$0x5370];
	v22 =	vbroadcast v9, $0xE;
	v21 =	vmul.f32 v48, v16;
	[tilespmem:$0x5350] =	vst v36  }
0xa0: {  	v26 =	vld [tilespmem:$0x5380];
	v25 =	vbroadcast v9, $0xF;
	v24 =	vmul.f32 v51, v19;
	[tilespmem:$0x52F0] =	vst v18  }
0xa1: {  	v29 =	vld [tilespmem:$0x5390];
	v27 =	vmul.f32 v54, v22;
	v34 =	vbroadcast v7, $0x2;
	[tilespmem:$0x5300] =	vst v21  }
0xa2: {  	v32 =	vld [tilespmem:$0x53A0];
	v30 =	vmul.f32 v57, v25;
	v37 =	vbroadcast v7, $0x3;
	[tilespmem:$0x5310] =	vst v24  }
0xa3: {  	v35 =	vld [tilespmem:$0x53B0];
	v40 =	vbroadcast v7, $0x4;
	[tilespmem:$0x5320] =	vst v27;
	v39 =	vmul.f32 v20, v34  }
0xa4: {  	v38 =	vld [tilespmem:$0x53C0];
	v43 =	vbroadcast v7, $0x5;
	[tilespmem:$0x5330] =	vst v30;
	v42 =	vmul.f32 v23, v37  }
0xa5: {  	v41 =	vld [tilespmem:$0x53D0];
	v46 =	vbroadcast v7, $0x6;
	v45 =	vmul.f32 v26, v40;
	[tilespmem:$0x5360] =	vst v39  }
0xa6: {  	v44 =	vld [tilespmem:$0x53E0];
	v49 =	vbroadcast v7, $0x7;
	v48 =	vmul.f32 v29, v43;
	[tilespmem:$0x5370] =	vst v42  }
0xa7: {  	v47 =	vld [tilespmem:$0x53F0];
	v52 =	vbroadcast v7, $0x8;
	v51 =	vmul.f32 v32, v46;
	[tilespmem:$0x5380] =	vst v45  }
0xa8: {  	v50 =	vld [tilespmem:$0x5400];
	v55 =	vbroadcast v7, $0x9;
	v54 =	vmul.f32 v35, v49;
	[tilespmem:$0x5390] =	vst v48  }
0xa9: {  	v53 =	vld [tilespmem:$0x5410];
	v58 =	vbroadcast v7, $0xA;
	v57 =	vmul.f32 v38, v52;
	[tilespmem:$0x53A0] =	vst v51  }
0xaa: {  	v56 =	vld [tilespmem:$0x5420];
	v61 =	vbroadcast v7, $0xB;
	v60 =	vmul.f32 v41, v55;
	[tilespmem:$0x53B0] =	vst v54  }
0xab: {  	v59 =	vld [tilespmem:$0x5430];
	v63 =	vbroadcast v7, $0xC;
	v62 =	vmul.f32 v44, v58;
	[tilespmem:$0x53C0] =	vst v57  }
0xac: {  	v12 =	vld [tilespmem:$0x5440];
	v14 =	vbroadcast v7, $0xD;
	v13 =	vmul.f32 v47, v61;
	[tilespmem:$0x53D0] =	vst v60  }
0xad: {  	v6 =	vld [tilespmem:$0x5130];
	v17 =	vbroadcast v7, $0xE;
	v16 =	vmul.f32 v50, v63;
	[tilespmem:$0x53E0] =	vst v62  }
0xae: {  	v33 =	vld [tilespmem:$0x54B0];
	v20 =	vbroadcast v7, $0xF;
	v19 =	vmul.f32 v53, v14;
	[tilespmem:$0x53F0] =	vst v13  }
0xaf: {  	v36 =	vld [tilespmem:$0x54C0];
	v23 =	vbroadcast v8, $0x0;
	v22 =	vmul.f32 v56, v17;
	[tilespmem:$0x5400] =	vst v16  }
0xb0: {  	v18 =	vld [tilespmem:$0x5460];
	v26 =	vbroadcast v8, $0x1;
	v25 =	vmul.f32 v59, v20;
	[tilespmem:$0x5410] =	vst v19  }
0xb1: {  	v21 =	vld [tilespmem:$0x5470];
	v44 =	vbroadcast v8, $0x7;
	v28 =	vmul.f32 v23, v12;
	[tilespmem:$0x5420] =	vst v22  }
0xb2: {  	v24 =	vld [tilespmem:$0x5480];
	v47 =	vbroadcast v8, $0x8;
	v31 =	vmul.f32 v15, v26;
	[tilespmem:$0x5430] =	vst v25  }
0xb3: {  	v27 =	vld [tilespmem:$0x5490];
	v29 =	vbroadcast v8, $0x2;
	v49 =	vmul.f32 v33, v44;
	[tilespmem:$0x5440] =	vst v28  }
0xb4: {  	v30 =	vld [tilespmem:$0x54A0];
	v32 =	vbroadcast v8, $0x3;
	v52 =	vmul.f32 v36, v47;
	[tilespmem:$0x5450] =	vst v31  }
0xb5: {  	v35 =	vbroadcast v8, $0x4;
	v39 =	vld [tilespmem:$0x54D0];
	v34 =	vmul.f32 v18, v29;
	[tilespmem:$0x54B0] =	vst v49  }
0xb6: {  	v38 =	vbroadcast v8, $0x5;
	v42 =	vld [tilespmem:$0x54E0];
	v37 =	vmul.f32 v21, v32;
	[tilespmem:$0x54C0] =	vst v52  }
0xb7: {  	v41 =	vbroadcast v8, $0x6;
	v45 =	vld [tilespmem:$0x54F0];
	v40 =	vmul.f32 v24, v35;
	[tilespmem:$0x5460] =	vst v34  }
0xb8: {  	v50 =	vbroadcast v8, $0x9;
	v59 =	vld [tilespmem:$0x5530];
	v43 =	vmul.f32 v27, v38;
	[tilespmem:$0x5470] =	vst v37  }
0xb9: {  	v53 =	vbroadcast v8, $0xA;
	v48 =	vld [tilespmem:$0x5500];
	v46 =	vmul.f32 v30, v41;
	[tilespmem:$0x5480] =	vst v40  }
0xba: {  	v56 =	vbroadcast v8, $0xB;
	v51 =	vld [tilespmem:$0x5510];
	[tilespmem:$0x5490] =	vst v43;
	v55 =	vmul.f32 v39, v50  }
0xbb: {  	v15 =	vbroadcast v8, $0xF;
	v54 =	vld [tilespmem:$0x5520];
	[tilespmem:$0x54A0] =	vst v46;
	v57 =	vmul.f32 v42, v53  }
0xbc: {  	v58 =	vbroadcast v8, $0xC;
	v62 =	vld [tilespmem:$0x5540];
	v60 =	vmul.f32 v45, v56;
	[tilespmem:$0x54D0] =	vst v55  }
0xbd: {  	v61 =	vbroadcast v8, $0xD;
	v13 =	vld [tilespmem:$0x5550];
	v20 =	vmul.f32 v59, v15;
	[tilespmem:$0x54E0] =	vst v57  }
0xbe: {  	v12 =	vbroadcast v8, $0xE;
	v16 =	vld [tilespmem:$0x5560];
	v63 =	vmul.f32 v48, v58;
	[tilespmem:$0x54F0] =	vst v60  }
0xbf: {  	v19 =	vld [tilespmem:$0x5570];
	v18 =	vbroadcast v6, $0x0;
	v14 =	vmul.f32 v51, v61;
	[tilespmem:$0x5530] =	vst v20  }
0xc0: {  	v22 =	vld [tilespmem:$0x5580];
	v21 =	vbroadcast v6, $0x1;
	v17 =	vmul.f32 v54, v12;
	[tilespmem:$0x5500] =	vst v63  }
0xc1: {  	v25 =	vld [tilespmem:$0x5590];
	v24 =	vbroadcast v6, $0x2;
	v23 =	vmul.f32 v18, v62;
	[tilespmem:$0x5510] =	vst v14  }
0xc2: {  	v28 =	vld [tilespmem:$0x55A0];
	v27 =	vbroadcast v6, $0x3;
	v26 =	vmul.f32 v13, v21;
	[tilespmem:$0x5520] =	vst v17  }
0xc3: {  	v31 =	vld [tilespmem:$0x55B0];
	v30 =	vbroadcast v6, $0x4;
	v29 =	vmul.f32 v16, v24;
	[tilespmem:$0x5540] =	vst v23  }
0xc4: {  	v33 =	vbroadcast v6, $0x5;
	v52 =	vld [tilespmem:$0x5620];
	v32 =	vmul.f32 v19, v27;
	[tilespmem:$0x5550] =	vst v26  }
0xc5: {  	v36 =	vbroadcast v6, $0x6;
	v49 =	vld [tilespmem:$0x5610];
	v35 =	vmul.f32 v22, v30;
	[tilespmem:$0x5560] =	vst v29  }
0xc6: {  	v34 =	vld [tilespmem:$0x55C0];
	v39 =	vbroadcast v6, $0x7;
	v38 =	vmul.f32 v25, v33;
	[tilespmem:$0x5570] =	vst v32  }
0xc7: {  	v37 =	vld [tilespmem:$0x55D0];
	v59 =	vbroadcast v6, $0xE;
	v41 =	vmul.f32 v28, v36;
	[tilespmem:$0x5580] =	vst v35  }
0xc8: {  	v40 =	vld [tilespmem:$0x55E0];
	v44 =	vmul.f32 v31, v39;
	v57 =	vbroadcast v6, $0xD;
	[tilespmem:$0x5590] =	vst v38  }
0xc9: {  	v42 =	vbroadcast v6, $0x8;
	v43 =	vld [tilespmem:$0x55F0];
	v62 =	vmul.f32 v52, v59;
	[tilespmem:$0x55A0] =	vst v41  }
0xca: {  	v45 =	vbroadcast v6, $0x9;
	v46 =	vld [tilespmem:$0x5600];
	[tilespmem:$0x55B0] =	vst v44;
	v60 =	vmul.f32 v49, v57  }
0xcb: {  	v48 =	vbroadcast v6, $0xA;
	v55 =	vld [tilespmem:$0x5630];
	v47 =	vmul.f32 v34, v42;
	[tilespmem:$0x5620] =	vst v62  }
0xcc: {  	v51 =	vbroadcast v6, $0xB;
	v50 =	vmul.f32 v37, v45;
	[tilespmem:$0x5610] =	vst v60  }
0xcd: {  	v54 =	vbroadcast v6, $0xC;
	v53 =	vmul.f32 v40, v48;
	[tilespmem:$0x55C0] =	vst v47  }
0xce: {  	v61 =	vbroadcast v6, $0xF;
	v56 =	vmul.f32 v43, v51;
	[tilespmem:$0x55D0] =	vst v50  }
0xcf: {  	v58 =	vmul.f32 v46, v54;
	[tilespmem:$0x55E0] =	vst v53  }
0xd0: {  	[tilespmem:$0x55F0] =	vst v56;
	v63 =	vmul.f32 v55, v61  }
0xd1: {  	[tilespmem:$0x5600] =	vst v58  }
0xd2: {  	[tilespmem:$0x5630] =	vst v63  }
0xd3: {  	[spmem:s2] =	stream.indirect.scatter.add.f32 [tilespmem:s26], [sflag:$0x2], $0x1, s21, s23, $0xb8;
	[tilespmem:$0x80C0] =	vst v63  }
0xd4: {  	_ =	swait.ge [sflag:s15], $0x50  }
0xd5: {  	p1 =	sne.s32 s29, $0x4D8;
	[sflag:s15] =	ssyncset.done $0x0  }
.Ltmp0:
0xd6: {  	[sflag:s15] =	ssyncadd.s32 $0xFFFFFFB0;
	(pc) =	sbr.rel @p1 .LBB2_2-.Ltmp0, $4  }
0xd7: {  	[spmem:s1] =	stream.indirect.scatter.add.f32 [tilespmem:s24], [sflag:$0x2], $0x10, s21, s23, $0xb8;
	[tilespmem:$0x80C0] =	vst v63  }
0xd8: {  	_ =	swait.ge [sflag:s15], $0x500  }
0xd9: {  	[sflag:s15] =	ssyncset.done $0x0  }
0xda: {  	s29 =	sadd.s32 $0xA, s29;
	[sflag:s15] =	ssyncadd.s32 $0xFFFFFB00  }
0xdb: {  	[bflag:$0x0] =	sbarrier.arrive $0xFFFF;
	s29 =	sshrl.u32 @!p0 s1, $0x3  }
0xdc: {  	[hbm:s9], [sflag:s17] =	dma.local @!p0 [spmem:s29], $0x5000  }
0xdd: {  	s29 =	simm.s32 @!p0 $0x2  }
0xde: {  	s28 =	sadd.s32 $0x1, s28;
	_ =	swait.ge @!p0 [sflag:s29], $0x5000  }
0xdf: {  	p1 =	sne.s32 s28, s11;
	[sflag:s29] =	ssyncset.done @!p0 $0x0  }
.Ltmp1:
0xe0: {  	s30 =	sshrl.u32 @!p0 s2, $0x3;
	[sflag:s29] =	ssyncadd.s32 @!p0 $0xFFFFB000;
	(pc) =	sbr.rel @p1 .LBB2_1-.Ltmp1, $4  }
0xe1: {  	[hbm:s10], [sflag:s17] =	dma.local @!p0 [spmem:s30], $0x500  }
0xe2: {  	_ =	swait.ge @!p0 [sflag:s29], $0x500  }
0xe3: {  	[sflag:s29] =	ssyncset.done @!p0 $0x0  }
0xe4: {  	[sflag:s29] =	ssyncadd.s32 @!p0 $0xFFFFFB00  }
0xe5: {  	_ =	sfence.sel $0x180000  }
0xe6: {  	[bflag:$0x0] =	sbarrier.arrive $0xFFFF  }
0xe7: {  	_ =	strace $0x90000047  }
0xe8: {  	s0 =	sadd.s32 @!p0 $0x100000, s0;
	[bflag:$0x2] =	sbarrier.arrive $0xFFFF  }
0xe9: {  	[sflag:s0] =	ssyncadd.tile.s32 @!p0 $0x1;
	_ =	shalt  }
.Lfunc_end2:
_tile_overlayer_lowered:
.L_overlay_start_2:
0xea: {  	(tag) =	ssettag $0x2  }
0xeb: {  	s0 =	rddreg [dreg:$0x0];
	s2 =	stileid.u32  }
0xec: {  	s1 =	rddreg [dreg:$0x1];
	p0 =	sne.s32 s2, $0x0  }
0xed: {  	s3 =	rddreg [dreg:$0x2];
	[bflag:$0x3] =	sbarrier.arrive $0xFFFF;
	s2 =	simm.s32 @!p0 $0x1C02  }
0xee: {  	[timem:s3], [sflag:s2] =	dma.local @!p0 [hbm:s0], s1  }
0xef: {  	s0 =	simm.s32 @!p0 $0x2  }
0xf0: {  	_ =	swait.ge @!p0 [sflag:s0], s1  }
0xf1: {  	s1 =	ssub.s32 @!p0 $0x0, s1;
	[sflag:s0] =	ssyncset.done @!p0 $0x0  }
0xf2: {  	[sflag:s0] =	ssyncadd.s32 @!p0 s1  }
0xf3: {  	[bflag:$0x3] =	sbarrier.arrive $0xFFFF  }
0xf4: {  	_ =	shalt  }

</sc_bundles>
